<compile_context>
chip_gen: v7x
topology: tpu7x:2x2x1
jax: 0.10.2.dev20260603
libtpu: 0.0.44.dev20260713+nightly
codegen_flags: <defaults>
</compile_context>

<pallas_src>
import jax
import jax.numpy as jnp
from jax import lax
from jax.experimental import pallas as pl
from jax.experimental.pallas import tpu as pltpu
from jax.experimental.pallas import tpu_sc as plsc

N = 4096
BN = 512

NC, NS = 1, 16
NW = NC * NS
SC_ROWS = 512
RW = SC_ROWS // NW
CH = 8
NCH = RW // CH
TC_ROWS = N - SC_ROWS



def _row_block_kernel(x_ref, xt_ref, adj_ref, wphi_ref, out_ref):
    s_row = jnp.sum(x_ref[...], axis=1, keepdims=True)
    s_col = jnp.sum(xt_ref[...], axis=0, keepdims=True)
    mu = jnp.mean(s_col)
    s_row_b = (s_row - mu).astype(jnp.bfloat16)
    s_col_b = (s_col - mu).astype(jnp.bfloat16)
    wmax = jnp.max(wphi_ref[...], axis=0, keepdims=True).astype(jnp.bfloat16)
    adjf = adj_ref[...].astype(jnp.bfloat16)
    contrib = (s_row_b - s_col_b) * (adjf * wmax)
    maxi = jnp.max(contrib, axis=1, keepdims=True).astype(jnp.float32)
    out_ref[...] = jnp.broadcast_to(maxi, out_ref.shape)


def _tc_rows(x, xt, adjacency_matrix, wphi):
    off = SC_ROWS // BN
    return pl.pallas_call(
        _row_block_kernel,
        grid=(TC_ROWS // BN,),
        in_specs=[
            pl.BlockSpec((BN, 3), lambda i: (i + off, 0)),
            pl.BlockSpec((3, N), lambda i: (0, 0)),
            pl.BlockSpec((BN, N), lambda i: (i + off, 0)),
            pl.BlockSpec((3, N), lambda i: (0, 0)),
        ],
        out_specs=pl.BlockSpec((BN, 3), lambda i: (i, 0)),
        out_shape=jax.ShapeDtypeStruct((TC_ROWS, 3), jnp.float32),
        compiler_params=pltpu.CompilerParams(
            dimension_semantics=("arbitrary",),
        ),
    )(x, xt, adjacency_matrix, wphi)



def _sc_body(adj_hbm, svec_hbm, wm_hbm, u_hbm, out_hbm,
             b0, b1, wm_v, u_v, srow_v, out_v, sem0, sem1):
    cid = lax.axis_index("c")
    sid = lax.axis_index("s")
    wid = sid * NC + cid
    base = wid * RW
    bufs = (b0, b1)
    sems = (sem0, sem1)
    maxima = []
    copies = [pltpu.async_copy(adj_hbm.at[pl.ds(base, CH), :], bufs[0], sems[0])]
    pltpu.sync_copy(wm_hbm, wm_v)
    pltpu.sync_copy(u_hbm, u_v)
    pltpu.sync_copy(svec_hbm.at[pl.ds(base, RW)], srow_v)
    svecs = [srow_v[pl.ds(16 * k, 16)] for k in range(RW // 16)]
    for c in range(NCH):
        if c + 1 < NCH:
            copies.append(pltpu.async_copy(
                adj_hbm.at[pl.ds(base + (c + 1) * CH, CH), :],
                bufs[(c + 1) % 2], sems[(c + 1) % 2]))
        copies[c].wait()
        buf = bufs[c % 2]
        svals = [svecs[(c * CH + r) // 16][(c * CH + r) % 16] for r in range(CH)]

        def body(i, accs, buf=buf, svals=svals):
            sl = pl.ds(pl.multiple_of(i * 16, 16), 16)
            w = wm_v[sl]
            uu = u_v[sl]
            out = []
            for r in range(CH):
                af = buf[r, sl].astype(jnp.float32)
                out.append(jnp.maximum(accs[r], (svals[r] * w - uu) * af))
            return tuple(out)

        accs = lax.fori_loop(
            0, N // 16, body,
            tuple(jnp.zeros((16,), jnp.float32) for _ in range(CH)),
            unroll=2)
        maxima.extend(accs)
    lane = lax.iota(jnp.int32, 16)

    def _permute(v, idx):
        return lax.gather(
            v, idx[:, None],
            lax.GatherDimensionNumbers(
                offset_dims=(), collapsed_slice_dims=(0,),
                start_index_map=(0,)),
            slice_sizes=(1,),
            mode=lax.GatherScatterMode.PROMISE_IN_BOUNDS)

    def _allmax(v):
        for sh in (1, 2, 4, 8):
            v = jnp.maximum(v, _permute(v, lane ^ sh))
        return v

    for g in range(RW // 16):
        vec = jnp.zeros((16,), jnp.float32)
        for r in range(16):
            vec = jnp.where(lane == r, _allmax(maxima[g * 16 + r]), vec)
        out_v[pl.ds(16 * g, 16)] = vec
    pltpu.sync_copy(out_v, out_hbm.at[pl.ds(base, RW)])


_sc_rows = pl.kernel(
    _sc_body,
    out_type=jax.ShapeDtypeStruct((SC_ROWS,), jnp.float32),
    mesh=plsc.VectorSubcoreMesh(core_axis_name="c", subcore_axis_name="s",
                                num_cores=NC, num_subcores=NS),
    scratch_types=[
        pltpu.VMEM((CH, N), jnp.int32),
        pltpu.VMEM((CH, N), jnp.int32),
        pltpu.VMEM((N,), jnp.float32),
        pltpu.VMEM((N,), jnp.float32),
        pltpu.VMEM((RW,), jnp.float32),
        pltpu.VMEM((RW,), jnp.float32),
        pltpu.SemaphoreType.DMA,
        pltpu.SemaphoreType.DMA,
    ],
)



@jax.jit
def kernel(x, adjacency_matrix, W_phi, W_theta):
    del W_theta
    xt = x.T
    s = jnp.sum(x, axis=1)
    wm = jnp.max(W_phi, axis=0)
    u = s * wm
    sc_maxi = _sc_rows(adjacency_matrix, s, wm, u)
    tc_out = _tc_rows(x, xt, adjacency_matrix, W_phi)
    sc_out = jnp.broadcast_to(sc_maxi[:, None], (SC_ROWS, 3))
    return jnp.concatenate([sc_out, tc_out], axis=0)

# --- scband reference (transcript-rebuilt; emitter-appended) ---
"""Pipeline reference for scband-dev-conv-layer-21260088115929 (READ-ONLY COPY).

The authoritative reference and input builder live on the scoring server;
editing this copy changes nothing except your own understanding.
"""

import jax, jax.numpy as jnp
import numpy as np

N = 4096
IN_CH = 3
OUT_CH = 4096


def setup_inputs(seed: int = 0) -> dict:
    key = jax.random.key(seed)
    k1, k2, k3, k4 = jax.random.split(key, 4)
    x = jax.random.uniform(k1, (N, IN_CH), dtype=jnp.float32)
    adjacency_matrix = jax.random.randint(k2, (N, N), 0, 2, dtype=jnp.int32)
    # learned parameters per init_kwargs (torch.rand init)
    W_phi = jax.random.uniform(k3, (IN_CH, OUT_CH), dtype=jnp.float32)
    W_theta = jax.random.uniform(k4, (IN_CH, OUT_CH), dtype=jnp.float32)
    return {"x": x, "adjacency_matrix": adjacency_matrix, "W_phi": W_phi, "W_theta": W_theta}


def reference(x, adjacency_matrix, W_phi, W_theta):
    # Faithful vectorization of the per-node python loop.
    # temp[i, j] = sum_c (x[i,c] - x[j,c]) if A[i,j] != 0 else 0
    s = jnp.sum(x, axis=1)  # [N]
    diff = s[:, None] - s[None, :]  # [N, N]
    mask = adjacency_matrix != 0
    temp = jnp.where(mask, diff, jnp.float32(0.0))  # [N, N]
    # deviation_i = temp_i[None, :] * W_phi  (broadcast [N] * [3, N] -> [3, N])
    dev = temp[:, None, :] * W_phi[None, :, :]  # [N, 3, N]
    maxi = jnp.max(dev, axis=(1, 2))  # [N] = torch.max(deviation) per node
    # rows with no neighbors are skipped -> stay zero
    has_neighbors = jnp.sum(adjacency_matrix, axis=1) > 0
    maxi = jnp.where(has_neighbors, maxi, jnp.float32(0.0))
    deviations = jnp.broadcast_to(maxi[:, None], x.shape)  # deviations[i] = maxi
    return deviations

if __name__ == "__main__":
    import jax
    _d = setup_inputs()
    print(jax.jit(kernel)(*tuple(_d.values())))

</pallas_src>

<mosaic_0001>
#map = affine_map<(d0, d1) -> (0, 0)>
#map1 = affine_map<(d0, d1) -> (0)>
module attributes {stable_mosaic.version = 14 : i64} {
  func.func @_sc_body(%arg0: i32, %arg1: i32, %arg2: memref<4096x4096xi32, #tpu.memory_space<hbm>>, %arg3: memref<4096xf32, #tpu.memory_space<hbm>>, %arg4: memref<4096xf32, #tpu.memory_space<hbm>>, %arg5: memref<4096xf32, #tpu.memory_space<hbm>>, %arg6: memref<512xf32, #tpu.memory_space<hbm>>, %arg7: memref<8x4096xi32, #tpu.memory_space<vmem>>, %arg8: memref<8x4096xi32, #tpu.memory_space<vmem>>, %arg9: memref<4096xf32, #tpu.memory_space<vmem>>, %arg10: memref<4096xf32, #tpu.memory_space<vmem>>, %arg11: memref<32xf32, #tpu.memory_space<vmem>>, %arg12: memref<32xf32, #tpu.memory_space<vmem>>, %arg13: memref<!tpu.dma_semaphore, #tpu.memory_space<semaphore_mem>>, %arg14: memref<!tpu.dma_semaphore, #tpu.memory_space<semaphore_mem>>) attributes {dimension_semantics = [#tpu.dimension_semantics<core_parallel>, #tpu.dimension_semantics<subcore_parallel>], iteration_bounds = array<i64: 1, 16>, scalar_prefetch = 0 : i64, scratch_operands = 8 : i64, tpu.core_type = #tpu.core_type<sc_vector_subcore>, window_params = [{transform_indices = #map}, {transform_indices = #map1}, {transform_indices = #map1}, {transform_indices = #map1}, {transform_indices = #map1}]} {
    %mul3A = arith.constant 1 : i32
    %mul3A_0 = arith.muli %arg1, %mul3A : i32
    %add3A = arith.addi %mul3A_0, %arg0 : i32
    %mul3A_1 = arith.constant 32 : i32
    %mul3A_2 = arith.muli %add3A, %mul3A_1 : i32
    %dma_start3A = arith.constant 0 : i32
    %dma_start3A_3 = tpu.memref_slice %arg2[%mul3A_2, %dma_start3A] : memref<4096x4096xi32, #tpu.memory_space<hbm>> -> memref<8x4096xi32, #tpu.memory_space<hbm>>
    %dma_start3A_4 = arith.constant 0 : i32
    %dma_start3A_5 = tpu.memref_slice %arg2[%mul3A_2, %dma_start3A_4] : memref<4096x4096xi32, #tpu.memory_space<hbm>> -> memref<8x4096xi32, #tpu.memory_space<hbm>>
    tpu.enqueue_dma source(%dma_start3A_5 : memref<8x4096xi32, #tpu.memory_space<hbm>>) target(%arg7 : memref<8x4096xi32, #tpu.memory_space<vmem>>) target_semaphore(%arg13 : memref<!tpu.dma_semaphore, #tpu.memory_space<semaphore_mem>>)
    "tpu.region"() ({
      %run_scoped3A = tpu.sem_alloc : memref<!tpu.dma_semaphore, #tpu.memory_space<semaphore_mem>>
      tpu.enqueue_dma source(%arg4 : memref<4096xf32, #tpu.memory_space<hbm>>) target(%arg9 : memref<4096xf32, #tpu.memory_space<vmem>>) target_semaphore(%run_scoped3A : memref<!tpu.dma_semaphore, #tpu.memory_space<semaphore_mem>>)
      tpu.wait_dma2 semaphore(%run_scoped3A : memref<!tpu.dma_semaphore, #tpu.memory_space<semaphore_mem>>) src(%arg4 : memref<4096xf32, #tpu.memory_space<hbm>>) dst(%arg9 : memref<4096xf32, #tpu.memory_space<vmem>>)
      tpu.yield
    }) : () -> ()
    "tpu.region"() ({
      %run_scoped3A = tpu.sem_alloc : memref<!tpu.dma_semaphore, #tpu.memory_space<semaphore_mem>>
      tpu.enqueue_dma source(%arg5 : memref<4096xf32, #tpu.memory_space<hbm>>) target(%arg10 : memref<4096xf32, #tpu.memory_space<vmem>>) target_semaphore(%run_scoped3A : memref<!tpu.dma_semaphore, #tpu.memory_space<semaphore_mem>>)
      tpu.wait_dma2 semaphore(%run_scoped3A : memref<!tpu.dma_semaphore, #tpu.memory_space<semaphore_mem>>) src(%arg5 : memref<4096xf32, #tpu.memory_space<hbm>>) dst(%arg10 : memref<4096xf32, #tpu.memory_space<vmem>>)
      tpu.yield
    }) : () -> ()
    "tpu.region"() ({
      %run_scoped3A = tpu.sem_alloc : memref<!tpu.dma_semaphore, #tpu.memory_space<semaphore_mem>>
      %dma_start3A_1222 = tpu.memref_slice %arg3[%mul3A_2] : memref<4096xf32, #tpu.memory_space<hbm>> -> memref<32xf32, #tpu.memory_space<hbm>>
      %dma_start3A_1223 = tpu.memref_slice %arg3[%mul3A_2] : memref<4096xf32, #tpu.memory_space<hbm>> -> memref<32xf32, #tpu.memory_space<hbm>>
      tpu.enqueue_dma source(%dma_start3A_1223 : memref<32xf32, #tpu.memory_space<hbm>>) target(%arg11 : memref<32xf32, #tpu.memory_space<vmem>>) target_semaphore(%run_scoped3A : memref<!tpu.dma_semaphore, #tpu.memory_space<semaphore_mem>>)
      %dma_wait3A_1224 = tpu.memref_slice %arg3[%mul3A_2] : memref<4096xf32, #tpu.memory_space<hbm>> -> memref<32xf32, #tpu.memory_space<hbm>>
      %dma_wait3A_1225 = tpu.memref_slice %arg3[%mul3A_2] : memref<4096xf32, #tpu.memory_space<hbm>> -> memref<32xf32, #tpu.memory_space<hbm>>
      tpu.wait_dma2 semaphore(%run_scoped3A : memref<!tpu.dma_semaphore, #tpu.memory_space<semaphore_mem>>) src(%dma_wait3A_1225 : memref<32xf32, #tpu.memory_space<hbm>>) dst(%arg11 : memref<32xf32, #tpu.memory_space<vmem>>)
      tpu.yield
    }) : () -> ()
    %get3A = arith.constant 0 : index
    %get3A_6 = tpu.vector_load %arg11[%get3A] {strides = array<i32>} : memref<32xf32, #tpu.memory_space<vmem>>, vector<16xf32>,
    %get3A_7 = vector.shape_cast %get3A_6 : vector<16xf32> to vector<16xf32>
    %get3A_8 = arith.constant 16 : index
    %get3A_9 = tpu.vector_load %arg11[%get3A_8] {strides = array<i32>} : memref<32xf32, #tpu.memory_space<vmem>>, vector<16xf32>,
    %get3A_10 = vector.shape_cast %get3A_9 : vector<16xf32> to vector<16xf32>
    %add3A_11 = arith.constant 8 : i32
    %add3A_12 = arith.addi %mul3A_2, %add3A_11 : i32
    %dma_start3A_13 = arith.constant 0 : i32
    %dma_start3A_14 = tpu.memref_slice %arg2[%add3A_12, %dma_start3A_13] : memref<4096x4096xi32, #tpu.memory_space<hbm>> -> memref<8x4096xi32, #tpu.memory_space<hbm>>
    %dma_start3A_15 = arith.constant 0 : i32
    %dma_start3A_16 = tpu.memref_slice %arg2[%add3A_12, %dma_start3A_15] : memref<4096x4096xi32, #tpu.memory_space<hbm>> -> memref<8x4096xi32, #tpu.memory_space<hbm>>
    tpu.enqueue_dma source(%dma_start3A_16 : memref<8x4096xi32, #tpu.memory_space<hbm>>) target(%arg8 : memref<8x4096xi32, #tpu.memory_space<vmem>>) target_semaphore(%arg14 : memref<!tpu.dma_semaphore, #tpu.memory_space<semaphore_mem>>)
    %dma_wait3A = arith.constant 0 : i32
    %dma_wait3A_17 = tpu.memref_slice %arg2[%mul3A_2, %dma_wait3A] : memref<4096x4096xi32, #tpu.memory_space<hbm>> -> memref<8x4096xi32, #tpu.memory_space<hbm>>
    %dma_wait3A_18 = arith.constant 0 : i32
    %dma_wait3A_19 = tpu.memref_slice %arg2[%mul3A_2, %dma_wait3A_18] : memref<4096x4096xi32, #tpu.memory_space<hbm>> -> memref<8x4096xi32, #tpu.memory_space<hbm>>
    tpu.wait_dma2 semaphore(%arg13 : memref<!tpu.dma_semaphore, #tpu.memory_space<semaphore_mem>>) src(%dma_wait3A_19 : memref<8x4096xi32, #tpu.memory_space<hbm>>) dst(%arg7 : memref<8x4096xi32, #tpu.memory_space<vmem>>)
    %slice3A = vector.extract_strided_slice %get3A_7 {offsets = [0], sizes = [1], strides = [1]} : vector<16xf32> to vector<1xf32>
    %squeeze3A = vector.extract %slice3A[0] : f32 from vector<1xf32>
    %slice3A_20 = vector.extract_strided_slice %get3A_7 {offsets = [1], sizes = [1], strides = [1]} : vector<16xf32> to vector<1xf32>
    %squeeze3A_21 = vector.extract %slice3A_20[0] : f32 from vector<1xf32>
    %slice3A_22 = vector.extract_strided_slice %get3A_7 {offsets = [2], sizes = [1], strides = [1]} : vector<16xf32> to vector<1xf32>
    %squeeze3A_23 = vector.extract %slice3A_22[0] : f32 from vector<1xf32>
    %slice3A_24 = vector.extract_strided_slice %get3A_7 {offsets = [3], sizes = [1], strides = [1]} : vector<16xf32> to vector<1xf32>
    %squeeze3A_25 = vector.extract %slice3A_24[0] : f32 from vector<1xf32>
    %slice3A_26 = vector.extract_strided_slice %get3A_7 {offsets = [4], sizes = [1], strides = [1]} : vector<16xf32> to vector<1xf32>
    %squeeze3A_27 = vector.extract %slice3A_26[0] : f32 from vector<1xf32>
    %slice3A_28 = vector.extract_strided_slice %get3A_7 {offsets = [5], sizes = [1], strides = [1]} : vector<16xf32> to vector<1xf32>
    %squeeze3A_29 = vector.extract %slice3A_28[0] : f32 from vector<1xf32>
    %slice3A_30 = vector.extract_strided_slice %get3A_7 {offsets = [6], sizes = [1], strides = [1]} : vector<16xf32> to vector<1xf32>
    %squeeze3A_31 = vector.extract %slice3A_30[0] : f32 from vector<1xf32>
    %slice3A_32 = vector.extract_strided_slice %get3A_7 {offsets = [7], sizes = [1], strides = [1]} : vector<16xf32> to vector<1xf32>
    %squeeze3A_33 = vector.extract %slice3A_32[0] : f32 from vector<1xf32>
    %broadcast_in_dim3A = arith.constant 0.000000e+00 : f32
    %broadcast_in_dim3A_34 = vector.broadcast %broadcast_in_dim3A : f32 to vector<16xf32>
    %broadcast_in_dim3A_35 = arith.constant 0.000000e+00 : f32
    %broadcast_in_dim3A_36 = vector.broadcast %broadcast_in_dim3A_35 : f32 to vector<16xf32>
    %broadcast_in_dim3A_37 = arith.constant 0.000000e+00 : f32
    %broadcast_in_dim3A_38 = vector.broadcast %broadcast_in_dim3A_37 : f32 to vector<16xf32>
    %broadcast_in_dim3A_39 = arith.constant 0.000000e+00 : f32
    %broadcast_in_dim3A_40 = vector.broadcast %broadcast_in_dim3A_39 : f32 to vector<16xf32>
    %broadcast_in_dim3A_41 = arith.constant 0.000000e+00 : f32
    %broadcast_in_dim3A_42 = vector.broadcast %broadcast_in_dim3A_41 : f32 to vector<16xf32>
    %broadcast_in_dim3A_43 = arith.constant 0.000000e+00 : f32
    %broadcast_in_dim3A_44 = vector.broadcast %broadcast_in_dim3A_43 : f32 to vector<16xf32>
    %broadcast_in_dim3A_45 = arith.constant 0.000000e+00 : f32
    %broadcast_in_dim3A_46 = vector.broadcast %broadcast_in_dim3A_45 : f32 to vector<16xf32>
    %broadcast_in_dim3A_47 = arith.constant 0.000000e+00 : f32
    %broadcast_in_dim3A_48 = vector.broadcast %broadcast_in_dim3A_47 : f32 to vector<16xf32>
    %scan3A = arith.constant 0 : i32
    %scan3A_49 = arith.constant 256 : i32
    %scan3A_50 = arith.addi %scan3A, %scan3A_49 : i32
    %scan3A_51 = arith.constant 2 : i32
    %scan3A_52:8 = scf.for %scan3A_1222 = %scan3A to %scan3A_50 step %scan3A_51 iter_args(%scan3A_1223 = %broadcast_in_dim3A_34, %scan3A_1224 = %broadcast_in_dim3A_36, %scan3A_1225 = %broadcast_in_dim3A_38, %scan3A_1226 = %broadcast_in_dim3A_40, %scan3A_1227 = %broadcast_in_dim3A_42, %scan3A_1228 = %broadcast_in_dim3A_44, %scan3A_1229 = %broadcast_in_dim3A_46, %scan3A_1230 = %broadcast_in_dim3A_48) -> (vector<16xf32>, vector<16xf32>, vector<16xf32>, vector<16xf32>, vector<16xf32>, vector<16xf32>, vector<16xf32>, vector<16xf32>)  : i32 {
      %mul3A_1231 = arith.constant 16 : i32
      %mul3A_1232 = arith.muli %scan3A_1222, %mul3A_1231 : i32
      %multiple_of3A = tpu.assume_multiple %mul3A_1232, 16 : i32
      %get3A_1233 = arith.index_cast %multiple_of3A : i32 to index
      %get3A_1234 = tpu.vector_load %arg9[%get3A_1233] {strides = array<i32>} : memref<4096xf32, #tpu.memory_space<vmem>>, vector<16xf32>,
      %get3A_1235 = vector.shape_cast %get3A_1234 : vector<16xf32> to vector<16xf32>
      %get3A_1236 = arith.index_cast %multiple_of3A : i32 to index
      %get3A_1237 = tpu.vector_load %arg10[%get3A_1236] {strides = array<i32>} : memref<4096xf32, #tpu.memory_space<vmem>>, vector<16xf32>,
      %get3A_1238 = vector.shape_cast %get3A_1237 : vector<16xf32> to vector<16xf32>
      %get3A_1239 = arith.constant 0 : i32
      %get3A_1240 = arith.index_cast %get3A_1239 : i32 to index
      %get3A_1241 = arith.index_cast %multiple_of3A : i32 to index
      %get3A_1242 = tpu.vector_load %arg7[%get3A_1240, %get3A_1241] {strides = array<i32>} : memref<8x4096xi32, #tpu.memory_space<vmem>>, vector<1x16xi32>,
      %get3A_1243 = vector.shape_cast %get3A_1242 : vector<1x16xi32> to vector<16xi32>
      %convert_element_type3A = arith.sitofp %get3A_1243 : vector<16xi32> to vector<16xf32>
      %mul3A_1244 = vector.broadcast %squeeze3A : f32 to vector<16xf32>
      %mul3A_1245 = arith.mulf %mul3A_1244, %get3A_1235 : vector<16xf32>
      %sub3A = arith.subf %mul3A_1245, %get3A_1238 : vector<16xf32>
      %mul3A_1246 = arith.mulf %sub3A, %convert_element_type3A : vector<16xf32>
      %max3A_1247 = arith.maximumf %scan3A_1223, %mul3A_1246 : vector<16xf32>
      %get3A_1248 = arith.constant 1 : i32
      %get3A_1249 = arith.index_cast %get3A_1248 : i32 to index
      %get3A_1250 = arith.index_cast %multiple_of3A : i32 to index
      %get3A_1251 = tpu.vector_load %arg7[%get3A_1249, %get3A_1250] {strides = array<i32>} : memref<8x4096xi32, #tpu.memory_space<vmem>>, vector<1x16xi32>,
      %get3A_1252 = vector.shape_cast %get3A_1251 : vector<1x16xi32> to vector<16xi32>
      %convert_element_type3A_1253 = arith.sitofp %get3A_1252 : vector<16xi32> to vector<16xf32>
      %mul3A_1254 = vector.broadcast %squeeze3A_21 : f32 to vector<16xf32>
      %mul3A_1255 = arith.mulf %mul3A_1254, %get3A_1235 : vector<16xf32>
      %sub3A_1256 = arith.subf %mul3A_1255, %get3A_1238 : vector<16xf32>
      %mul3A_1257 = arith.mulf %sub3A_1256, %convert_element_type3A_1253 : vector<16xf32>
      %max3A_1258 = arith.maximumf %scan3A_1224, %mul3A_1257 : vector<16xf32>
      %get3A_1259 = arith.constant 2 : i32
      %get3A_1260 = arith.index_cast %get3A_1259 : i32 to index
      %get3A_1261 = arith.index_cast %multiple_of3A : i32 to index
      %get3A_1262 = tpu.vector_load %arg7[%get3A_1260, %get3A_1261] {strides = array<i32>} : memref<8x4096xi32, #tpu.memory_space<vmem>>, vector<1x16xi32>,
      %get3A_1263 = vector.shape_cast %get3A_1262 : vector<1x16xi32> to vector<16xi32>
      %convert_element_type3A_1264 = arith.sitofp %get3A_1263 : vector<16xi32> to vector<16xf32>
      %mul3A_1265 = vector.broadcast %squeeze3A_23 : f32 to vector<16xf32>
      %mul3A_1266 = arith.mulf %mul3A_1265, %get3A_1235 : vector<16xf32>
      %sub3A_1267 = arith.subf %mul3A_1266, %get3A_1238 : vector<16xf32>
      %mul3A_1268 = arith.mulf %sub3A_1267, %convert_element_type3A_1264 : vector<16xf32>
      %max3A_1269 = arith.maximumf %scan3A_1225, %mul3A_1268 : vector<16xf32>
      %get3A_1270 = arith.constant 3 : i32
      %get3A_1271 = arith.index_cast %get3A_1270 : i32 to index
      %get3A_1272 = arith.index_cast %multiple_of3A : i32 to index
      %get3A_1273 = tpu.vector_load %arg7[%get3A_1271, %get3A_1272] {strides = array<i32>} : memref<8x4096xi32, #tpu.memory_space<vmem>>, vector<1x16xi32>,
      %get3A_1274 = vector.shape_cast %get3A_1273 : vector<1x16xi32> to vector<16xi32>
      %convert_element_type3A_1275 = arith.sitofp %get3A_1274 : vector<16xi32> to vector<16xf32>
      %mul3A_1276 = vector.broadcast %squeeze3A_25 : f32 to vector<16xf32>
      %mul3A_1277 = arith.mulf %mul3A_1276, %get3A_1235 : vector<16xf32>
      %sub3A_1278 = arith.subf %mul3A_1277, %get3A_1238 : vector<16xf32>
      %mul3A_1279 = arith.mulf %sub3A_1278, %convert_element_type3A_1275 : vector<16xf32>
      %max3A_1280 = arith.maximumf %scan3A_1226, %mul3A_1279 : vector<16xf32>
      %get3A_1281 = arith.constant 4 : i32
      %get3A_1282 = arith.index_cast %get3A_1281 : i32 to index
      %get3A_1283 = arith.index_cast %multiple_of3A : i32 to index
      %get3A_1284 = tpu.vector_load %arg7[%get3A_1282, %get3A_1283] {strides = array<i32>} : memref<8x4096xi32, #tpu.memory_space<vmem>>, vector<1x16xi32>,
      %get3A_1285 = vector.shape_cast %get3A_1284 : vector<1x16xi32> to vector<16xi32>
      %convert_element_type3A_1286 = arith.sitofp %get3A_1285 : vector<16xi32> to vector<16xf32>
      %mul3A_1287 = vector.broadcast %squeeze3A_27 : f32 to vector<16xf32>
      %mul3A_1288 = arith.mulf %mul3A_1287, %get3A_1235 : vector<16xf32>
      %sub3A_1289 = arith.subf %mul3A_1288, %get3A_1238 : vector<16xf32>
      %mul3A_1290 = arith.mulf %sub3A_1289, %convert_element_type3A_1286 : vector<16xf32>
      %max3A_1291 = arith.maximumf %scan3A_1227, %mul3A_1290 : vector<16xf32>
      %get3A_1292 = arith.constant 5 : i32
      %get3A_1293 = arith.index_cast %get3A_1292 : i32 to index
      %get3A_1294 = arith.index_cast %multiple_of3A : i32 to index
      %get3A_1295 = tpu.vector_load %arg7[%get3A_1293, %get3A_1294] {strides = array<i32>} : memref<8x4096xi32, #tpu.memory_space<vmem>>, vector<1x16xi32>,
      %get3A_1296 = vector.shape_cast %get3A_1295 : vector<1x16xi32> to vector<16xi32>
      %convert_element_type3A_1297 = arith.sitofp %get3A_1296 : vector<16xi32> to vector<16xf32>
      %mul3A_1298 = vector.broadcast %squeeze3A_29 : f32 to vector<16xf32>
      %mul3A_1299 = arith.mulf %mul3A_1298, %get3A_1235 : vector<16xf32>
      %sub3A_1300 = arith.subf %mul3A_1299, %get3A_1238 : vector<16xf32>
      %mul3A_1301 = arith.mulf %sub3A_1300, %convert_element_type3A_1297 : vector<16xf32>
      %max3A_1302 = arith.maximumf %scan3A_1228, %mul3A_1301 : vector<16xf32>
      %get3A_1303 = arith.constant 6 : i32
      %get3A_1304 = arith.index_cast %get3A_1303 : i32 to index
      %get3A_1305 = arith.index_cast %multiple_of3A : i32 to index
      %get3A_1306 = tpu.vector_load %arg7[%get3A_1304, %get3A_1305] {strides = array<i32>} : memref<8x4096xi32, #tpu.memory_space<vmem>>, vector<1x16xi32>,
      %get3A_1307 = vector.shape_cast %get3A_1306 : vector<1x16xi32> to vector<16xi32>
      %convert_element_type3A_1308 = arith.sitofp %get3A_1307 : vector<16xi32> to vector<16xf32>
      %mul3A_1309 = vector.broadcast %squeeze3A_31 : f32 to vector<16xf32>
      %mul3A_1310 = arith.mulf %mul3A_1309, %get3A_1235 : vector<16xf32>
      %sub3A_1311 = arith.subf %mul3A_1310, %get3A_1238 : vector<16xf32>
      %mul3A_1312 = arith.mulf %sub3A_1311, %convert_element_type3A_1308 : vector<16xf32>
      %max3A_1313 = arith.maximumf %scan3A_1229, %mul3A_1312 : vector<16xf32>
      %get3A_1314 = arith.constant 7 : i32
      %get3A_1315 = arith.index_cast %get3A_1314 : i32 to index
      %get3A_1316 = arith.index_cast %multiple_of3A : i32 to index
      %get3A_1317 = tpu.vector_load %arg7[%get3A_1315, %get3A_1316] {strides = array<i32>} : memref<8x4096xi32, #tpu.memory_space<vmem>>, vector<1x16xi32>,
      %get3A_1318 = vector.shape_cast %get3A_1317 : vector<1x16xi32> to vector<16xi32>
      %convert_element_type3A_1319 = arith.sitofp %get3A_1318 : vector<16xi32> to vector<16xf32>
      %mul3A_1320 = vector.broadcast %squeeze3A_33 : f32 to vector<16xf32>
      %mul3A_1321 = arith.mulf %mul3A_1320, %get3A_1235 : vector<16xf32>
      %sub3A_1322 = arith.subf %mul3A_1321, %get3A_1238 : vector<16xf32>
      %mul3A_1323 = arith.mulf %sub3A_1322, %convert_element_type3A_1319 : vector<16xf32>
      %max3A_1324 = arith.maximumf %scan3A_1230, %mul3A_1323 : vector<16xf32>
      %scan3A_1325 = arith.constant 1 : i32
      %scan3A_1326 = arith.addi %scan3A_1222, %scan3A_1325 : i32
      %mul3A_1327 = arith.constant 16 : i32
      %mul3A_1328 = arith.muli %scan3A_1326, %mul3A_1327 : i32
      %multiple_of3A_1329 = tpu.assume_multiple %mul3A_1328, 16 : i32
      %get3A_1330 = arith.index_cast %multiple_of3A_1329 : i32 to index
      %get3A_1331 = tpu.vector_load %arg9[%get3A_1330] {strides = array<i32>} : memref<4096xf32, #tpu.memory_space<vmem>>, vector<16xf32>,
      %get3A_1332 = vector.shape_cast %get3A_1331 : vector<16xf32> to vector<16xf32>
      %get3A_1333 = arith.index_cast %multiple_of3A_1329 : i32 to index
      %get3A_1334 = tpu.vector_load %arg10[%get3A_1333] {strides = array<i32>} : memref<4096xf32, #tpu.memory_space<vmem>>, vector<16xf32>,
      %get3A_1335 = vector.shape_cast %get3A_1334 : vector<16xf32> to vector<16xf32>
      %get3A_1336 = arith.constant 0 : i32
      %get3A_1337 = arith.index_cast %get3A_1336 : i32 to index
      %get3A_1338 = arith.index_cast %multiple_of3A_1329 : i32 to index
      %get3A_1339 = tpu.vector_load %arg7[%get3A_1337, %get3A_1338] {strides = array<i32>} : memref<8x4096xi32, #tpu.memory_space<vmem>>, vector<1x16xi32>,
      %get3A_1340 = vector.shape_cast %get3A_1339 : vector<1x16xi32> to vector<16xi32>
      %convert_element_type3A_1341 = arith.sitofp %get3A_1340 : vector<16xi32> to vector<16xf32>
      %mul3A_1342 = vector.broadcast %squeeze3A : f32 to vector<16xf32>
      %mul3A_1343 = arith.mulf %mul3A_1342, %get3A_1332 : vector<16xf32>
      %sub3A_1344 = arith.subf %mul3A_1343, %get3A_1335 : vector<16xf32>
      %mul3A_1345 = arith.mulf %sub3A_1344, %convert_element_type3A_1341 : vector<16xf32>
      %max3A_1346 = arith.maximumf %max3A_1247, %mul3A_1345 : vector<16xf32>
      %get3A_1347 = arith.constant 1 : i32
      %get3A_1348 = arith.index_cast %get3A_1347 : i32 to index
      %get3A_1349 = arith.index_cast %multiple_of3A_1329 : i32 to index
      %get3A_1350 = tpu.vector_load %arg7[%get3A_1348, %get3A_1349] {strides = array<i32>} : memref<8x4096xi32, #tpu.memory_space<vmem>>, vector<1x16xi32>,
      %get3A_1351 = vector.shape_cast %get3A_1350 : vector<1x16xi32> to vector<16xi32>
      %convert_element_type3A_1352 = arith.sitofp %get3A_1351 : vector<16xi32> to vector<16xf32>
      %mul3A_1353 = vector.broadcast %squeeze3A_21 : f32 to vector<16xf32>
      %mul3A_1354 = arith.mulf %mul3A_1353, %get3A_1332 : vector<16xf32>
      %sub3A_1355 = arith.subf %mul3A_1354, %get3A_1335 : vector<16xf32>
      %mul3A_1356 = arith.mulf %sub3A_1355, %convert_element_type3A_1352 : vector<16xf32>
      %max3A_1357 = arith.maximumf %max3A_1258, %mul3A_1356 : vector<16xf32>
      %get3A_1358 = arith.constant 2 : i32
      %get3A_1359 = arith.index_cast %get3A_1358 : i32 to index
      %get3A_1360 = arith.index_cast %multiple_of3A_1329 : i32 to index
      %get3A_1361 = tpu.vector_load %arg7[%get3A_1359, %get3A_1360] {strides = array<i32>} : memref<8x4096xi32, #tpu.memory_space<vmem>>, vector<1x16xi32>,
      %get3A_1362 = vector.shape_cast %get3A_1361 : vector<1x16xi32> to vector<16xi32>
      %convert_element_type3A_1363 = arith.sitofp %get3A_1362 : vector<16xi32> to vector<16xf32>
      %mul3A_1364 = vector.broadcast %squeeze3A_23 : f32 to vector<16xf32>
      %mul3A_1365 = arith.mulf %mul3A_1364, %get3A_1332 : vector<16xf32>
      %sub3A_1366 = arith.subf %mul3A_1365, %get3A_1335 : vector<16xf32>
      %mul3A_1367 = arith.mulf %sub3A_1366, %convert_element_type3A_1363 : vector<16xf32>
      %max3A_1368 = arith.maximumf %max3A_1269, %mul3A_1367 : vector<16xf32>
      %get3A_1369 = arith.constant 3 : i32
      %get3A_1370 = arith.index_cast %get3A_1369 : i32 to index
      %get3A_1371 = arith.index_cast %multiple_of3A_1329 : i32 to index
      %get3A_1372 = tpu.vector_load %arg7[%get3A_1370, %get3A_1371] {strides = array<i32>} : memref<8x4096xi32, #tpu.memory_space<vmem>>, vector<1x16xi32>,
      %get3A_1373 = vector.shape_cast %get3A_1372 : vector<1x16xi32> to vector<16xi32>
      %convert_element_type3A_1374 = arith.sitofp %get3A_1373 : vector<16xi32> to vector<16xf32>
      %mul3A_1375 = vector.broadcast %squeeze3A_25 : f32 to vector<16xf32>
      %mul3A_1376 = arith.mulf %mul3A_1375, %get3A_1332 : vector<16xf32>
      %sub3A_1377 = arith.subf %mul3A_1376, %get3A_1335 : vector<16xf32>
      %mul3A_1378 = arith.mulf %sub3A_1377, %convert_element_type3A_1374 : vector<16xf32>
      %max3A_1379 = arith.maximumf %max3A_1280, %mul3A_1378 : vector<16xf32>
      %get3A_1380 = arith.constant 4 : i32
      %get3A_1381 = arith.index_cast %get3A_1380 : i32 to index
      %get3A_1382 = arith.index_cast %multiple_of3A_1329 : i32 to index
      %get3A_1383 = tpu.vector_load %arg7[%get3A_1381, %get3A_1382] {strides = array<i32>} : memref<8x4096xi32, #tpu.memory_space<vmem>>, vector<1x16xi32>,
      %get3A_1384 = vector.shape_cast %get3A_1383 : vector<1x16xi32> to vector<16xi32>
      %convert_element_type3A_1385 = arith.sitofp %get3A_1384 : vector<16xi32> to vector<16xf32>
      %mul3A_1386 = vector.broadcast %squeeze3A_27 : f32 to vector<16xf32>
      %mul3A_1387 = arith.mulf %mul3A_1386, %get3A_1332 : vector<16xf32>
      %sub3A_1388 = arith.subf %mul3A_1387, %get3A_1335 : vector<16xf32>
      %mul3A_1389 = arith.mulf %sub3A_1388, %convert_element_type3A_1385 : vector<16xf32>
      %max3A_1390 = arith.maximumf %max3A_1291, %mul3A_1389 : vector<16xf32>
      %get3A_1391 = arith.constant 5 : i32
      %get3A_1392 = arith.index_cast %get3A_1391 : i32 to index
      %get3A_1393 = arith.index_cast %multiple_of3A_1329 : i32 to index
      %get3A_1394 = tpu.vector_load %arg7[%get3A_1392, %get3A_1393] {strides = array<i32>} : memref<8x4096xi32, #tpu.memory_space<vmem>>, vector<1x16xi32>,
      %get3A_1395 = vector.shape_cast %get3A_1394 : vector<1x16xi32> to vector<16xi32>
      %convert_element_type3A_1396 = arith.sitofp %get3A_1395 : vector<16xi32> to vector<16xf32>
      %mul3A_1397 = vector.broadcast %squeeze3A_29 : f32 to vector<16xf32>
      %mul3A_1398 = arith.mulf %mul3A_1397, %get3A_1332 : vector<16xf32>
      %sub3A_1399 = arith.subf %mul3A_1398, %get3A_1335 : vector<16xf32>
      %mul3A_1400 = arith.mulf %sub3A_1399, %convert_element_type3A_1396 : vector<16xf32>
      %max3A_1401 = arith.maximumf %max3A_1302, %mul3A_1400 : vector<16xf32>
      %get3A_1402 = arith.constant 6 : i32
      %get3A_1403 = arith.index_cast %get3A_1402 : i32 to index
      %get3A_1404 = arith.index_cast %multiple_of3A_1329 : i32 to index
      %get3A_1405 = tpu.vector_load %arg7[%get3A_1403, %get3A_1404] {strides = array<i32>} : memref<8x4096xi32, #tpu.memory_space<vmem>>, vector<1x16xi32>,
      %get3A_1406 = vector.shape_cast %get3A_1405 : vector<1x16xi32> to vector<16xi32>
      %convert_element_type3A_1407 = arith.sitofp %get3A_1406 : vector<16xi32> to vector<16xf32>
      %mul3A_1408 = vector.broadcast %squeeze3A_31 : f32 to vector<16xf32>
      %mul3A_1409 = arith.mulf %mul3A_1408, %get3A_1332 : vector<16xf32>
      %sub3A_1410 = arith.subf %mul3A_1409, %get3A_1335 : vector<16xf32>
      %mul3A_1411 = arith.mulf %sub3A_1410, %convert_element_type3A_1407 : vector<16xf32>
      %max3A_1412 = arith.maximumf %max3A_1313, %mul3A_1411 : vector<16xf32>
      %get3A_1413 = arith.constant 7 : i32
      %get3A_1414 = arith.index_cast %get3A_1413 : i32 to index
      %get3A_1415 = arith.index_cast %multiple_of3A_1329 : i32 to index
      %get3A_1416 = tpu.vector_load %arg7[%get3A_1414, %get3A_1415] {strides = array<i32>} : memref<8x4096xi32, #tpu.memory_space<vmem>>, vector<1x16xi32>,
      %get3A_1417 = vector.shape_cast %get3A_1416 : vector<1x16xi32> to vector<16xi32>
      %convert_element_type3A_1418 = arith.sitofp %get3A_1417 : vector<16xi32> to vector<16xf32>
      %mul3A_1419 = vector.broadcast %squeeze3A_33 : f32 to vector<16xf32>
      %mul3A_1420 = arith.mulf %mul3A_1419, %get3A_1332 : vector<16xf32>
      %sub3A_1421 = arith.subf %mul3A_1420, %get3A_1335 : vector<16xf32>
      %mul3A_1422 = arith.mulf %sub3A_1421, %convert_element_type3A_1418 : vector<16xf32>
      %max3A_1423 = arith.maximumf %max3A_1324, %mul3A_1422 : vector<16xf32>
      scf.yield %max3A_1346, %max3A_1357, %max3A_1368, %max3A_1379, %max3A_1390, %max3A_1401, %max3A_1412, %max3A_1423 : vector<16xf32>, vector<16xf32>, vector<16xf32>, vector<16xf32>, vector<16xf32>, vector<16xf32>, vector<16xf32>, vector<16xf32>
    }
    %scan3A_53 = arith.constant 256 : i32
    %add3A_54 = arith.constant 16 : i32
    %add3A_55 = arith.addi %mul3A_2, %add3A_54 : i32
    %dma_start3A_56 = arith.constant 0 : i32
    %dma_start3A_57 = tpu.memref_slice %arg2[%add3A_55, %dma_start3A_56] : memref<4096x4096xi32, #tpu.memory_space<hbm>> -> memref<8x4096xi32, #tpu.memory_space<hbm>>
    %dma_start3A_58 = arith.constant 0 : i32
    %dma_start3A_59 = tpu.memref_slice %arg2[%add3A_55, %dma_start3A_58] : memref<4096x4096xi32, #tpu.memory_space<hbm>> -> memref<8x4096xi32, #tpu.memory_space<hbm>>
    tpu.enqueue_dma source(%dma_start3A_59 : memref<8x4096xi32, #tpu.memory_space<hbm>>) target(%arg7 : memref<8x4096xi32, #tpu.memory_space<vmem>>) target_semaphore(%arg13 : memref<!tpu.dma_semaphore, #tpu.memory_space<semaphore_mem>>)
    %dma_wait3A_60 = arith.constant 0 : i32
    %dma_wait3A_61 = tpu.memref_slice %arg2[%add3A_12, %dma_wait3A_60] : memref<4096x4096xi32, #tpu.memory_space<hbm>> -> memref<8x4096xi32, #tpu.memory_space<hbm>>
    %dma_wait3A_62 = arith.constant 0 : i32
    %dma_wait3A_63 = tpu.memref_slice %arg2[%add3A_12, %dma_wait3A_62] : memref<4096x4096xi32, #tpu.memory_space<hbm>> -> memref<8x4096xi32, #tpu.memory_space<hbm>>
    tpu.wait_dma2 semaphore(%arg14 : memref<!tpu.dma_semaphore, #tpu.memory_space<semaphore_mem>>) src(%dma_wait3A_63 : memref<8x4096xi32, #tpu.memory_space<hbm>>) dst(%arg8 : memref<8x4096xi32, #tpu.memory_space<vmem>>)
    %slice3A_64 = vector.extract_strided_slice %get3A_7 {offsets = [8], sizes = [1], strides = [1]} : vector<16xf32> to vector<1xf32>
    %squeeze3A_65 = vector.extract %slice3A_64[0] : f32 from vector<1xf32>
    %slice3A_66 = vector.extract_strided_slice %get3A_7 {offsets = [9], sizes = [1], strides = [1]} : vector<16xf32> to vector<1xf32>
    %squeeze3A_67 = vector.extract %slice3A_66[0] : f32 from vector<1xf32>
    %slice3A_68 = vector.extract_strided_slice %get3A_7 {offsets = [10], sizes = [1], strides = [1]} : vector<16xf32> to vector<1xf32>
    %squeeze3A_69 = vector.extract %slice3A_68[0] : f32 from vector<1xf32>
    %slice3A_70 = vector.extract_strided_slice %get3A_7 {offsets = [11], sizes = [1], strides = [1]} : vector<16xf32> to vector<1xf32>
    %squeeze3A_71 = vector.extract %slice3A_70[0] : f32 from vector<1xf32>
    %slice3A_72 = vector.extract_strided_slice %get3A_7 {offsets = [12], sizes = [1], strides = [1]} : vector<16xf32> to vector<1xf32>
    %squeeze3A_73 = vector.extract %slice3A_72[0] : f32 from vector<1xf32>
    %slice3A_74 = vector.extract_strided_slice %get3A_7 {offsets = [13], sizes = [1], strides = [1]} : vector<16xf32> to vector<1xf32>
    %squeeze3A_75 = vector.extract %slice3A_74[0] : f32 from vector<1xf32>
    %slice3A_76 = vector.extract_strided_slice %get3A_7 {offsets = [14], sizes = [1], strides = [1]} : vector<16xf32> to vector<1xf32>
    %squeeze3A_77 = vector.extract %slice3A_76[0] : f32 from vector<1xf32>
    %slice3A_78 = vector.extract_strided_slice %get3A_7 {offsets = [15], sizes = [1], strides = [1]} : vector<16xf32> to vector<1xf32>
    %squeeze3A_79 = vector.extract %slice3A_78[0] : f32 from vector<1xf32>
    %broadcast_in_dim3A_80 = arith.constant 0.000000e+00 : f32
    %broadcast_in_dim3A_81 = vector.broadcast %broadcast_in_dim3A_80 : f32 to vector<16xf32>
    %broadcast_in_dim3A_82 = arith.constant 0.000000e+00 : f32
    %broadcast_in_dim3A_83 = vector.broadcast %broadcast_in_dim3A_82 : f32 to vector<16xf32>
    %broadcast_in_dim3A_84 = arith.constant 0.000000e+00 : f32
    %broadcast_in_dim3A_85 = vector.broadcast %broadcast_in_dim3A_84 : f32 to vector<16xf32>
    %broadcast_in_dim3A_86 = arith.constant 0.000000e+00 : f32
    %broadcast_in_dim3A_87 = vector.broadcast %broadcast_in_dim3A_86 : f32 to vector<16xf32>
    %broadcast_in_dim3A_88 = arith.constant 0.000000e+00 : f32
    %broadcast_in_dim3A_89 = vector.broadcast %broadcast_in_dim3A_88 : f32 to vector<16xf32>
    %broadcast_in_dim3A_90 = arith.constant 0.000000e+00 : f32
    %broadcast_in_dim3A_91 = vector.broadcast %broadcast_in_dim3A_90 : f32 to vector<16xf32>
    %broadcast_in_dim3A_92 = arith.constant 0.000000e+00 : f32
    %broadcast_in_dim3A_93 = vector.broadcast %broadcast_in_dim3A_92 : f32 to vector<16xf32>
    %broadcast_in_dim3A_94 = arith.constant 0.000000e+00 : f32
    %broadcast_in_dim3A_95 = vector.broadcast %broadcast_in_dim3A_94 : f32 to vector<16xf32>
    %scan3A_96 = arith.constant 0 : i32
    %scan3A_97 = arith.constant 256 : i32
    %scan3A_98 = arith.addi %scan3A_96, %scan3A_97 : i32
    %scan3A_99 = arith.constant 2 : i32
    %scan3A_100:8 = scf.for %scan3A_1222 = %scan3A_96 to %scan3A_98 step %scan3A_99 iter_args(%scan3A_1223 = %broadcast_in_dim3A_81, %scan3A_1224 = %broadcast_in_dim3A_83, %scan3A_1225 = %broadcast_in_dim3A_85, %scan3A_1226 = %broadcast_in_dim3A_87, %scan3A_1227 = %broadcast_in_dim3A_89, %scan3A_1228 = %broadcast_in_dim3A_91, %scan3A_1229 = %broadcast_in_dim3A_93, %scan3A_1230 = %broadcast_in_dim3A_95) -> (vector<16xf32>, vector<16xf32>, vector<16xf32>, vector<16xf32>, vector<16xf32>, vector<16xf32>, vector<16xf32>, vector<16xf32>)  : i32 {
      %mul3A_1231 = arith.constant 16 : i32
      %mul3A_1232 = arith.muli %scan3A_1222, %mul3A_1231 : i32
      %multiple_of3A = tpu.assume_multiple %mul3A_1232, 16 : i32
      %get3A_1233 = arith.index_cast %multiple_of3A : i32 to index
      %get3A_1234 = tpu.vector_load %arg9[%get3A_1233] {strides = array<i32>} : memref<4096xf32, #tpu.memory_space<vmem>>, vector<16xf32>,
      %get3A_1235 = vector.shape_cast %get3A_1234 : vector<16xf32> to vector<16xf32>
      %get3A_1236 = arith.index_cast %multiple_of3A : i32 to index
      %get3A_1237 = tpu.vector_load %arg10[%get3A_1236] {strides = array<i32>} : memref<4096xf32, #tpu.memory_space<vmem>>, vector<16xf32>,
      %get3A_1238 = vector.shape_cast %get3A_1237 : vector<16xf32> to vector<16xf32>
      %get3A_1239 = arith.constant 0 : i32
      %get3A_1240 = arith.index_cast %get3A_1239 : i32 to index
      %get3A_1241 = arith.index_cast %multiple_of3A : i32 to index
      %get3A_1242 = tpu.vector_load %arg8[%get3A_1240, %get3A_1241] {strides = array<i32>} : memref<8x4096xi32, #tpu.memory_space<vmem>>, vector<1x16xi32>,
      %get3A_1243 = vector.shape_cast %get3A_1242 : vector<1x16xi32> to vector<16xi32>
      %convert_element_type3A = arith.sitofp %get3A_1243 : vector<16xi32> to vector<16xf32>
      %mul3A_1244 = vector.broadcast %squeeze3A_65 : f32 to vector<16xf32>
      %mul3A_1245 = arith.mulf %mul3A_1244, %get3A_1235 : vector<16xf32>
      %sub3A = arith.subf %mul3A_1245, %get3A_1238 : vector<16xf32>
      %mul3A_1246 = arith.mulf %sub3A, %convert_element_type3A : vector<16xf32>
      %max3A_1247 = arith.maximumf %scan3A_1223, %mul3A_1246 : vector<16xf32>
      %get3A_1248 = arith.constant 1 : i32
      %get3A_1249 = arith.index_cast %get3A_1248 : i32 to index
      %get3A_1250 = arith.index_cast %multiple_of3A : i32 to index
      %get3A_1251 = tpu.vector_load %arg8[%get3A_1249, %get3A_1250] {strides = array<i32>} : memref<8x4096xi32, #tpu.memory_space<vmem>>, vector<1x16xi32>,
      %get3A_1252 = vector.shape_cast %get3A_1251 : vector<1x16xi32> to vector<16xi32>
      %convert_element_type3A_1253 = arith.sitofp %get3A_1252 : vector<16xi32> to vector<16xf32>
      %mul3A_1254 = vector.broadcast %squeeze3A_67 : f32 to vector<16xf32>
      %mul3A_1255 = arith.mulf %mul3A_1254, %get3A_1235 : vector<16xf32>
      %sub3A_1256 = arith.subf %mul3A_1255, %get3A_1238 : vector<16xf32>
      %mul3A_1257 = arith.mulf %sub3A_1256, %convert_element_type3A_1253 : vector<16xf32>
      %max3A_1258 = arith.maximumf %scan3A_1224, %mul3A_1257 : vector<16xf32>
      %get3A_1259 = arith.constant 2 : i32
      %get3A_1260 = arith.index_cast %get3A_1259 : i32 to index
      %get3A_1261 = arith.index_cast %multiple_of3A : i32 to index
      %get3A_1262 = tpu.vector_load %arg8[%get3A_1260, %get3A_1261] {strides = array<i32>} : memref<8x4096xi32, #tpu.memory_space<vmem>>, vector<1x16xi32>,
      %get3A_1263 = vector.shape_cast %get3A_1262 : vector<1x16xi32> to vector<16xi32>
      %convert_element_type3A_1264 = arith.sitofp %get3A_1263 : vector<16xi32> to vector<16xf32>
      %mul3A_1265 = vector.broadcast %squeeze3A_69 : f32 to vector<16xf32>
      %mul3A_1266 = arith.mulf %mul3A_1265, %get3A_1235 : vector<16xf32>
      %sub3A_1267 = arith.subf %mul3A_1266, %get3A_1238 : vector<16xf32>
      %mul3A_1268 = arith.mulf %sub3A_1267, %convert_element_type3A_1264 : vector<16xf32>
      %max3A_1269 = arith.maximumf %scan3A_1225, %mul3A_1268 : vector<16xf32>
      %get3A_1270 = arith.constant 3 : i32
      %get3A_1271 = arith.index_cast %get3A_1270 : i32 to index
      %get3A_1272 = arith.index_cast %multiple_of3A : i32 to index
      %get3A_1273 = tpu.vector_load %arg8[%get3A_1271, %get3A_1272] {strides = array<i32>} : memref<8x4096xi32, #tpu.memory_space<vmem>>, vector<1x16xi32>,
      %get3A_1274 = vector.shape_cast %get3A_1273 : vector<1x16xi32> to vector<16xi32>
      %convert_element_type3A_1275 = arith.sitofp %get3A_1274 : vector<16xi32> to vector<16xf32>
      %mul3A_1276 = vector.broadcast %squeeze3A_71 : f32 to vector<16xf32>
      %mul3A_1277 = arith.mulf %mul3A_1276, %get3A_1235 : vector<16xf32>
      %sub3A_1278 = arith.subf %mul3A_1277, %get3A_1238 : vector<16xf32>
      %mul3A_1279 = arith.mulf %sub3A_1278, %convert_element_type3A_1275 : vector<16xf32>
      %max3A_1280 = arith.maximumf %scan3A_1226, %mul3A_1279 : vector<16xf32>
      %get3A_1281 = arith.constant 4 : i32
      %get3A_1282 = arith.index_cast %get3A_1281 : i32 to index
      %get3A_1283 = arith.index_cast %multiple_of3A : i32 to index
      %get3A_1284 = tpu.vector_load %arg8[%get3A_1282, %get3A_1283] {strides = array<i32>} : memref<8x4096xi32, #tpu.memory_space<vmem>>, vector<1x16xi32>,
      %get3A_1285 = vector.shape_cast %get3A_1284 : vector<1x16xi32> to vector<16xi32>
      %convert_element_type3A_1286 = arith.sitofp %get3A_1285 : vector<16xi32> to vector<16xf32>
      %mul3A_1287 = vector.broadcast %squeeze3A_73 : f32 to vector<16xf32>
      %mul3A_1288 = arith.mulf %mul3A_1287, %get3A_1235 : vector<16xf32>
      %sub3A_1289 = arith.subf %mul3A_1288, %get3A_1238 : vector<16xf32>
      %mul3A_1290 = arith.mulf %sub3A_1289, %convert_element_type3A_1286 : vector<16xf32>
      %max3A_1291 = arith.maximumf %scan3A_1227, %mul3A_1290 : vector<16xf32>
      %get3A_1292 = arith.constant 5 : i32
      %get3A_1293 = arith.index_cast %get3A_1292 : i32 to index
      %get3A_1294 = arith.index_cast %multiple_of3A : i32 to index
      %get3A_1295 = tpu.vector_load %arg8[%get3A_1293, %get3A_1294] {strides = array<i32>} : memref<8x4096xi32, #tpu.memory_space<vmem>>, vector<1x16xi32>,
      %get3A_1296 = vector.shape_cast %get3A_1295 : vector<1x16xi32> to vector<16xi32>
      %convert_element_type3A_1297 = arith.sitofp %get3A_1296 : vector<16xi32> to vector<16xf32>
      %mul3A_1298 = vector.broadcast %squeeze3A_75 : f32 to vector<16xf32>
      %mul3A_1299 = arith.mulf %mul3A_1298, %get3A_1235 : vector<16xf32>
      %sub3A_1300 = arith.subf %mul3A_1299, %get3A_1238 : vector<16xf32>
      %mul3A_1301 = arith.mulf %sub3A_1300, %convert_element_type3A_1297 : vector<16xf32>
      %max3A_1302 = arith.maximumf %scan3A_1228, %mul3A_1301 : vector<16xf32>
      %get3A_1303 = arith.constant 6 : i32
      %get3A_1304 = arith.index_cast %get3A_1303 : i32 to index
      %get3A_1305 = arith.index_cast %multiple_of3A : i32 to index
      %get3A_1306 = tpu.vector_load %arg8[%get3A_1304, %get3A_1305] {strides = array<i32>} : memref<8x4096xi32, #tpu.memory_space<vmem>>, vector<1x16xi32>,
      %get3A_1307 = vector.shape_cast %get3A_1306 : vector<1x16xi32> to vector<16xi32>
      %convert_element_type3A_1308 = arith.sitofp %get3A_1307 : vector<16xi32> to vector<16xf32>
      %mul3A_1309 = vector.broadcast %squeeze3A_77 : f32 to vector<16xf32>
      %mul3A_1310 = arith.mulf %mul3A_1309, %get3A_1235 : vector<16xf32>
      %sub3A_1311 = arith.subf %mul3A_1310, %get3A_1238 : vector<16xf32>
      %mul3A_1312 = arith.mulf %sub3A_1311, %convert_element_type3A_1308 : vector<16xf32>
      %max3A_1313 = arith.maximumf %scan3A_1229, %mul3A_1312 : vector<16xf32>
      %get3A_1314 = arith.constant 7 : i32
      %get3A_1315 = arith.index_cast %get3A_1314 : i32 to index
      %get3A_1316 = arith.index_cast %multiple_of3A : i32 to index
      %get3A_1317 = tpu.vector_load %arg8[%get3A_1315, %get3A_1316] {strides = array<i32>} : memref<8x4096xi32, #tpu.memory_space<vmem>>, vector<1x16xi32>,
      %get3A_1318 = vector.shape_cast %get3A_1317 : vector<1x16xi32> to vector<16xi32>
      %convert_element_type3A_1319 = arith.sitofp %get3A_1318 : vector<16xi32> to vector<16xf32>
      %mul3A_1320 = vector.broadcast %squeeze3A_79 : f32 to vector<16xf32>
      %mul3A_1321 = arith.mulf %mul3A_1320, %get3A_1235 : vector<16xf32>
      %sub3A_1322 = arith.subf %mul3A_1321, %get3A_1238 : vector<16xf32>
      %mul3A_1323 = arith.mulf %sub3A_1322, %convert_element_type3A_1319 : vector<16xf32>
      %max3A_1324 = arith.maximumf %scan3A_1230, %mul3A_1323 : vector<16xf32>
      %scan3A_1325 = arith.constant 1 : i32
      %scan3A_1326 = arith.addi %scan3A_1222, %scan3A_1325 : i32
      %mul3A_1327 = arith.constant 16 : i32
      %mul3A_1328 = arith.muli %scan3A_1326, %mul3A_1327 : i32
      %multiple_of3A_1329 = tpu.assume_multiple %mul3A_1328, 16 : i32
      %get3A_1330 = arith.index_cast %multiple_of3A_1329 : i32 to index
      %get3A_1331 = tpu.vector_load %arg9[%get3A_1330] {strides = array<i32>} : memref<4096xf32, #tpu.memory_space<vmem>>, vector<16xf32>,
      %get3A_1332 = vector.shape_cast %get3A_1331 : vector<16xf32> to vector<16xf32>
      %get3A_1333 = arith.index_cast %multiple_of3A_1329 : i32 to index
      %get3A_1334 = tpu.vector_load %arg10[%get3A_1333] {strides = array<i32>} : memref<4096xf32, #tpu.memory_space<vmem>>, vector<16xf32>,
      %get3A_1335 = vector.shape_cast %get3A_1334 : vector<16xf32> to vector<16xf32>
      %get3A_1336 = arith.constant 0 : i32
      %get3A_1337 = arith.index_cast %get3A_1336 : i32 to index
      %get3A_1338 = arith.index_cast %multiple_of3A_1329 : i32 to index
      %get3A_1339 = tpu.vector_load %arg8[%get3A_1337, %get3A_1338] {strides = array<i32>} : memref<8x4096xi32, #tpu.memory_space<vmem>>, vector<1x16xi32>,
      %get3A_1340 = vector.shape_cast %get3A_1339 : vector<1x16xi32> to vector<16xi32>
      %convert_element_type3A_1341 = arith.sitofp %get3A_1340 : vector<16xi32> to vector<16xf32>
      %mul3A_1342 = vector.broadcast %squeeze3A_65 : f32 to vector<16xf32>
      %mul3A_1343 = arith.mulf %mul3A_1342, %get3A_1332 : vector<16xf32>
      %sub3A_1344 = arith.subf %mul3A_1343, %get3A_1335 : vector<16xf32>
      %mul3A_1345 = arith.mulf %sub3A_1344, %convert_element_type3A_1341 : vector<16xf32>
      %max3A_1346 = arith.maximumf %max3A_1247, %mul3A_1345 : vector<16xf32>
      %get3A_1347 = arith.constant 1 : i32
      %get3A_1348 = arith.index_cast %get3A_1347 : i32 to index
      %get3A_1349 = arith.index_cast %multiple_of3A_1329 : i32 to index
      %get3A_1350 = tpu.vector_load %arg8[%get3A_1348, %get3A_1349] {strides = array<i32>} : memref<8x4096xi32, #tpu.memory_space<vmem>>, vector<1x16xi32>,
      %get3A_1351 = vector.shape_cast %get3A_1350 : vector<1x16xi32> to vector<16xi32>
      %convert_element_type3A_1352 = arith.sitofp %get3A_1351 : vector<16xi32> to vector<16xf32>
      %mul3A_1353 = vector.broadcast %squeeze3A_67 : f32 to vector<16xf32>
      %mul3A_1354 = arith.mulf %mul3A_1353, %get3A_1332 : vector<16xf32>
      %sub3A_1355 = arith.subf %mul3A_1354, %get3A_1335 : vector<16xf32>
      %mul3A_1356 = arith.mulf %sub3A_1355, %convert_element_type3A_1352 : vector<16xf32>
      %max3A_1357 = arith.maximumf %max3A_1258, %mul3A_1356 : vector<16xf32>
      %get3A_1358 = arith.constant 2 : i32
      %get3A_1359 = arith.index_cast %get3A_1358 : i32 to index
      %get3A_1360 = arith.index_cast %multiple_of3A_1329 : i32 to index
      %get3A_1361 = tpu.vector_load %arg8[%get3A_1359, %get3A_1360] {strides = array<i32>} : memref<8x4096xi32, #tpu.memory_space<vmem>>, vector<1x16xi32>,
      %get3A_1362 = vector.shape_cast %get3A_1361 : vector<1x16xi32> to vector<16xi32>
      %convert_element_type3A_1363 = arith.sitofp %get3A_1362 : vector<16xi32> to vector<16xf32>
      %mul3A_1364 = vector.broadcast %squeeze3A_69 : f32 to vector<16xf32>
      %mul3A_1365 = arith.mulf %mul3A_1364, %get3A_1332 : vector<16xf32>
      %sub3A_1366 = arith.subf %mul3A_1365, %get3A_1335 : vector<16xf32>
      %mul3A_1367 = arith.mulf %sub3A_1366, %convert_element_type3A_1363 : vector<16xf32>
      %max3A_1368 = arith.maximumf %max3A_1269, %mul3A_1367 : vector<16xf32>
      %get3A_1369 = arith.constant 3 : i32
      %get3A_1370 = arith.index_cast %get3A_1369 : i32 to index
      %get3A_1371 = arith.index_cast %multiple_of3A_1329 : i32 to index
      %get3A_1372 = tpu.vector_load %arg8[%get3A_1370, %get3A_1371] {strides = array<i32>} : memref<8x4096xi32, #tpu.memory_space<vmem>>, vector<1x16xi32>,
      %get3A_1373 = vector.shape_cast %get3A_1372 : vector<1x16xi32> to vector<16xi32>
      %convert_element_type3A_1374 = arith.sitofp %get3A_1373 : vector<16xi32> to vector<16xf32>
      %mul3A_1375 = vector.broadcast %squeeze3A_71 : f32 to vector<16xf32>
      %mul3A_1376 = arith.mulf %mul3A_1375, %get3A_1332 : vector<16xf32>
      %sub3A_1377 = arith.subf %mul3A_1376, %get3A_1335 : vector<16xf32>
      %mul3A_1378 = arith.mulf %sub3A_1377, %convert_element_type3A_1374 : vector<16xf32>
      %max3A_1379 = arith.maximumf %max3A_1280, %mul3A_1378 : vector<16xf32>
      %get3A_1380 = arith.constant 4 : i32
      %get3A_1381 = arith.index_cast %get3A_1380 : i32 to index
      %get3A_1382 = arith.index_cast %multiple_of3A_1329 : i32 to index
      %get3A_1383 = tpu.vector_load %arg8[%get3A_1381, %get3A_1382] {strides = array<i32>} : memref<8x4096xi32, #tpu.memory_space<vmem>>, vector<1x16xi32>,
      %get3A_1384 = vector.shape_cast %get3A_1383 : vector<1x16xi32> to vector<16xi32>
      %convert_element_type3A_1385 = arith.sitofp %get3A_1384 : vector<16xi32> to vector<16xf32>
      %mul3A_1386 = vector.broadcast %squeeze3A_73 : f32 to vector<16xf32>
      %mul3A_1387 = arith.mulf %mul3A_1386, %get3A_1332 : vector<16xf32>
      %sub3A_1388 = arith.subf %mul3A_1387, %get3A_1335 : vector<16xf32>
      %mul3A_1389 = arith.mulf %sub3A_1388, %convert_element_type3A_1385 : vector<16xf32>
      %max3A_1390 = arith.maximumf %max3A_1291, %mul3A_1389 : vector<16xf32>
      %get3A_1391 = arith.constant 5 : i32
      %get3A_1392 = arith.index_cast %get3A_1391 : i32 to index
      %get3A_1393 = arith.index_cast %multiple_of3A_1329 : i32 to index
      %get3A_1394 = tpu.vector_load %arg8[%get3A_1392, %get3A_1393] {strides = array<i32>} : memref<8x4096xi32, #tpu.memory_space<vmem>>, vector<1x16xi32>,
      %get3A_1395 = vector.shape_cast %get3A_1394 : vector<1x16xi32> to vector<16xi32>
      %convert_element_type3A_1396 = arith.sitofp %get3A_1395 : vector<16xi32> to vector<16xf32>
      %mul3A_1397 = vector.broadcast %squeeze3A_75 : f32 to vector<16xf32>
      %mul3A_1398 = arith.mulf %mul3A_1397, %get3A_1332 : vector<16xf32>
      %sub3A_1399 = arith.subf %mul3A_1398, %get3A_1335 : vector<16xf32>
      %mul3A_1400 = arith.mulf %sub3A_1399, %convert_element_type3A_1396 : vector<16xf32>
      %max3A_1401 = arith.maximumf %max3A_1302, %mul3A_1400 : vector<16xf32>
      %get3A_1402 = arith.constant 6 : i32
      %get3A_1403 = arith.index_cast %get3A_1402 : i32 to index
      %get3A_1404 = arith.index_cast %multiple_of3A_1329 : i32 to index
      %get3A_1405 = tpu.vector_load %arg8[%get3A_1403, %get3A_1404] {strides = array<i32>} : memref<8x4096xi32, #tpu.memory_space<vmem>>, vector<1x16xi32>,
      %get3A_1406 = vector.shape_cast %get3A_1405 : vector<1x16xi32> to vector<16xi32>
      %convert_element_type3A_1407 = arith.sitofp %get3A_1406 : vector<16xi32> to vector<16xf32>
      %mul3A_1408 = vector.broadcast %squeeze3A_77 : f32 to vector<16xf32>
      %mul3A_1409 = arith.mulf %mul3A_1408, %get3A_1332 : vector<16xf32>
      %sub3A_1410 = arith.subf %mul3A_1409, %get3A_1335 : vector<16xf32>
      %mul3A_1411 = arith.mulf %sub3A_1410, %convert_element_type3A_1407 : vector<16xf32>
      %max3A_1412 = arith.maximumf %max3A_1313, %mul3A_1411 : vector<16xf32>
      %get3A_1413 = arith.constant 7 : i32
      %get3A_1414 = arith.index_cast %get3A_1413 : i32 to index
      %get3A_1415 = arith.index_cast %multiple_of3A_1329 : i32 to index
      %get3A_1416 = tpu.vector_load %arg8[%get3A_1414, %get3A_1415] {strides = array<i32>} : memref<8x4096xi32, #tpu.memory_space<vmem>>, vector<1x16xi32>,
      %get3A_1417 = vector.shape_cast %get3A_1416 : vector<1x16xi32> to vector<16xi32>
      %convert_element_type3A_1418 = arith.sitofp %get3A_1417 : vector<16xi32> to vector<16xf32>
      %mul3A_1419 = vector.broadcast %squeeze3A_79 : f32 to vector<16xf32>
      %mul3A_1420 = arith.mulf %mul3A_1419, %get3A_1332 : vector<16xf32>
      %sub3A_1421 = arith.subf %mul3A_1420, %get3A_1335 : vector<16xf32>
      %mul3A_1422 = arith.mulf %sub3A_1421, %convert_element_type3A_1418 : vector<16xf32>
      %max3A_1423 = arith.maximumf %max3A_1324, %mul3A_1422 : vector<16xf32>
      scf.yield %max3A_1346, %max3A_1357, %max3A_1368, %max3A_1379, %max3A_1390, %max3A_1401, %max3A_1412, %max3A_1423 : vector<16xf32>, vector<16xf32>, vector<16xf32>, vector<16xf32>, vector<16xf32>, vector<16xf32>, vector<16xf32>, vector<16xf32>
    }
    %scan3A_101 = arith.constant 256 : i32
    %add3A_102 = arith.constant 24 : i32
    %add3A_103 = arith.addi %mul3A_2, %add3A_102 : i32
    %dma_start3A_104 = arith.constant 0 : i32
    %dma_start3A_105 = tpu.memref_slice %arg2[%add3A_103, %dma_start3A_104] : memref<4096x4096xi32, #tpu.memory_space<hbm>> -> memref<8x4096xi32, #tpu.memory_space<hbm>>
    %dma_start3A_106 = arith.constant 0 : i32
    %dma_start3A_107 = tpu.memref_slice %arg2[%add3A_103, %dma_start3A_106] : memref<4096x4096xi32, #tpu.memory_space<hbm>> -> memref<8x4096xi32, #tpu.memory_space<hbm>>
    tpu.enqueue_dma source(%dma_start3A_107 : memref<8x4096xi32, #tpu.memory_space<hbm>>) target(%arg8 : memref<8x4096xi32, #tpu.memory_space<vmem>>) target_semaphore(%arg14 : memref<!tpu.dma_semaphore, #tpu.memory_space<semaphore_mem>>)
    %dma_wait3A_108 = arith.constant 0 : i32
    %dma_wait3A_109 = tpu.memref_slice %arg2[%add3A_55, %dma_wait3A_108] : memref<4096x4096xi32, #tpu.memory_space<hbm>> -> memref<8x4096xi32, #tpu.memory_space<hbm>>
    %dma_wait3A_110 = arith.constant 0 : i32
    %dma_wait3A_111 = tpu.memref_slice %arg2[%add3A_55, %dma_wait3A_110] : memref<4096x4096xi32, #tpu.memory_space<hbm>> -> memref<8x4096xi32, #tpu.memory_space<hbm>>
    tpu.wait_dma2 semaphore(%arg13 : memref<!tpu.dma_semaphore, #tpu.memory_space<semaphore_mem>>) src(%dma_wait3A_111 : memref<8x4096xi32, #tpu.memory_space<hbm>>) dst(%arg7 : memref<8x4096xi32, #tpu.memory_space<vmem>>)
    %slice3A_112 = vector.extract_strided_slice %get3A_10 {offsets = [0], sizes = [1], strides = [1]} : vector<16xf32> to vector<1xf32>
    %squeeze3A_113 = vector.extract %slice3A_112[0] : f32 from vector<1xf32>
    %slice3A_114 = vector.extract_strided_slice %get3A_10 {offsets = [1], sizes = [1], strides = [1]} : vector<16xf32> to vector<1xf32>
    %squeeze3A_115 = vector.extract %slice3A_114[0] : f32 from vector<1xf32>
    %slice3A_116 = vector.extract_strided_slice %get3A_10 {offsets = [2], sizes = [1], strides = [1]} : vector<16xf32> to vector<1xf32>
    %squeeze3A_117 = vector.extract %slice3A_116[0] : f32 from vector<1xf32>
    %slice3A_118 = vector.extract_strided_slice %get3A_10 {offsets = [3], sizes = [1], strides = [1]} : vector<16xf32> to vector<1xf32>
    %squeeze3A_119 = vector.extract %slice3A_118[0] : f32 from vector<1xf32>
    %slice3A_120 = vector.extract_strided_slice %get3A_10 {offsets = [4], sizes = [1], strides = [1]} : vector<16xf32> to vector<1xf32>
    %squeeze3A_121 = vector.extract %slice3A_120[0] : f32 from vector<1xf32>
    %slice3A_122 = vector.extract_strided_slice %get3A_10 {offsets = [5], sizes = [1], strides = [1]} : vector<16xf32> to vector<1xf32>
    %squeeze3A_123 = vector.extract %slice3A_122[0] : f32 from vector<1xf32>
    %slice3A_124 = vector.extract_strided_slice %get3A_10 {offsets = [6], sizes = [1], strides = [1]} : vector<16xf32> to vector<1xf32>
    %squeeze3A_125 = vector.extract %slice3A_124[0] : f32 from vector<1xf32>
    %slice3A_126 = vector.extract_strided_slice %get3A_10 {offsets = [7], sizes = [1], strides = [1]} : vector<16xf32> to vector<1xf32>
    %squeeze3A_127 = vector.extract %slice3A_126[0] : f32 from vector<1xf32>
    %broadcast_in_dim3A_128 = arith.constant 0.000000e+00 : f32
    %broadcast_in_dim3A_129 = vector.broadcast %broadcast_in_dim3A_128 : f32 to vector<16xf32>
    %broadcast_in_dim3A_130 = arith.constant 0.000000e+00 : f32
    %broadcast_in_dim3A_131 = vector.broadcast %broadcast_in_dim3A_130 : f32 to vector<16xf32>
    %broadcast_in_dim3A_132 = arith.constant 0.000000e+00 : f32
    %broadcast_in_dim3A_133 = vector.broadcast %broadcast_in_dim3A_132 : f32 to vector<16xf32>
    %broadcast_in_dim3A_134 = arith.constant 0.000000e+00 : f32
    %broadcast_in_dim3A_135 = vector.broadcast %broadcast_in_dim3A_134 : f32 to vector<16xf32>
    %broadcast_in_dim3A_136 = arith.constant 0.000000e+00 : f32
    %broadcast_in_dim3A_137 = vector.broadcast %broadcast_in_dim3A_136 : f32 to vector<16xf32>
    %broadcast_in_dim3A_138 = arith.constant 0.000000e+00 : f32
    %broadcast_in_dim3A_139 = vector.broadcast %broadcast_in_dim3A_138 : f32 to vector<16xf32>
    %broadcast_in_dim3A_140 = arith.constant 0.000000e+00 : f32
    %broadcast_in_dim3A_141 = vector.broadcast %broadcast_in_dim3A_140 : f32 to vector<16xf32>
    %broadcast_in_dim3A_142 = arith.constant 0.000000e+00 : f32
    %broadcast_in_dim3A_143 = vector.broadcast %broadcast_in_dim3A_142 : f32 to vector<16xf32>
    %scan3A_144 = arith.constant 0 : i32
    %scan3A_145 = arith.constant 256 : i32
    %scan3A_146 = arith.addi %scan3A_144, %scan3A_145 : i32
    %scan3A_147 = arith.constant 2 : i32
    %scan3A_148:8 = scf.for %scan3A_1222 = %scan3A_144 to %scan3A_146 step %scan3A_147 iter_args(%scan3A_1223 = %broadcast_in_dim3A_129, %scan3A_1224 = %broadcast_in_dim3A_131, %scan3A_1225 = %broadcast_in_dim3A_133, %scan3A_1226 = %broadcast_in_dim3A_135, %scan3A_1227 = %broadcast_in_dim3A_137, %scan3A_1228 = %broadcast_in_dim3A_139, %scan3A_1229 = %broadcast_in_dim3A_141, %scan3A_1230 = %broadcast_in_dim3A_143) -> (vector<16xf32>, vector<16xf32>, vector<16xf32>, vector<16xf32>, vector<16xf32>, vector<16xf32>, vector<16xf32>, vector<16xf32>)  : i32 {
      %mul3A_1231 = arith.constant 16 : i32
      %mul3A_1232 = arith.muli %scan3A_1222, %mul3A_1231 : i32
      %multiple_of3A = tpu.assume_multiple %mul3A_1232, 16 : i32
      %get3A_1233 = arith.index_cast %multiple_of3A : i32 to index
      %get3A_1234 = tpu.vector_load %arg9[%get3A_1233] {strides = array<i32>} : memref<4096xf32, #tpu.memory_space<vmem>>, vector<16xf32>,
      %get3A_1235 = vector.shape_cast %get3A_1234 : vector<16xf32> to vector<16xf32>
      %get3A_1236 = arith.index_cast %multiple_of3A : i32 to index
      %get3A_1237 = tpu.vector_load %arg10[%get3A_1236] {strides = array<i32>} : memref<4096xf32, #tpu.memory_space<vmem>>, vector<16xf32>,
      %get3A_1238 = vector.shape_cast %get3A_1237 : vector<16xf32> to vector<16xf32>
      %get3A_1239 = arith.constant 0 : i32
      %get3A_1240 = arith.index_cast %get3A_1239 : i32 to index
      %get3A_1241 = arith.index_cast %multiple_of3A : i32 to index
      %get3A_1242 = tpu.vector_load %arg7[%get3A_1240, %get3A_1241] {strides = array<i32>} : memref<8x4096xi32, #tpu.memory_space<vmem>>, vector<1x16xi32>,
      %get3A_1243 = vector.shape_cast %get3A_1242 : vector<1x16xi32> to vector<16xi32>
      %convert_element_type3A = arith.sitofp %get3A_1243 : vector<16xi32> to vector<16xf32>
      %mul3A_1244 = vector.broadcast %squeeze3A_113 : f32 to vector<16xf32>
      %mul3A_1245 = arith.mulf %mul3A_1244, %get3A_1235 : vector<16xf32>
      %sub3A = arith.subf %mul3A_1245, %get3A_1238 : vector<16xf32>
      %mul3A_1246 = arith.mulf %sub3A, %convert_element_type3A : vector<16xf32>
      %max3A_1247 = arith.maximumf %scan3A_1223, %mul3A_1246 : vector<16xf32>
      %get3A_1248 = arith.constant 1 : i32
      %get3A_1249 = arith.index_cast %get3A_1248 : i32 to index
      %get3A_1250 = arith.index_cast %multiple_of3A : i32 to index
      %get3A_1251 = tpu.vector_load %arg7[%get3A_1249, %get3A_1250] {strides = array<i32>} : memref<8x4096xi32, #tpu.memory_space<vmem>>, vector<1x16xi32>,
      %get3A_1252 = vector.shape_cast %get3A_1251 : vector<1x16xi32> to vector<16xi32>
      %convert_element_type3A_1253 = arith.sitofp %get3A_1252 : vector<16xi32> to vector<16xf32>
      %mul3A_1254 = vector.broadcast %squeeze3A_115 : f32 to vector<16xf32>
      %mul3A_1255 = arith.mulf %mul3A_1254, %get3A_1235 : vector<16xf32>
      %sub3A_1256 = arith.subf %mul3A_1255, %get3A_1238 : vector<16xf32>
      %mul3A_1257 = arith.mulf %sub3A_1256, %convert_element_type3A_1253 : vector<16xf32>
      %max3A_1258 = arith.maximumf %scan3A_1224, %mul3A_1257 : vector<16xf32>
      %get3A_1259 = arith.constant 2 : i32
      %get3A_1260 = arith.index_cast %get3A_1259 : i32 to index
      %get3A_1261 = arith.index_cast %multiple_of3A : i32 to index
      %get3A_1262 = tpu.vector_load %arg7[%get3A_1260, %get3A_1261] {strides = array<i32>} : memref<8x4096xi32, #tpu.memory_space<vmem>>, vector<1x16xi32>,
      %get3A_1263 = vector.shape_cast %get3A_1262 : vector<1x16xi32> to vector<16xi32>
      %convert_element_type3A_1264 = arith.sitofp %get3A_1263 : vector<16xi32> to vector<16xf32>
      %mul3A_1265 = vector.broadcast %squeeze3A_117 : f32 to vector<16xf32>
      %mul3A_1266 = arith.mulf %mul3A_1265, %get3A_1235 : vector<16xf32>
      %sub3A_1267 = arith.subf %mul3A_1266, %get3A_1238 : vector<16xf32>
      %mul3A_1268 = arith.mulf %sub3A_1267, %convert_element_type3A_1264 : vector<16xf32>
      %max3A_1269 = arith.maximumf %scan3A_1225, %mul3A_1268 : vector<16xf32>
      %get3A_1270 = arith.constant 3 : i32
      %get3A_1271 = arith.index_cast %get3A_1270 : i32 to index
      %get3A_1272 = arith.index_cast %multiple_of3A : i32 to index
      %get3A_1273 = tpu.vector_load %arg7[%get3A_1271, %get3A_1272] {strides = array<i32>} : memref<8x4096xi32, #tpu.memory_space<vmem>>, vector<1x16xi32>,
      %get3A_1274 = vector.shape_cast %get3A_1273 : vector<1x16xi32> to vector<16xi32>
      %convert_element_type3A_1275 = arith.sitofp %get3A_1274 : vector<16xi32> to vector<16xf32>
      %mul3A_1276 = vector.broadcast %squeeze3A_119 : f32 to vector<16xf32>
      %mul3A_1277 = arith.mulf %mul3A_1276, %get3A_1235 : vector<16xf32>
      %sub3A_1278 = arith.subf %mul3A_1277, %get3A_1238 : vector<16xf32>
      %mul3A_1279 = arith.mulf %sub3A_1278, %convert_element_type3A_1275 : vector<16xf32>
      %max3A_1280 = arith.maximumf %scan3A_1226, %mul3A_1279 : vector<16xf32>
      %get3A_1281 = arith.constant 4 : i32
      %get3A_1282 = arith.index_cast %get3A_1281 : i32 to index
      %get3A_1283 = arith.index_cast %multiple_of3A : i32 to index
      %get3A_1284 = tpu.vector_load %arg7[%get3A_1282, %get3A_1283] {strides = array<i32>} : memref<8x4096xi32, #tpu.memory_space<vmem>>, vector<1x16xi32>,
      %get3A_1285 = vector.shape_cast %get3A_1284 : vector<1x16xi32> to vector<16xi32>
      %convert_element_type3A_1286 = arith.sitofp %get3A_1285 : vector<16xi32> to vector<16xf32>
      %mul3A_1287 = vector.broadcast %squeeze3A_121 : f32 to vector<16xf32>
      %mul3A_1288 = arith.mulf %mul3A_1287, %get3A_1235 : vector<16xf32>
      %sub3A_1289 = arith.subf %mul3A_1288, %get3A_1238 : vector<16xf32>
      %mul3A_1290 = arith.mulf %sub3A_1289, %convert_element_type3A_1286 : vector<16xf32>
      %max3A_1291 = arith.maximumf %scan3A_1227, %mul3A_1290 : vector<16xf32>
      %get3A_1292 = arith.constant 5 : i32
      %get3A_1293 = arith.index_cast %get3A_1292 : i32 to index
      %get3A_1294 = arith.index_cast %multiple_of3A : i32 to index
      %get3A_1295 = tpu.vector_load %arg7[%get3A_1293, %get3A_1294] {strides = array<i32>} : memref<8x4096xi32, #tpu.memory_space<vmem>>, vector<1x16xi32>,
      %get3A_1296 = vector.shape_cast %get3A_1295 : vector<1x16xi32> to vector<16xi32>
      %convert_element_type3A_1297 = arith.sitofp %get3A_1296 : vector<16xi32> to vector<16xf32>
      %mul3A_1298 = vector.broadcast %squeeze3A_123 : f32 to vector<16xf32>
      %mul3A_1299 = arith.mulf %mul3A_1298, %get3A_1235 : vector<16xf32>
      %sub3A_1300 = arith.subf %mul3A_1299, %get3A_1238 : vector<16xf32>
      %mul3A_1301 = arith.mulf %sub3A_1300, %convert_element_type3A_1297 : vector<16xf32>
      %max3A_1302 = arith.maximumf %scan3A_1228, %mul3A_1301 : vector<16xf32>
      %get3A_1303 = arith.constant 6 : i32
      %get3A_1304 = arith.index_cast %get3A_1303 : i32 to index
      %get3A_1305 = arith.index_cast %multiple_of3A : i32 to index
      %get3A_1306 = tpu.vector_load %arg7[%get3A_1304, %get3A_1305] {strides = array<i32>} : memref<8x4096xi32, #tpu.memory_space<vmem>>, vector<1x16xi32>,
      %get3A_1307 = vector.shape_cast %get3A_1306 : vector<1x16xi32> to vector<16xi32>
      %convert_element_type3A_1308 = arith.sitofp %get3A_1307 : vector<16xi32> to vector<16xf32>
      %mul3A_1309 = vector.broadcast %squeeze3A_125 : f32 to vector<16xf32>
      %mul3A_1310 = arith.mulf %mul3A_1309, %get3A_1235 : vector<16xf32>
      %sub3A_1311 = arith.subf %mul3A_1310, %get3A_1238 : vector<16xf32>
      %mul3A_1312 = arith.mulf %sub3A_1311, %convert_element_type3A_1308 : vector<16xf32>
      %max3A_1313 = arith.maximumf %scan3A_1229, %mul3A_1312 : vector<16xf32>
      %get3A_1314 = arith.constant 7 : i32
      %get3A_1315 = arith.index_cast %get3A_1314 : i32 to index
      %get3A_1316 = arith.index_cast %multiple_of3A : i32 to index
      %get3A_1317 = tpu.vector_load %arg7[%get3A_1315, %get3A_1316] {strides = array<i32>} : memref<8x4096xi32, #tpu.memory_space<vmem>>, vector<1x16xi32>,
      %get3A_1318 = vector.shape_cast %get3A_1317 : vector<1x16xi32> to vector<16xi32>
      %convert_element_type3A_1319 = arith.sitofp %get3A_1318 : vector<16xi32> to vector<16xf32>
      %mul3A_1320 = vector.broadcast %squeeze3A_127 : f32 to vector<16xf32>
      %mul3A_1321 = arith.mulf %mul3A_1320, %get3A_1235 : vector<16xf32>
      %sub3A_1322 = arith.subf %mul3A_1321, %get3A_1238 : vector<16xf32>
      %mul3A_1323 = arith.mulf %sub3A_1322, %convert_element_type3A_1319 : vector<16xf32>
      %max3A_1324 = arith.maximumf %scan3A_1230, %mul3A_1323 : vector<16xf32>
      %scan3A_1325 = arith.constant 1 : i32
      %scan3A_1326 = arith.addi %scan3A_1222, %scan3A_1325 : i32
      %mul3A_1327 = arith.constant 16 : i32
      %mul3A_1328 = arith.muli %scan3A_1326, %mul3A_1327 : i32
      %multiple_of3A_1329 = tpu.assume_multiple %mul3A_1328, 16 : i32
      %get3A_1330 = arith.index_cast %multiple_of3A_1329 : i32 to index
      %get3A_1331 = tpu.vector_load %arg9[%get3A_1330] {strides = array<i32>} : memref<4096xf32, #tpu.memory_space<vmem>>, vector<16xf32>,
      %get3A_1332 = vector.shape_cast %get3A_1331 : vector<16xf32> to vector<16xf32>
      %get3A_1333 = arith.index_cast %multiple_of3A_1329 : i32 to index
      %get3A_1334 = tpu.vector_load %arg10[%get3A_1333] {strides = array<i32>} : memref<4096xf32, #tpu.memory_space<vmem>>, vector<16xf32>,
      %get3A_1335 = vector.shape_cast %get3A_1334 : vector<16xf32> to vector<16xf32>
      %get3A_1336 = arith.constant 0 : i32
      %get3A_1337 = arith.index_cast %get3A_1336 : i32 to index
      %get3A_1338 = arith.index_cast %multiple_of3A_1329 : i32 to index
      %get3A_1339 = tpu.vector_load %arg7[%get3A_1337, %get3A_1338] {strides = array<i32>} : memref<8x4096xi32, #tpu.memory_space<vmem>>, vector<1x16xi32>,
      %get3A_1340 = vector.shape_cast %get3A_1339 : vector<1x16xi32> to vector<16xi32>
      %convert_element_type3A_1341 = arith.sitofp %get3A_1340 : vector<16xi32> to vector<16xf32>
      %mul3A_1342 = vector.broadcast %squeeze3A_113 : f32 to vector<16xf32>
      %mul3A_1343 = arith.mulf %mul3A_1342, %get3A_1332 : vector<16xf32>
      %sub3A_1344 = arith.subf %mul3A_1343, %get3A_1335 : vector<16xf32>
      %mul3A_1345 = arith.mulf %sub3A_1344, %convert_element_type3A_1341 : vector<16xf32>
      %max3A_1346 = arith.maximumf %max3A_1247, %mul3A_1345 : vector<16xf32>
      %get3A_1347 = arith.constant 1 : i32
      %get3A_1348 = arith.index_cast %get3A_1347 : i32 to index
      %get3A_1349 = arith.index_cast %multiple_of3A_1329 : i32 to index
      %get3A_1350 = tpu.vector_load %arg7[%get3A_1348, %get3A_1349] {strides = array<i32>} : memref<8x4096xi32, #tpu.memory_space<vmem>>, vector<1x16xi32>,
      %get3A_1351 = vector.shape_cast %get3A_1350 : vector<1x16xi32> to vector<16xi32>
      %convert_element_type3A_1352 = arith.sitofp %get3A_1351 : vector<16xi32> to vector<16xf32>
      %mul3A_1353 = vector.broadcast %squeeze3A_115 : f32 to vector<16xf32>
      %mul3A_1354 = arith.mulf %mul3A_1353, %get3A_1332 : vector<16xf32>
      %sub3A_1355 = arith.subf %mul3A_1354, %get3A_1335 : vector<16xf32>
      %mul3A_1356 = arith.mulf %sub3A_1355, %convert_element_type3A_1352 : vector<16xf32>
      %max3A_1357 = arith.maximumf %max3A_1258, %mul3A_1356 : vector<16xf32>
      %get3A_1358 = arith.constant 2 : i32
      %get3A_1359 = arith.index_cast %get3A_1358 : i32 to index
      %get3A_1360 = arith.index_cast %multiple_of3A_1329 : i32 to index
      %get3A_1361 = tpu.vector_load %arg7[%get3A_1359, %get3A_1360] {strides = array<i32>} : memref<8x4096xi32, #tpu.memory_space<vmem>>, vector<1x16xi32>,
      %get3A_1362 = vector.shape_cast %get3A_1361 : vector<1x16xi32> to vector<16xi32>
      %convert_element_type3A_1363 = arith.sitofp %get3A_1362 : vector<16xi32> to vector<16xf32>
      %mul3A_1364 = vector.broadcast %squeeze3A_117 : f32 to vector<16xf32>
      %mul3A_1365 = arith.mulf %mul3A_1364, %get3A_1332 : vector<16xf32>
      %sub3A_1366 = arith.subf %mul3A_1365, %get3A_1335 : vector<16xf32>
      %mul3A_1367 = arith.mulf %sub3A_1366, %convert_element_type3A_1363 : vector<16xf32>
      %max3A_1368 = arith.maximumf %max3A_1269, %mul3A_1367 : vector<16xf32>
      %get3A_1369 = arith.constant 3 : i32
      %get3A_1370 = arith.index_cast %get3A_1369 : i32 to index
      %get3A_1371 = arith.index_cast %multiple_of3A_1329 : i32 to index
      %get3A_1372 = tpu.vector_load %arg7[%get3A_1370, %get3A_1371] {strides = array<i32>} : memref<8x4096xi32, #tpu.memory_space<vmem>>, vector<1x16xi32>,
      %get3A_1373 = vector.shape_cast %get3A_1372 : vector<1x16xi32> to vector<16xi32>
      %convert_element_type3A_1374 = arith.sitofp %get3A_1373 : vector<16xi32> to vector<16xf32>
      %mul3A_1375 = vector.broadcast %squeeze3A_119 : f32 to vector<16xf32>
      %mul3A_1376 = arith.mulf %mul3A_1375, %get3A_1332 : vector<16xf32>
      %sub3A_1377 = arith.subf %mul3A_1376, %get3A_1335 : vector<16xf32>
      %mul3A_1378 = arith.mulf %sub3A_1377, %convert_element_type3A_1374 : vector<16xf32>
      %max3A_1379 = arith.maximumf %max3A_1280, %mul3A_1378 : vector<16xf32>
      %get3A_1380 = arith.constant 4 : i32
      %get3A_1381 = arith.index_cast %get3A_1380 : i32 to index
      %get3A_1382 = arith.index_cast %multiple_of3A_1329 : i32 to index
      %get3A_1383 = tpu.vector_load %arg7[%get3A_1381, %get3A_1382] {strides = array<i32>} : memref<8x4096xi32, #tpu.memory_space<vmem>>, vector<1x16xi32>,
      %get3A_1384 = vector.shape_cast %get3A_1383 : vector<1x16xi32> to vector<16xi32>
      %convert_element_type3A_1385 = arith.sitofp %get3A_1384 : vector<16xi32> to vector<16xf32>
      %mul3A_1386 = vector.broadcast %squeeze3A_121 : f32 to vector<16xf32>
      %mul3A_1387 = arith.mulf %mul3A_1386, %get3A_1332 : vector<16xf32>
      %sub3A_1388 = arith.subf %mul3A_1387, %get3A_1335 : vector<16xf32>
      %mul3A_1389 = arith.mulf %sub3A_1388, %convert_element_type3A_1385 : vector<16xf32>
      %max3A_1390 = arith.maximumf %max3A_1291, %mul3A_1389 : vector<16xf32>
      %get3A_1391 = arith.constant 5 : i32
      %get3A_1392 = arith.index_cast %get3A_1391 : i32 to index
      %get3A_1393 = arith.index_cast %multiple_of3A_1329 : i32 to index
      %get3A_1394 = tpu.vector_load %arg7[%get3A_1392, %get3A_1393] {strides = array<i32>} : memref<8x4096xi32, #tpu.memory_space<vmem>>, vector<1x16xi32>,
      %get3A_1395 = vector.shape_cast %get3A_1394 : vector<1x16xi32> to vector<16xi32>
      %convert_element_type3A_1396 = arith.sitofp %get3A_1395 : vector<16xi32> to vector<16xf32>
      %mul3A_1397 = vector.broadcast %squeeze3A_123 : f32 to vector<16xf32>
      %mul3A_1398 = arith.mulf %mul3A_1397, %get3A_1332 : vector<16xf32>
      %sub3A_1399 = arith.subf %mul3A_1398, %get3A_1335 : vector<16xf32>
      %mul3A_1400 = arith.mulf %sub3A_1399, %convert_element_type3A_1396 : vector<16xf32>
      %max3A_1401 = arith.maximumf %max3A_1302, %mul3A_1400 : vector<16xf32>
      %get3A_1402 = arith.constant 6 : i32
      %get3A_1403 = arith.index_cast %get3A_1402 : i32 to index
      %get3A_1404 = arith.index_cast %multiple_of3A_1329 : i32 to index
      %get3A_1405 = tpu.vector_load %arg7[%get3A_1403, %get3A_1404] {strides = array<i32>} : memref<8x4096xi32, #tpu.memory_space<vmem>>, vector<1x16xi32>,
      %get3A_1406 = vector.shape_cast %get3A_1405 : vector<1x16xi32> to vector<16xi32>
      %convert_element_type3A_1407 = arith.sitofp %get3A_1406 : vector<16xi32> to vector<16xf32>
      %mul3A_1408 = vector.broadcast %squeeze3A_125 : f32 to vector<16xf32>
      %mul3A_1409 = arith.mulf %mul3A_1408, %get3A_1332 : vector<16xf32>
      %sub3A_1410 = arith.subf %mul3A_1409, %get3A_1335 : vector<16xf32>
      %mul3A_1411 = arith.mulf %sub3A_1410, %convert_element_type3A_1407 : vector<16xf32>
      %max3A_1412 = arith.maximumf %max3A_1313, %mul3A_1411 : vector<16xf32>
      %get3A_1413 = arith.constant 7 : i32
      %get3A_1414 = arith.index_cast %get3A_1413 : i32 to index
      %get3A_1415 = arith.index_cast %multiple_of3A_1329 : i32 to index
      %get3A_1416 = tpu.vector_load %arg7[%get3A_1414, %get3A_1415] {strides = array<i32>} : memref<8x4096xi32, #tpu.memory_space<vmem>>, vector<1x16xi32>,
      %get3A_1417 = vector.shape_cast %get3A_1416 : vector<1x16xi32> to vector<16xi32>
      %convert_element_type3A_1418 = arith.sitofp %get3A_1417 : vector<16xi32> to vector<16xf32>
      %mul3A_1419 = vector.broadcast %squeeze3A_127 : f32 to vector<16xf32>
      %mul3A_1420 = arith.mulf %mul3A_1419, %get3A_1332 : vector<16xf32>
      %sub3A_1421 = arith.subf %mul3A_1420, %get3A_1335 : vector<16xf32>
      %mul3A_1422 = arith.mulf %sub3A_1421, %convert_element_type3A_1418 : vector<16xf32>
      %max3A_1423 = arith.maximumf %max3A_1324, %mul3A_1422 : vector<16xf32>
      scf.yield %max3A_1346, %max3A_1357, %max3A_1368, %max3A_1379, %max3A_1390, %max3A_1401, %max3A_1412, %max3A_1423 : vector<16xf32>, vector<16xf32>, vector<16xf32>, vector<16xf32>, vector<16xf32>, vector<16xf32>, vector<16xf32>, vector<16xf32>
    }
    %scan3A_149 = arith.constant 256 : i32
    %dma_wait3A_150 = arith.constant 0 : i32
    %dma_wait3A_151 = tpu.memref_slice %arg2[%add3A_103, %dma_wait3A_150] : memref<4096x4096xi32, #tpu.memory_space<hbm>> -> memref<8x4096xi32, #tpu.memory_space<hbm>>
    %dma_wait3A_152 = arith.constant 0 : i32
    %dma_wait3A_153 = tpu.memref_slice %arg2[%add3A_103, %dma_wait3A_152] : memref<4096x4096xi32, #tpu.memory_space<hbm>> -> memref<8x4096xi32, #tpu.memory_space<hbm>>
    tpu.wait_dma2 semaphore(%arg14 : memref<!tpu.dma_semaphore, #tpu.memory_space<semaphore_mem>>) src(%dma_wait3A_153 : memref<8x4096xi32, #tpu.memory_space<hbm>>) dst(%arg8 : memref<8x4096xi32, #tpu.memory_space<vmem>>)
    %slice3A_154 = vector.extract_strided_slice %get3A_10 {offsets = [8], sizes = [1], strides = [1]} : vector<16xf32> to vector<1xf32>
    %squeeze3A_155 = vector.extract %slice3A_154[0] : f32 from vector<1xf32>
    %slice3A_156 = vector.extract_strided_slice %get3A_10 {offsets = [9], sizes = [1], strides = [1]} : vector<16xf32> to vector<1xf32>
    %squeeze3A_157 = vector.extract %slice3A_156[0] : f32 from vector<1xf32>
    %slice3A_158 = vector.extract_strided_slice %get3A_10 {offsets = [10], sizes = [1], strides = [1]} : vector<16xf32> to vector<1xf32>
    %squeeze3A_159 = vector.extract %slice3A_158[0] : f32 from vector<1xf32>
    %slice3A_160 = vector.extract_strided_slice %get3A_10 {offsets = [11], sizes = [1], strides = [1]} : vector<16xf32> to vector<1xf32>
    %squeeze3A_161 = vector.extract %slice3A_160[0] : f32 from vector<1xf32>
    %slice3A_162 = vector.extract_strided_slice %get3A_10 {offsets = [12], sizes = [1], strides = [1]} : vector<16xf32> to vector<1xf32>
    %squeeze3A_163 = vector.extract %slice3A_162[0] : f32 from vector<1xf32>
    %slice3A_164 = vector.extract_strided_slice %get3A_10 {offsets = [13], sizes = [1], strides = [1]} : vector<16xf32> to vector<1xf32>
    %squeeze3A_165 = vector.extract %slice3A_164[0] : f32 from vector<1xf32>
    %slice3A_166 = vector.extract_strided_slice %get3A_10 {offsets = [14], sizes = [1], strides = [1]} : vector<16xf32> to vector<1xf32>
    %squeeze3A_167 = vector.extract %slice3A_166[0] : f32 from vector<1xf32>
    %slice3A_168 = vector.extract_strided_slice %get3A_10 {offsets = [15], sizes = [1], strides = [1]} : vector<16xf32> to vector<1xf32>
    %squeeze3A_169 = vector.extract %slice3A_168[0] : f32 from vector<1xf32>
    %broadcast_in_dim3A_170 = arith.constant 0.000000e+00 : f32
    %broadcast_in_dim3A_171 = vector.broadcast %broadcast_in_dim3A_170 : f32 to vector<16xf32>
    %broadcast_in_dim3A_172 = arith.constant 0.000000e+00 : f32
    %broadcast_in_dim3A_173 = vector.broadcast %broadcast_in_dim3A_172 : f32 to vector<16xf32>
    %broadcast_in_dim3A_174 = arith.constant 0.000000e+00 : f32
    %broadcast_in_dim3A_175 = vector.broadcast %broadcast_in_dim3A_174 : f32 to vector<16xf32>
    %broadcast_in_dim3A_176 = arith.constant 0.000000e+00 : f32
    %broadcast_in_dim3A_177 = vector.broadcast %broadcast_in_dim3A_176 : f32 to vector<16xf32>
    %broadcast_in_dim3A_178 = arith.constant 0.000000e+00 : f32
    %broadcast_in_dim3A_179 = vector.broadcast %broadcast_in_dim3A_178 : f32 to vector<16xf32>
    %broadcast_in_dim3A_180 = arith.constant 0.000000e+00 : f32
    %broadcast_in_dim3A_181 = vector.broadcast %broadcast_in_dim3A_180 : f32 to vector<16xf32>
    %broadcast_in_dim3A_182 = arith.constant 0.000000e+00 : f32
    %broadcast_in_dim3A_183 = vector.broadcast %broadcast_in_dim3A_182 : f32 to vector<16xf32>
    %broadcast_in_dim3A_184 = arith.constant 0.000000e+00 : f32
    %broadcast_in_dim3A_185 = vector.broadcast %broadcast_in_dim3A_184 : f32 to vector<16xf32>
    %scan3A_186 = arith.constant 0 : i32
    %scan3A_187 = arith.constant 256 : i32
    %scan3A_188 = arith.addi %scan3A_186, %scan3A_187 : i32
    %scan3A_189 = arith.constant 2 : i32
    %scan3A_190:8 = scf.for %scan3A_1222 = %scan3A_186 to %scan3A_188 step %scan3A_189 iter_args(%scan3A_1223 = %broadcast_in_dim3A_171, %scan3A_1224 = %broadcast_in_dim3A_173, %scan3A_1225 = %broadcast_in_dim3A_175, %scan3A_1226 = %broadcast_in_dim3A_177, %scan3A_1227 = %broadcast_in_dim3A_179, %scan3A_1228 = %broadcast_in_dim3A_181, %scan3A_1229 = %broadcast_in_dim3A_183, %scan3A_1230 = %broadcast_in_dim3A_185) -> (vector<16xf32>, vector<16xf32>, vector<16xf32>, vector<16xf32>, vector<16xf32>, vector<16xf32>, vector<16xf32>, vector<16xf32>)  : i32 {
      %mul3A_1231 = arith.constant 16 : i32
      %mul3A_1232 = arith.muli %scan3A_1222, %mul3A_1231 : i32
      %multiple_of3A = tpu.assume_multiple %mul3A_1232, 16 : i32
      %get3A_1233 = arith.index_cast %multiple_of3A : i32 to index
      %get3A_1234 = tpu.vector_load %arg9[%get3A_1233] {strides = array<i32>} : memref<4096xf32, #tpu.memory_space<vmem>>, vector<16xf32>,
      %get3A_1235 = vector.shape_cast %get3A_1234 : vector<16xf32> to vector<16xf32>
      %get3A_1236 = arith.index_cast %multiple_of3A : i32 to index
      %get3A_1237 = tpu.vector_load %arg10[%get3A_1236] {strides = array<i32>} : memref<4096xf32, #tpu.memory_space<vmem>>, vector<16xf32>,
      %get3A_1238 = vector.shape_cast %get3A_1237 : vector<16xf32> to vector<16xf32>
      %get3A_1239 = arith.constant 0 : i32
      %get3A_1240 = arith.index_cast %get3A_1239 : i32 to index
      %get3A_1241 = arith.index_cast %multiple_of3A : i32 to index
      %get3A_1242 = tpu.vector_load %arg8[%get3A_1240, %get3A_1241] {strides = array<i32>} : memref<8x4096xi32, #tpu.memory_space<vmem>>, vector<1x16xi32>,
      %get3A_1243 = vector.shape_cast %get3A_1242 : vector<1x16xi32> to vector<16xi32>
      %convert_element_type3A = arith.sitofp %get3A_1243 : vector<16xi32> to vector<16xf32>
      %mul3A_1244 = vector.broadcast %squeeze3A_155 : f32 to vector<16xf32>
      %mul3A_1245 = arith.mulf %mul3A_1244, %get3A_1235 : vector<16xf32>
      %sub3A = arith.subf %mul3A_1245, %get3A_1238 : vector<16xf32>
      %mul3A_1246 = arith.mulf %sub3A, %convert_element_type3A : vector<16xf32>
      %max3A_1247 = arith.maximumf %scan3A_1223, %mul3A_1246 : vector<16xf32>
      %get3A_1248 = arith.constant 1 : i32
      %get3A_1249 = arith.index_cast %get3A_1248 : i32 to index
      %get3A_1250 = arith.index_cast %multiple_of3A : i32 to index
      %get3A_1251 = tpu.vector_load %arg8[%get3A_1249, %get3A_1250] {strides = array<i32>} : memref<8x4096xi32, #tpu.memory_space<vmem>>, vector<1x16xi32>,
      %get3A_1252 = vector.shape_cast %get3A_1251 : vector<1x16xi32> to vector<16xi32>
      %convert_element_type3A_1253 = arith.sitofp %get3A_1252 : vector<16xi32> to vector<16xf32>
      %mul3A_1254 = vector.broadcast %squeeze3A_157 : f32 to vector<16xf32>
      %mul3A_1255 = arith.mulf %mul3A_1254, %get3A_1235 : vector<16xf32>
      %sub3A_1256 = arith.subf %mul3A_1255, %get3A_1238 : vector<16xf32>
      %mul3A_1257 = arith.mulf %sub3A_1256, %convert_element_type3A_1253 : vector<16xf32>
      %max3A_1258 = arith.maximumf %scan3A_1224, %mul3A_1257 : vector<16xf32>
      %get3A_1259 = arith.constant 2 : i32
      %get3A_1260 = arith.index_cast %get3A_1259 : i32 to index
      %get3A_1261 = arith.index_cast %multiple_of3A : i32 to index
      %get3A_1262 = tpu.vector_load %arg8[%get3A_1260, %get3A_1261] {strides = array<i32>} : memref<8x4096xi32, #tpu.memory_space<vmem>>, vector<1x16xi32>,
      %get3A_1263 = vector.shape_cast %get3A_1262 : vector<1x16xi32> to vector<16xi32>
      %convert_element_type3A_1264 = arith.sitofp %get3A_1263 : vector<16xi32> to vector<16xf32>
      %mul3A_1265 = vector.broadcast %squeeze3A_159 : f32 to vector<16xf32>
      %mul3A_1266 = arith.mulf %mul3A_1265, %get3A_1235 : vector<16xf32>
      %sub3A_1267 = arith.subf %mul3A_1266, %get3A_1238 : vector<16xf32>
      %mul3A_1268 = arith.mulf %sub3A_1267, %convert_element_type3A_1264 : vector<16xf32>
      %max3A_1269 = arith.maximumf %scan3A_1225, %mul3A_1268 : vector<16xf32>
      %get3A_1270 = arith.constant 3 : i32
      %get3A_1271 = arith.index_cast %get3A_1270 : i32 to index
      %get3A_1272 = arith.index_cast %multiple_of3A : i32 to index
      %get3A_1273 = tpu.vector_load %arg8[%get3A_1271, %get3A_1272] {strides = array<i32>} : memref<8x4096xi32, #tpu.memory_space<vmem>>, vector<1x16xi32>,
      %get3A_1274 = vector.shape_cast %get3A_1273 : vector<1x16xi32> to vector<16xi32>
      %convert_element_type3A_1275 = arith.sitofp %get3A_1274 : vector<16xi32> to vector<16xf32>
      %mul3A_1276 = vector.broadcast %squeeze3A_161 : f32 to vector<16xf32>
      %mul3A_1277 = arith.mulf %mul3A_1276, %get3A_1235 : vector<16xf32>
      %sub3A_1278 = arith.subf %mul3A_1277, %get3A_1238 : vector<16xf32>
      %mul3A_1279 = arith.mulf %sub3A_1278, %convert_element_type3A_1275 : vector<16xf32>
      %max3A_1280 = arith.maximumf %scan3A_1226, %mul3A_1279 : vector<16xf32>
      %get3A_1281 = arith.constant 4 : i32
      %get3A_1282 = arith.index_cast %get3A_1281 : i32 to index
      %get3A_1283 = arith.index_cast %multiple_of3A : i32 to index
      %get3A_1284 = tpu.vector_load %arg8[%get3A_1282, %get3A_1283] {strides = array<i32>} : memref<8x4096xi32, #tpu.memory_space<vmem>>, vector<1x16xi32>,
      %get3A_1285 = vector.shape_cast %get3A_1284 : vector<1x16xi32> to vector<16xi32>
      %convert_element_type3A_1286 = arith.sitofp %get3A_1285 : vector<16xi32> to vector<16xf32>
      %mul3A_1287 = vector.broadcast %squeeze3A_163 : f32 to vector<16xf32>
      %mul3A_1288 = arith.mulf %mul3A_1287, %get3A_1235 : vector<16xf32>
      %sub3A_1289 = arith.subf %mul3A_1288, %get3A_1238 : vector<16xf32>
      %mul3A_1290 = arith.mulf %sub3A_1289, %convert_element_type3A_1286 : vector<16xf32>
      %max3A_1291 = arith.maximumf %scan3A_1227, %mul3A_1290 : vector<16xf32>
      %get3A_1292 = arith.constant 5 : i32
      %get3A_1293 = arith.index_cast %get3A_1292 : i32 to index
      %get3A_1294 = arith.index_cast %multiple_of3A : i32 to index
      %get3A_1295 = tpu.vector_load %arg8[%get3A_1293, %get3A_1294] {strides = array<i32>} : memref<8x4096xi32, #tpu.memory_space<vmem>>, vector<1x16xi32>,
      %get3A_1296 = vector.shape_cast %get3A_1295 : vector<1x16xi32> to vector<16xi32>
      %convert_element_type3A_1297 = arith.sitofp %get3A_1296 : vector<16xi32> to vector<16xf32>
      %mul3A_1298 = vector.broadcast %squeeze3A_165 : f32 to vector<16xf32>
      %mul3A_1299 = arith.mulf %mul3A_1298, %get3A_1235 : vector<16xf32>
      %sub3A_1300 = arith.subf %mul3A_1299, %get3A_1238 : vector<16xf32>
      %mul3A_1301 = arith.mulf %sub3A_1300, %convert_element_type3A_1297 : vector<16xf32>
      %max3A_1302 = arith.maximumf %scan3A_1228, %mul3A_1301 : vector<16xf32>
      %get3A_1303 = arith.constant 6 : i32
      %get3A_1304 = arith.index_cast %get3A_1303 : i32 to index
      %get3A_1305 = arith.index_cast %multiple_of3A : i32 to index
      %get3A_1306 = tpu.vector_load %arg8[%get3A_1304, %get3A_1305] {strides = array<i32>} : memref<8x4096xi32, #tpu.memory_space<vmem>>, vector<1x16xi32>,
      %get3A_1307 = vector.shape_cast %get3A_1306 : vector<1x16xi32> to vector<16xi32>
      %convert_element_type3A_1308 = arith.sitofp %get3A_1307 : vector<16xi32> to vector<16xf32>
      %mul3A_1309 = vector.broadcast %squeeze3A_167 : f32 to vector<16xf32>
      %mul3A_1310 = arith.mulf %mul3A_1309, %get3A_1235 : vector<16xf32>
      %sub3A_1311 = arith.subf %mul3A_1310, %get3A_1238 : vector<16xf32>
      %mul3A_1312 = arith.mulf %sub3A_1311, %convert_element_type3A_1308 : vector<16xf32>
      %max3A_1313 = arith.maximumf %scan3A_1229, %mul3A_1312 : vector<16xf32>
      %get3A_1314 = arith.constant 7 : i32
      %get3A_1315 = arith.index_cast %get3A_1314 : i32 to index
      %get3A_1316 = arith.index_cast %multiple_of3A : i32 to index
      %get3A_1317 = tpu.vector_load %arg8[%get3A_1315, %get3A_1316] {strides = array<i32>} : memref<8x4096xi32, #tpu.memory_space<vmem>>, vector<1x16xi32>,
      %get3A_1318 = vector.shape_cast %get3A_1317 : vector<1x16xi32> to vector<16xi32>
      %convert_element_type3A_1319 = arith.sitofp %get3A_1318 : vector<16xi32> to vector<16xf32>
      %mul3A_1320 = vector.broadcast %squeeze3A_169 : f32 to vector<16xf32>
      %mul3A_1321 = arith.mulf %mul3A_1320, %get3A_1235 : vector<16xf32>
      %sub3A_1322 = arith.subf %mul3A_1321, %get3A_1238 : vector<16xf32>
      %mul3A_1323 = arith.mulf %sub3A_1322, %convert_element_type3A_1319 : vector<16xf32>
      %max3A_1324 = arith.maximumf %scan3A_1230, %mul3A_1323 : vector<16xf32>
      %scan3A_1325 = arith.constant 1 : i32
      %scan3A_1326 = arith.addi %scan3A_1222, %scan3A_1325 : i32
      %mul3A_1327 = arith.constant 16 : i32
      %mul3A_1328 = arith.muli %scan3A_1326, %mul3A_1327 : i32
      %multiple_of3A_1329 = tpu.assume_multiple %mul3A_1328, 16 : i32
      %get3A_1330 = arith.index_cast %multiple_of3A_1329 : i32 to index
      %get3A_1331 = tpu.vector_load %arg9[%get3A_1330] {strides = array<i32>} : memref<4096xf32, #tpu.memory_space<vmem>>, vector<16xf32>,
      %get3A_1332 = vector.shape_cast %get3A_1331 : vector<16xf32> to vector<16xf32>
      %get3A_1333 = arith.index_cast %multiple_of3A_1329 : i32 to index
      %get3A_1334 = tpu.vector_load %arg10[%get3A_1333] {strides = array<i32>} : memref<4096xf32, #tpu.memory_space<vmem>>, vector<16xf32>,
      %get3A_1335 = vector.shape_cast %get3A_1334 : vector<16xf32> to vector<16xf32>
      %get3A_1336 = arith.constant 0 : i32
      %get3A_1337 = arith.index_cast %get3A_1336 : i32 to index
      %get3A_1338 = arith.index_cast %multiple_of3A_1329 : i32 to index
      %get3A_1339 = tpu.vector_load %arg8[%get3A_1337, %get3A_1338] {strides = array<i32>} : memref<8x4096xi32, #tpu.memory_space<vmem>>, vector<1x16xi32>,
      %get3A_1340 = vector.shape_cast %get3A_1339 : vector<1x16xi32> to vector<16xi32>
      %convert_element_type3A_1341 = arith.sitofp %get3A_1340 : vector<16xi32> to vector<16xf32>
      %mul3A_1342 = vector.broadcast %squeeze3A_155 : f32 to vector<16xf32>
      %mul3A_1343 = arith.mulf %mul3A_1342, %get3A_1332 : vector<16xf32>
      %sub3A_1344 = arith.subf %mul3A_1343, %get3A_1335 : vector<16xf32>
      %mul3A_1345 = arith.mulf %sub3A_1344, %convert_element_type3A_1341 : vector<16xf32>
      %max3A_1346 = arith.maximumf %max3A_1247, %mul3A_1345 : vector<16xf32>
      %get3A_1347 = arith.constant 1 : i32
      %get3A_1348 = arith.index_cast %get3A_1347 : i32 to index
      %get3A_1349 = arith.index_cast %multiple_of3A_1329 : i32 to index
      %get3A_1350 = tpu.vector_load %arg8[%get3A_1348, %get3A_1349] {strides = array<i32>} : memref<8x4096xi32, #tpu.memory_space<vmem>>, vector<1x16xi32>,
      %get3A_1351 = vector.shape_cast %get3A_1350 : vector<1x16xi32> to vector<16xi32>
      %convert_element_type3A_1352 = arith.sitofp %get3A_1351 : vector<16xi32> to vector<16xf32>
      %mul3A_1353 = vector.broadcast %squeeze3A_157 : f32 to vector<16xf32>
      %mul3A_1354 = arith.mulf %mul3A_1353, %get3A_1332 : vector<16xf32>
      %sub3A_1355 = arith.subf %mul3A_1354, %get3A_1335 : vector<16xf32>
      %mul3A_1356 = arith.mulf %sub3A_1355, %convert_element_type3A_1352 : vector<16xf32>
      %max3A_1357 = arith.maximumf %max3A_1258, %mul3A_1356 : vector<16xf32>
      %get3A_1358 = arith.constant 2 : i32
      %get3A_1359 = arith.index_cast %get3A_1358 : i32 to index
      %get3A_1360 = arith.index_cast %multiple_of3A_1329 : i32 to index
      %get3A_1361 = tpu.vector_load %arg8[%get3A_1359, %get3A_1360] {strides = array<i32>} : memref<8x4096xi32, #tpu.memory_space<vmem>>, vector<1x16xi32>,
      %get3A_1362 = vector.shape_cast %get3A_1361 : vector<1x16xi32> to vector<16xi32>
      %convert_element_type3A_1363 = arith.sitofp %get3A_1362 : vector<16xi32> to vector<16xf32>
      %mul3A_1364 = vector.broadcast %squeeze3A_159 : f32 to vector<16xf32>
      %mul3A_1365 = arith.mulf %mul3A_1364, %get3A_1332 : vector<16xf32>
      %sub3A_1366 = arith.subf %mul3A_1365, %get3A_1335 : vector<16xf32>
      %mul3A_1367 = arith.mulf %sub3A_1366, %convert_element_type3A_1363 : vector<16xf32>
      %max3A_1368 = arith.maximumf %max3A_1269, %mul3A_1367 : vector<16xf32>
      %get3A_1369 = arith.constant 3 : i32
      %get3A_1370 = arith.index_cast %get3A_1369 : i32 to index
      %get3A_1371 = arith.index_cast %multiple_of3A_1329 : i32 to index
      %get3A_1372 = tpu.vector_load %arg8[%get3A_1370, %get3A_1371] {strides = array<i32>} : memref<8x4096xi32, #tpu.memory_space<vmem>>, vector<1x16xi32>,
      %get3A_1373 = vector.shape_cast %get3A_1372 : vector<1x16xi32> to vector<16xi32>
      %convert_element_type3A_1374 = arith.sitofp %get3A_1373 : vector<16xi32> to vector<16xf32>
      %mul3A_1375 = vector.broadcast %squeeze3A_161 : f32 to vector<16xf32>
      %mul3A_1376 = arith.mulf %mul3A_1375, %get3A_1332 : vector<16xf32>
      %sub3A_1377 = arith.subf %mul3A_1376, %get3A_1335 : vector<16xf32>
      %mul3A_1378 = arith.mulf %sub3A_1377, %convert_element_type3A_1374 : vector<16xf32>
      %max3A_1379 = arith.maximumf %max3A_1280, %mul3A_1378 : vector<16xf32>
      %get3A_1380 = arith.constant 4 : i32
      %get3A_1381 = arith.index_cast %get3A_1380 : i32 to index
      %get3A_1382 = arith.index_cast %multiple_of3A_1329 : i32 to index
      %get3A_1383 = tpu.vector_load %arg8[%get3A_1381, %get3A_1382] {strides = array<i32>} : memref<8x4096xi32, #tpu.memory_space<vmem>>, vector<1x16xi32>,
      %get3A_1384 = vector.shape_cast %get3A_1383 : vector<1x16xi32> to vector<16xi32>
      %convert_element_type3A_1385 = arith.sitofp %get3A_1384 : vector<16xi32> to vector<16xf32>
      %mul3A_1386 = vector.broadcast %squeeze3A_163 : f32 to vector<16xf32>
      %mul3A_1387 = arith.mulf %mul3A_1386, %get3A_1332 : vector<16xf32>
      %sub3A_1388 = arith.subf %mul3A_1387, %get3A_1335 : vector<16xf32>
      %mul3A_1389 = arith.mulf %sub3A_1388, %convert_element_type3A_1385 : vector<16xf32>
      %max3A_1390 = arith.maximumf %max3A_1291, %mul3A_1389 : vector<16xf32>
      %get3A_1391 = arith.constant 5 : i32
      %get3A_1392 = arith.index_cast %get3A_1391 : i32 to index
      %get3A_1393 = arith.index_cast %multiple_of3A_1329 : i32 to index
      %get3A_1394 = tpu.vector_load %arg8[%get3A_1392, %get3A_1393] {strides = array<i32>} : memref<8x4096xi32, #tpu.memory_space<vmem>>, vector<1x16xi32>,
      %get3A_1395 = vector.shape_cast %get3A_1394 : vector<1x16xi32> to vector<16xi32>
      %convert_element_type3A_1396 = arith.sitofp %get3A_1395 : vector<16xi32> to vector<16xf32>
      %mul3A_1397 = vector.broadcast %squeeze3A_165 : f32 to vector<16xf32>
      %mul3A_1398 = arith.mulf %mul3A_1397, %get3A_1332 : vector<16xf32>
      %sub3A_1399 = arith.subf %mul3A_1398, %get3A_1335 : vector<16xf32>
      %mul3A_1400 = arith.mulf %sub3A_1399, %convert_element_type3A_1396 : vector<16xf32>
      %max3A_1401 = arith.maximumf %max3A_1302, %mul3A_1400 : vector<16xf32>
      %get3A_1402 = arith.constant 6 : i32
      %get3A_1403 = arith.index_cast %get3A_1402 : i32 to index
      %get3A_1404 = arith.index_cast %multiple_of3A_1329 : i32 to index
      %get3A_1405 = tpu.vector_load %arg8[%get3A_1403, %get3A_1404] {strides = array<i32>} : memref<8x4096xi32, #tpu.memory_space<vmem>>, vector<1x16xi32>,
      %get3A_1406 = vector.shape_cast %get3A_1405 : vector<1x16xi32> to vector<16xi32>
      %convert_element_type3A_1407 = arith.sitofp %get3A_1406 : vector<16xi32> to vector<16xf32>
      %mul3A_1408 = vector.broadcast %squeeze3A_167 : f32 to vector<16xf32>
      %mul3A_1409 = arith.mulf %mul3A_1408, %get3A_1332 : vector<16xf32>
      %sub3A_1410 = arith.subf %mul3A_1409, %get3A_1335 : vector<16xf32>
      %mul3A_1411 = arith.mulf %sub3A_1410, %convert_element_type3A_1407 : vector<16xf32>
      %max3A_1412 = arith.maximumf %max3A_1313, %mul3A_1411 : vector<16xf32>
      %get3A_1413 = arith.constant 7 : i32
      %get3A_1414 = arith.index_cast %get3A_1413 : i32 to index
      %get3A_1415 = arith.index_cast %multiple_of3A_1329 : i32 to index
      %get3A_1416 = tpu.vector_load %arg8[%get3A_1414, %get3A_1415] {strides = array<i32>} : memref<8x4096xi32, #tpu.memory_space<vmem>>, vector<1x16xi32>,
      %get3A_1417 = vector.shape_cast %get3A_1416 : vector<1x16xi32> to vector<16xi32>
      %convert_element_type3A_1418 = arith.sitofp %get3A_1417 : vector<16xi32> to vector<16xf32>
      %mul3A_1419 = vector.broadcast %squeeze3A_169 : f32 to vector<16xf32>
      %mul3A_1420 = arith.mulf %mul3A_1419, %get3A_1332 : vector<16xf32>
      %sub3A_1421 = arith.subf %mul3A_1420, %get3A_1335 : vector<16xf32>
      %mul3A_1422 = arith.mulf %sub3A_1421, %convert_element_type3A_1418 : vector<16xf32>
      %max3A_1423 = arith.maximumf %max3A_1324, %mul3A_1422 : vector<16xf32>
      scf.yield %max3A_1346, %max3A_1357, %max3A_1368, %max3A_1379, %max3A_1390, %max3A_1401, %max3A_1412, %max3A_1423 : vector<16xf32>, vector<16xf32>, vector<16xf32>, vector<16xf32>, vector<16xf32>, vector<16xf32>, vector<16xf32>, vector<16xf32>
    }
    %scan3A_191 = arith.constant 256 : i32
    %iota3A = tpu.iota {dimensions = array<i32: 0>} : vector<16xi32>
    %broadcast_in_dim3A_192 = arith.constant 0.000000e+00 : f32
    %broadcast_in_dim3A_193 = vector.broadcast %broadcast_in_dim3A_192 : f32 to vector<16xf32>
    %eq3A = arith.constant 0 : i32
    %eq3A_194 = vector.broadcast %eq3A : i32 to vector<16xi32>
    %eq3A_195 = arith.cmpi eq, %iota3A, %eq3A_194 : vector<16xi32>
    %xor3A = arith.constant 1 : i32
    %xor3A_196 = vector.broadcast %xor3A : i32 to vector<16xi32>
    %xor3A_197 = arith.xori %iota3A, %xor3A_196 : vector<16xi32>
    %broadcast_in_dim3A_198 = vector.shape_cast %xor3A_197 : vector<16xi32> to vector<16x1xi32>
    %gather3A = vector.shape_cast %broadcast_in_dim3A_198 : vector<16x1xi32> to vector<16xi32>
    %gather3A_199 = tpu.dynamic_gather %scan3A_52#0[%gather3A] in [0] : vector<16xf32>, vector<16xi32> -> vector<16xf32>
    %max3A = arith.maximumf %scan3A_52#0, %gather3A_199 : vector<16xf32>
    %xor3A_200 = arith.constant 2 : i32
    %xor3A_201 = vector.broadcast %xor3A_200 : i32 to vector<16xi32>
    %xor3A_202 = arith.xori %iota3A, %xor3A_201 : vector<16xi32>
    %broadcast_in_dim3A_203 = vector.shape_cast %xor3A_202 : vector<16xi32> to vector<16x1xi32>
    %gather3A_204 = vector.shape_cast %broadcast_in_dim3A_203 : vector<16x1xi32> to vector<16xi32>
    %gather3A_205 = tpu.dynamic_gather %max3A[%gather3A_204] in [0] : vector<16xf32>, vector<16xi32> -> vector<16xf32>
    %max3A_206 = arith.maximumf %max3A, %gather3A_205 : vector<16xf32>
    %xor3A_207 = arith.constant 4 : i32
    %xor3A_208 = vector.broadcast %xor3A_207 : i32 to vector<16xi32>
    %xor3A_209 = arith.xori %iota3A, %xor3A_208 : vector<16xi32>
    %broadcast_in_dim3A_210 = vector.shape_cast %xor3A_209 : vector<16xi32> to vector<16x1xi32>
    %gather3A_211 = vector.shape_cast %broadcast_in_dim3A_210 : vector<16x1xi32> to vector<16xi32>
    %gather3A_212 = tpu.dynamic_gather %max3A_206[%gather3A_211] in [0] : vector<16xf32>, vector<16xi32> -> vector<16xf32>
    %max3A_213 = arith.maximumf %max3A_206, %gather3A_212 : vector<16xf32>
    %xor3A_214 = arith.constant 8 : i32
    %xor3A_215 = vector.broadcast %xor3A_214 : i32 to vector<16xi32>
    %xor3A_216 = arith.xori %iota3A, %xor3A_215 : vector<16xi32>
    %broadcast_in_dim3A_217 = vector.shape_cast %xor3A_216 : vector<16xi32> to vector<16x1xi32>
    %gather3A_218 = vector.shape_cast %broadcast_in_dim3A_217 : vector<16x1xi32> to vector<16xi32>
    %gather3A_219 = tpu.dynamic_gather %max3A_213[%gather3A_218] in [0] : vector<16xf32>, vector<16xi32> -> vector<16xf32>
    %max3A_220 = arith.maximumf %max3A_213, %gather3A_219 : vector<16xf32>
    %select_n3A = arith.select %eq3A_195, %max3A_220, %broadcast_in_dim3A_193 : vector<16xi1>, vector<16xf32>
    %eq3A_221 = arith.constant 1 : i32
    %eq3A_222 = vector.broadcast %eq3A_221 : i32 to vector<16xi32>
    %eq3A_223 = arith.cmpi eq, %iota3A, %eq3A_222 : vector<16xi32>
    %xor3A_224 = arith.constant 1 : i32
    %xor3A_225 = vector.broadcast %xor3A_224 : i32 to vector<16xi32>
    %xor3A_226 = arith.xori %iota3A, %xor3A_225 : vector<16xi32>
    %broadcast_in_dim3A_227 = vector.shape_cast %xor3A_226 : vector<16xi32> to vector<16x1xi32>
    %gather3A_228 = vector.shape_cast %broadcast_in_dim3A_227 : vector<16x1xi32> to vector<16xi32>
    %gather3A_229 = tpu.dynamic_gather %scan3A_52#1[%gather3A_228] in [0] : vector<16xf32>, vector<16xi32> -> vector<16xf32>
    %max3A_230 = arith.maximumf %scan3A_52#1, %gather3A_229 : vector<16xf32>
    %xor3A_231 = arith.constant 2 : i32
    %xor3A_232 = vector.broadcast %xor3A_231 : i32 to vector<16xi32>
    %xor3A_233 = arith.xori %iota3A, %xor3A_232 : vector<16xi32>
    %broadcast_in_dim3A_234 = vector.shape_cast %xor3A_233 : vector<16xi32> to vector<16x1xi32>
    %gather3A_235 = vector.shape_cast %broadcast_in_dim3A_234 : vector<16x1xi32> to vector<16xi32>
    %gather3A_236 = tpu.dynamic_gather %max3A_230[%gather3A_235] in [0] : vector<16xf32>, vector<16xi32> -> vector<16xf32>
    %max3A_237 = arith.maximumf %max3A_230, %gather3A_236 : vector<16xf32>
    %xor3A_238 = arith.constant 4 : i32
    %xor3A_239 = vector.broadcast %xor3A_238 : i32 to vector<16xi32>
    %xor3A_240 = arith.xori %iota3A, %xor3A_239 : vector<16xi32>
    %broadcast_in_dim3A_241 = vector.shape_cast %xor3A_240 : vector<16xi32> to vector<16x1xi32>
    %gather3A_242 = vector.shape_cast %broadcast_in_dim3A_241 : vector<16x1xi32> to vector<16xi32>
    %gather3A_243 = tpu.dynamic_gather %max3A_237[%gather3A_242] in [0] : vector<16xf32>, vector<16xi32> -> vector<16xf32>
    %max3A_244 = arith.maximumf %max3A_237, %gather3A_243 : vector<16xf32>
    %xor3A_245 = arith.constant 8 : i32
    %xor3A_246 = vector.broadcast %xor3A_245 : i32 to vector<16xi32>
    %xor3A_247 = arith.xori %iota3A, %xor3A_246 : vector<16xi32>
    %broadcast_in_dim3A_248 = vector.shape_cast %xor3A_247 : vector<16xi32> to vector<16x1xi32>
    %gather3A_249 = vector.shape_cast %broadcast_in_dim3A_248 : vector<16x1xi32> to vector<16xi32>
    %gather3A_250 = tpu.dynamic_gather %max3A_244[%gather3A_249] in [0] : vector<16xf32>, vector<16xi32> -> vector<16xf32>
    %max3A_251 = arith.maximumf %max3A_244, %gather3A_250 : vector<16xf32>
    %select_n3A_252 = arith.select %eq3A_223, %max3A_251, %select_n3A : vector<16xi1>, vector<16xf32>
    %eq3A_253 = arith.constant 2 : i32
    %eq3A_254 = vector.broadcast %eq3A_253 : i32 to vector<16xi32>
    %eq3A_255 = arith.cmpi eq, %iota3A, %eq3A_254 : vector<16xi32>
    %xor3A_256 = arith.constant 1 : i32
    %xor3A_257 = vector.broadcast %xor3A_256 : i32 to vector<16xi32>
    %xor3A_258 = arith.xori %iota3A, %xor3A_257 : vector<16xi32>
    %broadcast_in_dim3A_259 = vector.shape_cast %xor3A_258 : vector<16xi32> to vector<16x1xi32>
    %gather3A_260 = vector.shape_cast %broadcast_in_dim3A_259 : vector<16x1xi32> to vector<16xi32>
    %gather3A_261 = tpu.dynamic_gather %scan3A_52#2[%gather3A_260] in [0] : vector<16xf32>, vector<16xi32> -> vector<16xf32>
    %max3A_262 = arith.maximumf %scan3A_52#2, %gather3A_261 : vector<16xf32>
    %xor3A_263 = arith.constant 2 : i32
    %xor3A_264 = vector.broadcast %xor3A_263 : i32 to vector<16xi32>
    %xor3A_265 = arith.xori %iota3A, %xor3A_264 : vector<16xi32>
    %broadcast_in_dim3A_266 = vector.shape_cast %xor3A_265 : vector<16xi32> to vector<16x1xi32>
    %gather3A_267 = vector.shape_cast %broadcast_in_dim3A_266 : vector<16x1xi32> to vector<16xi32>
    %gather3A_268 = tpu.dynamic_gather %max3A_262[%gather3A_267] in [0] : vector<16xf32>, vector<16xi32> -> vector<16xf32>
    %max3A_269 = arith.maximumf %max3A_262, %gather3A_268 : vector<16xf32>
    %xor3A_270 = arith.constant 4 : i32
    %xor3A_271 = vector.broadcast %xor3A_270 : i32 to vector<16xi32>
    %xor3A_272 = arith.xori %iota3A, %xor3A_271 : vector<16xi32>
    %broadcast_in_dim3A_273 = vector.shape_cast %xor3A_272 : vector<16xi32> to vector<16x1xi32>
    %gather3A_274 = vector.shape_cast %broadcast_in_dim3A_273 : vector<16x1xi32> to vector<16xi32>
    %gather3A_275 = tpu.dynamic_gather %max3A_269[%gather3A_274] in [0] : vector<16xf32>, vector<16xi32> -> vector<16xf32>
    %max3A_276 = arith.maximumf %max3A_269, %gather3A_275 : vector<16xf32>
    %xor3A_277 = arith.constant 8 : i32
    %xor3A_278 = vector.broadcast %xor3A_277 : i32 to vector<16xi32>
    %xor3A_279 = arith.xori %iota3A, %xor3A_278 : vector<16xi32>
    %broadcast_in_dim3A_280 = vector.shape_cast %xor3A_279 : vector<16xi32> to vector<16x1xi32>
    %gather3A_281 = vector.shape_cast %broadcast_in_dim3A_280 : vector<16x1xi32> to vector<16xi32>
    %gather3A_282 = tpu.dynamic_gather %max3A_276[%gather3A_281] in [0] : vector<16xf32>, vector<16xi32> -> vector<16xf32>
    %max3A_283 = arith.maximumf %max3A_276, %gather3A_282 : vector<16xf32>
    %select_n3A_284 = arith.select %eq3A_255, %max3A_283, %select_n3A_252 : vector<16xi1>, vector<16xf32>
    %eq3A_285 = arith.constant 3 : i32
    %eq3A_286 = vector.broadcast %eq3A_285 : i32 to vector<16xi32>
    %eq3A_287 = arith.cmpi eq, %iota3A, %eq3A_286 : vector<16xi32>
    %xor3A_288 = arith.constant 1 : i32
    %xor3A_289 = vector.broadcast %xor3A_288 : i32 to vector<16xi32>
    %xor3A_290 = arith.xori %iota3A, %xor3A_289 : vector<16xi32>
    %broadcast_in_dim3A_291 = vector.shape_cast %xor3A_290 : vector<16xi32> to vector<16x1xi32>
    %gather3A_292 = vector.shape_cast %broadcast_in_dim3A_291 : vector<16x1xi32> to vector<16xi32>
    %gather3A_293 = tpu.dynamic_gather %scan3A_52#3[%gather3A_292] in [0] : vector<16xf32>, vector<16xi32> -> vector<16xf32>
    %max3A_294 = arith.maximumf %scan3A_52#3, %gather3A_293 : vector<16xf32>
    %xor3A_295 = arith.constant 2 : i32
    %xor3A_296 = vector.broadcast %xor3A_295 : i32 to vector<16xi32>
    %xor3A_297 = arith.xori %iota3A, %xor3A_296 : vector<16xi32>
    %broadcast_in_dim3A_298 = vector.shape_cast %xor3A_297 : vector<16xi32> to vector<16x1xi32>
    %gather3A_299 = vector.shape_cast %broadcast_in_dim3A_298 : vector<16x1xi32> to vector<16xi32>
    %gather3A_300 = tpu.dynamic_gather %max3A_294[%gather3A_299] in [0] : vector<16xf32>, vector<16xi32> -> vector<16xf32>
    %max3A_301 = arith.maximumf %max3A_294, %gather3A_300 : vector<16xf32>
    %xor3A_302 = arith.constant 4 : i32
    %xor3A_303 = vector.broadcast %xor3A_302 : i32 to vector<16xi32>
    %xor3A_304 = arith.xori %iota3A, %xor3A_303 : vector<16xi32>
    %broadcast_in_dim3A_305 = vector.shape_cast %xor3A_304 : vector<16xi32> to vector<16x1xi32>
    %gather3A_306 = vector.shape_cast %broadcast_in_dim3A_305 : vector<16x1xi32> to vector<16xi32>
    %gather3A_307 = tpu.dynamic_gather %max3A_301[%gather3A_306] in [0] : vector<16xf32>, vector<16xi32> -> vector<16xf32>
    %max3A_308 = arith.maximumf %max3A_301, %gather3A_307 : vector<16xf32>
    %xor3A_309 = arith.constant 8 : i32
    %xor3A_310 = vector.broadcast %xor3A_309 : i32 to vector<16xi32>
    %xor3A_311 = arith.xori %iota3A, %xor3A_310 : vector<16xi32>
    %broadcast_in_dim3A_312 = vector.shape_cast %xor3A_311 : vector<16xi32> to vector<16x1xi32>
    %gather3A_313 = vector.shape_cast %broadcast_in_dim3A_312 : vector<16x1xi32> to vector<16xi32>
    %gather3A_314 = tpu.dynamic_gather %max3A_308[%gather3A_313] in [0] : vector<16xf32>, vector<16xi32> -> vector<16xf32>
    %max3A_315 = arith.maximumf %max3A_308, %gather3A_314 : vector<16xf32>
    %select_n3A_316 = arith.select %eq3A_287, %max3A_315, %select_n3A_284 : vector<16xi1>, vector<16xf32>
    %eq3A_317 = arith.constant 4 : i32
    %eq3A_318 = vector.broadcast %eq3A_317 : i32 to vector<16xi32>
    %eq3A_319 = arith.cmpi eq, %iota3A, %eq3A_318 : vector<16xi32>
    %xor3A_320 = arith.constant 1 : i32
    %xor3A_321 = vector.broadcast %xor3A_320 : i32 to vector<16xi32>
    %xor3A_322 = arith.xori %iota3A, %xor3A_321 : vector<16xi32>
    %broadcast_in_dim3A_323 = vector.shape_cast %xor3A_322 : vector<16xi32> to vector<16x1xi32>
    %gather3A_324 = vector.shape_cast %broadcast_in_dim3A_323 : vector<16x1xi32> to vector<16xi32>
    %gather3A_325 = tpu.dynamic_gather %scan3A_52#4[%gather3A_324] in [0] : vector<16xf32>, vector<16xi32> -> vector<16xf32>
    %max3A_326 = arith.maximumf %scan3A_52#4, %gather3A_325 : vector<16xf32>
    %xor3A_327 = arith.constant 2 : i32
    %xor3A_328 = vector.broadcast %xor3A_327 : i32 to vector<16xi32>
    %xor3A_329 = arith.xori %iota3A, %xor3A_328 : vector<16xi32>
    %broadcast_in_dim3A_330 = vector.shape_cast %xor3A_329 : vector<16xi32> to vector<16x1xi32>
    %gather3A_331 = vector.shape_cast %broadcast_in_dim3A_330 : vector<16x1xi32> to vector<16xi32>
    %gather3A_332 = tpu.dynamic_gather %max3A_326[%gather3A_331] in [0] : vector<16xf32>, vector<16xi32> -> vector<16xf32>
    %max3A_333 = arith.maximumf %max3A_326, %gather3A_332 : vector<16xf32>
    %xor3A_334 = arith.constant 4 : i32
    %xor3A_335 = vector.broadcast %xor3A_334 : i32 to vector<16xi32>
    %xor3A_336 = arith.xori %iota3A, %xor3A_335 : vector<16xi32>
    %broadcast_in_dim3A_337 = vector.shape_cast %xor3A_336 : vector<16xi32> to vector<16x1xi32>
    %gather3A_338 = vector.shape_cast %broadcast_in_dim3A_337 : vector<16x1xi32> to vector<16xi32>
    %gather3A_339 = tpu.dynamic_gather %max3A_333[%gather3A_338] in [0] : vector<16xf32>, vector<16xi32> -> vector<16xf32>
    %max3A_340 = arith.maximumf %max3A_333, %gather3A_339 : vector<16xf32>
    %xor3A_341 = arith.constant 8 : i32
    %xor3A_342 = vector.broadcast %xor3A_341 : i32 to vector<16xi32>
    %xor3A_343 = arith.xori %iota3A, %xor3A_342 : vector<16xi32>
    %broadcast_in_dim3A_344 = vector.shape_cast %xor3A_343 : vector<16xi32> to vector<16x1xi32>
    %gather3A_345 = vector.shape_cast %broadcast_in_dim3A_344 : vector<16x1xi32> to vector<16xi32>
    %gather3A_346 = tpu.dynamic_gather %max3A_340[%gather3A_345] in [0] : vector<16xf32>, vector<16xi32> -> vector<16xf32>
    %max3A_347 = arith.maximumf %max3A_340, %gather3A_346 : vector<16xf32>
    %select_n3A_348 = arith.select %eq3A_319, %max3A_347, %select_n3A_316 : vector<16xi1>, vector<16xf32>
    %eq3A_349 = arith.constant 5 : i32
    %eq3A_350 = vector.broadcast %eq3A_349 : i32 to vector<16xi32>
    %eq3A_351 = arith.cmpi eq, %iota3A, %eq3A_350 : vector<16xi32>
    %xor3A_352 = arith.constant 1 : i32
    %xor3A_353 = vector.broadcast %xor3A_352 : i32 to vector<16xi32>
    %xor3A_354 = arith.xori %iota3A, %xor3A_353 : vector<16xi32>
    %broadcast_in_dim3A_355 = vector.shape_cast %xor3A_354 : vector<16xi32> to vector<16x1xi32>
    %gather3A_356 = vector.shape_cast %broadcast_in_dim3A_355 : vector<16x1xi32> to vector<16xi32>
    %gather3A_357 = tpu.dynamic_gather %scan3A_52#5[%gather3A_356] in [0] : vector<16xf32>, vector<16xi32> -> vector<16xf32>
    %max3A_358 = arith.maximumf %scan3A_52#5, %gather3A_357 : vector<16xf32>
    %xor3A_359 = arith.constant 2 : i32
    %xor3A_360 = vector.broadcast %xor3A_359 : i32 to vector<16xi32>
    %xor3A_361 = arith.xori %iota3A, %xor3A_360 : vector<16xi32>
    %broadcast_in_dim3A_362 = vector.shape_cast %xor3A_361 : vector<16xi32> to vector<16x1xi32>
    %gather3A_363 = vector.shape_cast %broadcast_in_dim3A_362 : vector<16x1xi32> to vector<16xi32>
    %gather3A_364 = tpu.dynamic_gather %max3A_358[%gather3A_363] in [0] : vector<16xf32>, vector<16xi32> -> vector<16xf32>
    %max3A_365 = arith.maximumf %max3A_358, %gather3A_364 : vector<16xf32>
    %xor3A_366 = arith.constant 4 : i32
    %xor3A_367 = vector.broadcast %xor3A_366 : i32 to vector<16xi32>
    %xor3A_368 = arith.xori %iota3A, %xor3A_367 : vector<16xi32>
    %broadcast_in_dim3A_369 = vector.shape_cast %xor3A_368 : vector<16xi32> to vector<16x1xi32>
    %gather3A_370 = vector.shape_cast %broadcast_in_dim3A_369 : vector<16x1xi32> to vector<16xi32>
    %gather3A_371 = tpu.dynamic_gather %max3A_365[%gather3A_370] in [0] : vector<16xf32>, vector<16xi32> -> vector<16xf32>
    %max3A_372 = arith.maximumf %max3A_365, %gather3A_371 : vector<16xf32>
    %xor3A_373 = arith.constant 8 : i32
    %xor3A_374 = vector.broadcast %xor3A_373 : i32 to vector<16xi32>
    %xor3A_375 = arith.xori %iota3A, %xor3A_374 : vector<16xi32>
    %broadcast_in_dim3A_376 = vector.shape_cast %xor3A_375 : vector<16xi32> to vector<16x1xi32>
    %gather3A_377 = vector.shape_cast %broadcast_in_dim3A_376 : vector<16x1xi32> to vector<16xi32>
    %gather3A_378 = tpu.dynamic_gather %max3A_372[%gather3A_377] in [0] : vector<16xf32>, vector<16xi32> -> vector<16xf32>
    %max3A_379 = arith.maximumf %max3A_372, %gather3A_378 : vector<16xf32>
    %select_n3A_380 = arith.select %eq3A_351, %max3A_379, %select_n3A_348 : vector<16xi1>, vector<16xf32>
    %eq3A_381 = arith.constant 6 : i32
    %eq3A_382 = vector.broadcast %eq3A_381 : i32 to vector<16xi32>
    %eq3A_383 = arith.cmpi eq, %iota3A, %eq3A_382 : vector<16xi32>
    %xor3A_384 = arith.constant 1 : i32
    %xor3A_385 = vector.broadcast %xor3A_384 : i32 to vector<16xi32>
    %xor3A_386 = arith.xori %iota3A, %xor3A_385 : vector<16xi32>
    %broadcast_in_dim3A_387 = vector.shape_cast %xor3A_386 : vector<16xi32> to vector<16x1xi32>
    %gather3A_388 = vector.shape_cast %broadcast_in_dim3A_387 : vector<16x1xi32> to vector<16xi32>
    %gather3A_389 = tpu.dynamic_gather %scan3A_52#6[%gather3A_388] in [0] : vector<16xf32>, vector<16xi32> -> vector<16xf32>
    %max3A_390 = arith.maximumf %scan3A_52#6, %gather3A_389 : vector<16xf32>
    %xor3A_391 = arith.constant 2 : i32
    %xor3A_392 = vector.broadcast %xor3A_391 : i32 to vector<16xi32>
    %xor3A_393 = arith.xori %iota3A, %xor3A_392 : vector<16xi32>
    %broadcast_in_dim3A_394 = vector.shape_cast %xor3A_393 : vector<16xi32> to vector<16x1xi32>
    %gather3A_395 = vector.shape_cast %broadcast_in_dim3A_394 : vector<16x1xi32> to vector<16xi32>
    %gather3A_396 = tpu.dynamic_gather %max3A_390[%gather3A_395] in [0] : vector<16xf32>, vector<16xi32> -> vector<16xf32>
    %max3A_397 = arith.maximumf %max3A_390, %gather3A_396 : vector<16xf32>
    %xor3A_398 = arith.constant 4 : i32
    %xor3A_399 = vector.broadcast %xor3A_398 : i32 to vector<16xi32>
    %xor3A_400 = arith.xori %iota3A, %xor3A_399 : vector<16xi32>
    %broadcast_in_dim3A_401 = vector.shape_cast %xor3A_400 : vector<16xi32> to vector<16x1xi32>
    %gather3A_402 = vector.shape_cast %broadcast_in_dim3A_401 : vector<16x1xi32> to vector<16xi32>
    %gather3A_403 = tpu.dynamic_gather %max3A_397[%gather3A_402] in [0] : vector<16xf32>, vector<16xi32> -> vector<16xf32>
    %max3A_404 = arith.maximumf %max3A_397, %gather3A_403 : vector<16xf32>
    %xor3A_405 = arith.constant 8 : i32
    %xor3A_406 = vector.broadcast %xor3A_405 : i32 to vector<16xi32>
    %xor3A_407 = arith.xori %iota3A, %xor3A_406 : vector<16xi32>
    %broadcast_in_dim3A_408 = vector.shape_cast %xor3A_407 : vector<16xi32> to vector<16x1xi32>
    %gather3A_409 = vector.shape_cast %broadcast_in_dim3A_408 : vector<16x1xi32> to vector<16xi32>
    %gather3A_410 = tpu.dynamic_gather %max3A_404[%gather3A_409] in [0] : vector<16xf32>, vector<16xi32> -> vector<16xf32>
    %max3A_411 = arith.maximumf %max3A_404, %gather3A_410 : vector<16xf32>
    %select_n3A_412 = arith.select %eq3A_383, %max3A_411, %select_n3A_380 : vector<16xi1>, vector<16xf32>
    %eq3A_413 = arith.constant 7 : i32
    %eq3A_414 = vector.broadcast %eq3A_413 : i32 to vector<16xi32>
    %eq3A_415 = arith.cmpi eq, %iota3A, %eq3A_414 : vector<16xi32>
    %xor3A_416 = arith.constant 1 : i32
    %xor3A_417 = vector.broadcast %xor3A_416 : i32 to vector<16xi32>
    %xor3A_418 = arith.xori %iota3A, %xor3A_417 : vector<16xi32>
    %broadcast_in_dim3A_419 = vector.shape_cast %xor3A_418 : vector<16xi32> to vector<16x1xi32>
    %gather3A_420 = vector.shape_cast %broadcast_in_dim3A_419 : vector<16x1xi32> to vector<16xi32>
    %gather3A_421 = tpu.dynamic_gather %scan3A_52#7[%gather3A_420] in [0] : vector<16xf32>, vector<16xi32> -> vector<16xf32>
    %max3A_422 = arith.maximumf %scan3A_52#7, %gather3A_421 : vector<16xf32>
    %xor3A_423 = arith.constant 2 : i32
    %xor3A_424 = vector.broadcast %xor3A_423 : i32 to vector<16xi32>
    %xor3A_425 = arith.xori %iota3A, %xor3A_424 : vector<16xi32>
    %broadcast_in_dim3A_426 = vector.shape_cast %xor3A_425 : vector<16xi32> to vector<16x1xi32>
    %gather3A_427 = vector.shape_cast %broadcast_in_dim3A_426 : vector<16x1xi32> to vector<16xi32>
    %gather3A_428 = tpu.dynamic_gather %max3A_422[%gather3A_427] in [0] : vector<16xf32>, vector<16xi32> -> vector<16xf32>
    %max3A_429 = arith.maximumf %max3A_422, %gather3A_428 : vector<16xf32>
    %xor3A_430 = arith.constant 4 : i32
    %xor3A_431 = vector.broadcast %xor3A_430 : i32 to vector<16xi32>
    %xor3A_432 = arith.xori %iota3A, %xor3A_431 : vector<16xi32>
    %broadcast_in_dim3A_433 = vector.shape_cast %xor3A_432 : vector<16xi32> to vector<16x1xi32>
    %gather3A_434 = vector.shape_cast %broadcast_in_dim3A_433 : vector<16x1xi32> to vector<16xi32>
    %gather3A_435 = tpu.dynamic_gather %max3A_429[%gather3A_434] in [0] : vector<16xf32>, vector<16xi32> -> vector<16xf32>
    %max3A_436 = arith.maximumf %max3A_429, %gather3A_435 : vector<16xf32>
    %xor3A_437 = arith.constant 8 : i32
    %xor3A_438 = vector.broadcast %xor3A_437 : i32 to vector<16xi32>
    %xor3A_439 = arith.xori %iota3A, %xor3A_438 : vector<16xi32>
    %broadcast_in_dim3A_440 = vector.shape_cast %xor3A_439 : vector<16xi32> to vector<16x1xi32>
    %gather3A_441 = vector.shape_cast %broadcast_in_dim3A_440 : vector<16x1xi32> to vector<16xi32>
    %gather3A_442 = tpu.dynamic_gather %max3A_436[%gather3A_441] in [0] : vector<16xf32>, vector<16xi32> -> vector<16xf32>
    %max3A_443 = arith.maximumf %max3A_436, %gather3A_442 : vector<16xf32>
    %select_n3A_444 = arith.select %eq3A_415, %max3A_443, %select_n3A_412 : vector<16xi1>, vector<16xf32>
    %eq3A_445 = arith.constant 8 : i32
    %eq3A_446 = vector.broadcast %eq3A_445 : i32 to vector<16xi32>
    %eq3A_447 = arith.cmpi eq, %iota3A, %eq3A_446 : vector<16xi32>
    %xor3A_448 = arith.constant 1 : i32
    %xor3A_449 = vector.broadcast %xor3A_448 : i32 to vector<16xi32>
    %xor3A_450 = arith.xori %iota3A, %xor3A_449 : vector<16xi32>
    %broadcast_in_dim3A_451 = vector.shape_cast %xor3A_450 : vector<16xi32> to vector<16x1xi32>
    %gather3A_452 = vector.shape_cast %broadcast_in_dim3A_451 : vector<16x1xi32> to vector<16xi32>
    %gather3A_453 = tpu.dynamic_gather %scan3A_100#0[%gather3A_452] in [0] : vector<16xf32>, vector<16xi32> -> vector<16xf32>
    %max3A_454 = arith.maximumf %scan3A_100#0, %gather3A_453 : vector<16xf32>
    %xor3A_455 = arith.constant 2 : i32
    %xor3A_456 = vector.broadcast %xor3A_455 : i32 to vector<16xi32>
    %xor3A_457 = arith.xori %iota3A, %xor3A_456 : vector<16xi32>
    %broadcast_in_dim3A_458 = vector.shape_cast %xor3A_457 : vector<16xi32> to vector<16x1xi32>
    %gather3A_459 = vector.shape_cast %broadcast_in_dim3A_458 : vector<16x1xi32> to vector<16xi32>
    %gather3A_460 = tpu.dynamic_gather %max3A_454[%gather3A_459] in [0] : vector<16xf32>, vector<16xi32> -> vector<16xf32>
    %max3A_461 = arith.maximumf %max3A_454, %gather3A_460 : vector<16xf32>
    %xor3A_462 = arith.constant 4 : i32
    %xor3A_463 = vector.broadcast %xor3A_462 : i32 to vector<16xi32>
    %xor3A_464 = arith.xori %iota3A, %xor3A_463 : vector<16xi32>
    %broadcast_in_dim3A_465 = vector.shape_cast %xor3A_464 : vector<16xi32> to vector<16x1xi32>
    %gather3A_466 = vector.shape_cast %broadcast_in_dim3A_465 : vector<16x1xi32> to vector<16xi32>
    %gather3A_467 = tpu.dynamic_gather %max3A_461[%gather3A_466] in [0] : vector<16xf32>, vector<16xi32> -> vector<16xf32>
    %max3A_468 = arith.maximumf %max3A_461, %gather3A_467 : vector<16xf32>
    %xor3A_469 = arith.constant 8 : i32
    %xor3A_470 = vector.broadcast %xor3A_469 : i32 to vector<16xi32>
    %xor3A_471 = arith.xori %iota3A, %xor3A_470 : vector<16xi32>
    %broadcast_in_dim3A_472 = vector.shape_cast %xor3A_471 : vector<16xi32> to vector<16x1xi32>
    %gather3A_473 = vector.shape_cast %broadcast_in_dim3A_472 : vector<16x1xi32> to vector<16xi32>
    %gather3A_474 = tpu.dynamic_gather %max3A_468[%gather3A_473] in [0] : vector<16xf32>, vector<16xi32> -> vector<16xf32>
    %max3A_475 = arith.maximumf %max3A_468, %gather3A_474 : vector<16xf32>
    %select_n3A_476 = arith.select %eq3A_447, %max3A_475, %select_n3A_444 : vector<16xi1>, vector<16xf32>
    %eq3A_477 = arith.constant 9 : i32
    %eq3A_478 = vector.broadcast %eq3A_477 : i32 to vector<16xi32>
    %eq3A_479 = arith.cmpi eq, %iota3A, %eq3A_478 : vector<16xi32>
    %xor3A_480 = arith.constant 1 : i32
    %xor3A_481 = vector.broadcast %xor3A_480 : i32 to vector<16xi32>
    %xor3A_482 = arith.xori %iota3A, %xor3A_481 : vector<16xi32>
    %broadcast_in_dim3A_483 = vector.shape_cast %xor3A_482 : vector<16xi32> to vector<16x1xi32>
    %gather3A_484 = vector.shape_cast %broadcast_in_dim3A_483 : vector<16x1xi32> to vector<16xi32>
    %gather3A_485 = tpu.dynamic_gather %scan3A_100#1[%gather3A_484] in [0] : vector<16xf32>, vector<16xi32> -> vector<16xf32>
    %max3A_486 = arith.maximumf %scan3A_100#1, %gather3A_485 : vector<16xf32>
    %xor3A_487 = arith.constant 2 : i32
    %xor3A_488 = vector.broadcast %xor3A_487 : i32 to vector<16xi32>
    %xor3A_489 = arith.xori %iota3A, %xor3A_488 : vector<16xi32>
    %broadcast_in_dim3A_490 = vector.shape_cast %xor3A_489 : vector<16xi32> to vector<16x1xi32>
    %gather3A_491 = vector.shape_cast %broadcast_in_dim3A_490 : vector<16x1xi32> to vector<16xi32>
    %gather3A_492 = tpu.dynamic_gather %max3A_486[%gather3A_491] in [0] : vector<16xf32>, vector<16xi32> -> vector<16xf32>
    %max3A_493 = arith.maximumf %max3A_486, %gather3A_492 : vector<16xf32>
    %xor3A_494 = arith.constant 4 : i32
    %xor3A_495 = vector.broadcast %xor3A_494 : i32 to vector<16xi32>
    %xor3A_496 = arith.xori %iota3A, %xor3A_495 : vector<16xi32>
    %broadcast_in_dim3A_497 = vector.shape_cast %xor3A_496 : vector<16xi32> to vector<16x1xi32>
    %gather3A_498 = vector.shape_cast %broadcast_in_dim3A_497 : vector<16x1xi32> to vector<16xi32>
    %gather3A_499 = tpu.dynamic_gather %max3A_493[%gather3A_498] in [0] : vector<16xf32>, vector<16xi32> -> vector<16xf32>
    %max3A_500 = arith.maximumf %max3A_493, %gather3A_499 : vector<16xf32>
    %xor3A_501 = arith.constant 8 : i32
    %xor3A_502 = vector.broadcast %xor3A_501 : i32 to vector<16xi32>
    %xor3A_503 = arith.xori %iota3A, %xor3A_502 : vector<16xi32>
    %broadcast_in_dim3A_504 = vector.shape_cast %xor3A_503 : vector<16xi32> to vector<16x1xi32>
    %gather3A_505 = vector.shape_cast %broadcast_in_dim3A_504 : vector<16x1xi32> to vector<16xi32>
    %gather3A_506 = tpu.dynamic_gather %max3A_500[%gather3A_505] in [0] : vector<16xf32>, vector<16xi32> -> vector<16xf32>
    %max3A_507 = arith.maximumf %max3A_500, %gather3A_506 : vector<16xf32>
    %select_n3A_508 = arith.select %eq3A_479, %max3A_507, %select_n3A_476 : vector<16xi1>, vector<16xf32>
    %eq3A_509 = arith.constant 10 : i32
    %eq3A_510 = vector.broadcast %eq3A_509 : i32 to vector<16xi32>
    %eq3A_511 = arith.cmpi eq, %iota3A, %eq3A_510 : vector<16xi32>
    %xor3A_512 = arith.constant 1 : i32
    %xor3A_513 = vector.broadcast %xor3A_512 : i32 to vector<16xi32>
    %xor3A_514 = arith.xori %iota3A, %xor3A_513 : vector<16xi32>
    %broadcast_in_dim3A_515 = vector.shape_cast %xor3A_514 : vector<16xi32> to vector<16x1xi32>
    %gather3A_516 = vector.shape_cast %broadcast_in_dim3A_515 : vector<16x1xi32> to vector<16xi32>
    %gather3A_517 = tpu.dynamic_gather %scan3A_100#2[%gather3A_516] in [0] : vector<16xf32>, vector<16xi32> -> vector<16xf32>
    %max3A_518 = arith.maximumf %scan3A_100#2, %gather3A_517 : vector<16xf32>
    %xor3A_519 = arith.constant 2 : i32
    %xor3A_520 = vector.broadcast %xor3A_519 : i32 to vector<16xi32>
    %xor3A_521 = arith.xori %iota3A, %xor3A_520 : vector<16xi32>
    %broadcast_in_dim3A_522 = vector.shape_cast %xor3A_521 : vector<16xi32> to vector<16x1xi32>
    %gather3A_523 = vector.shape_cast %broadcast_in_dim3A_522 : vector<16x1xi32> to vector<16xi32>
    %gather3A_524 = tpu.dynamic_gather %max3A_518[%gather3A_523] in [0] : vector<16xf32>, vector<16xi32> -> vector<16xf32>
    %max3A_525 = arith.maximumf %max3A_518, %gather3A_524 : vector<16xf32>
    %xor3A_526 = arith.constant 4 : i32
    %xor3A_527 = vector.broadcast %xor3A_526 : i32 to vector<16xi32>
    %xor3A_528 = arith.xori %iota3A, %xor3A_527 : vector<16xi32>
    %broadcast_in_dim3A_529 = vector.shape_cast %xor3A_528 : vector<16xi32> to vector<16x1xi32>
    %gather3A_530 = vector.shape_cast %broadcast_in_dim3A_529 : vector<16x1xi32> to vector<16xi32>
    %gather3A_531 = tpu.dynamic_gather %max3A_525[%gather3A_530] in [0] : vector<16xf32>, vector<16xi32> -> vector<16xf32>
    %max3A_532 = arith.maximumf %max3A_525, %gather3A_531 : vector<16xf32>
    %xor3A_533 = arith.constant 8 : i32
    %xor3A_534 = vector.broadcast %xor3A_533 : i32 to vector<16xi32>
    %xor3A_535 = arith.xori %iota3A, %xor3A_534 : vector<16xi32>
    %broadcast_in_dim3A_536 = vector.shape_cast %xor3A_535 : vector<16xi32> to vector<16x1xi32>
    %gather3A_537 = vector.shape_cast %broadcast_in_dim3A_536 : vector<16x1xi32> to vector<16xi32>
    %gather3A_538 = tpu.dynamic_gather %max3A_532[%gather3A_537] in [0] : vector<16xf32>, vector<16xi32> -> vector<16xf32>
    %max3A_539 = arith.maximumf %max3A_532, %gather3A_538 : vector<16xf32>
    %select_n3A_540 = arith.select %eq3A_511, %max3A_539, %select_n3A_508 : vector<16xi1>, vector<16xf32>
    %eq3A_541 = arith.constant 11 : i32
    %eq3A_542 = vector.broadcast %eq3A_541 : i32 to vector<16xi32>
    %eq3A_543 = arith.cmpi eq, %iota3A, %eq3A_542 : vector<16xi32>
    %xor3A_544 = arith.constant 1 : i32
    %xor3A_545 = vector.broadcast %xor3A_544 : i32 to vector<16xi32>
    %xor3A_546 = arith.xori %iota3A, %xor3A_545 : vector<16xi32>
    %broadcast_in_dim3A_547 = vector.shape_cast %xor3A_546 : vector<16xi32> to vector<16x1xi32>
    %gather3A_548 = vector.shape_cast %broadcast_in_dim3A_547 : vector<16x1xi32> to vector<16xi32>
    %gather3A_549 = tpu.dynamic_gather %scan3A_100#3[%gather3A_548] in [0] : vector<16xf32>, vector<16xi32> -> vector<16xf32>
    %max3A_550 = arith.maximumf %scan3A_100#3, %gather3A_549 : vector<16xf32>
    %xor3A_551 = arith.constant 2 : i32
    %xor3A_552 = vector.broadcast %xor3A_551 : i32 to vector<16xi32>
    %xor3A_553 = arith.xori %iota3A, %xor3A_552 : vector<16xi32>
    %broadcast_in_dim3A_554 = vector.shape_cast %xor3A_553 : vector<16xi32> to vector<16x1xi32>
    %gather3A_555 = vector.shape_cast %broadcast_in_dim3A_554 : vector<16x1xi32> to vector<16xi32>
    %gather3A_556 = tpu.dynamic_gather %max3A_550[%gather3A_555] in [0] : vector<16xf32>, vector<16xi32> -> vector<16xf32>
    %max3A_557 = arith.maximumf %max3A_550, %gather3A_556 : vector<16xf32>
    %xor3A_558 = arith.constant 4 : i32
    %xor3A_559 = vector.broadcast %xor3A_558 : i32 to vector<16xi32>
    %xor3A_560 = arith.xori %iota3A, %xor3A_559 : vector<16xi32>
    %broadcast_in_dim3A_561 = vector.shape_cast %xor3A_560 : vector<16xi32> to vector<16x1xi32>
    %gather3A_562 = vector.shape_cast %broadcast_in_dim3A_561 : vector<16x1xi32> to vector<16xi32>
    %gather3A_563 = tpu.dynamic_gather %max3A_557[%gather3A_562] in [0] : vector<16xf32>, vector<16xi32> -> vector<16xf32>
    %max3A_564 = arith.maximumf %max3A_557, %gather3A_563 : vector<16xf32>
    %xor3A_565 = arith.constant 8 : i32
    %xor3A_566 = vector.broadcast %xor3A_565 : i32 to vector<16xi32>
    %xor3A_567 = arith.xori %iota3A, %xor3A_566 : vector<16xi32>
    %broadcast_in_dim3A_568 = vector.shape_cast %xor3A_567 : vector<16xi32> to vector<16x1xi32>
    %gather3A_569 = vector.shape_cast %broadcast_in_dim3A_568 : vector<16x1xi32> to vector<16xi32>
    %gather3A_570 = tpu.dynamic_gather %max3A_564[%gather3A_569] in [0] : vector<16xf32>, vector<16xi32> -> vector<16xf32>
    %max3A_571 = arith.maximumf %max3A_564, %gather3A_570 : vector<16xf32>
    %select_n3A_572 = arith.select %eq3A_543, %max3A_571, %select_n3A_540 : vector<16xi1>, vector<16xf32>
    %eq3A_573 = arith.constant 12 : i32
    %eq3A_574 = vector.broadcast %eq3A_573 : i32 to vector<16xi32>
    %eq3A_575 = arith.cmpi eq, %iota3A, %eq3A_574 : vector<16xi32>
    %xor3A_576 = arith.constant 1 : i32
    %xor3A_577 = vector.broadcast %xor3A_576 : i32 to vector<16xi32>
    %xor3A_578 = arith.xori %iota3A, %xor3A_577 : vector<16xi32>
    %broadcast_in_dim3A_579 = vector.shape_cast %xor3A_578 : vector<16xi32> to vector<16x1xi32>
    %gather3A_580 = vector.shape_cast %broadcast_in_dim3A_579 : vector<16x1xi32> to vector<16xi32>
    %gather3A_581 = tpu.dynamic_gather %scan3A_100#4[%gather3A_580] in [0] : vector<16xf32>, vector<16xi32> -> vector<16xf32>
    %max3A_582 = arith.maximumf %scan3A_100#4, %gather3A_581 : vector<16xf32>
    %xor3A_583 = arith.constant 2 : i32
    %xor3A_584 = vector.broadcast %xor3A_583 : i32 to vector<16xi32>
    %xor3A_585 = arith.xori %iota3A, %xor3A_584 : vector<16xi32>
    %broadcast_in_dim3A_586 = vector.shape_cast %xor3A_585 : vector<16xi32> to vector<16x1xi32>
    %gather3A_587 = vector.shape_cast %broadcast_in_dim3A_586 : vector<16x1xi32> to vector<16xi32>
    %gather3A_588 = tpu.dynamic_gather %max3A_582[%gather3A_587] in [0] : vector<16xf32>, vector<16xi32> -> vector<16xf32>
    %max3A_589 = arith.maximumf %max3A_582, %gather3A_588 : vector<16xf32>
    %xor3A_590 = arith.constant 4 : i32
    %xor3A_591 = vector.broadcast %xor3A_590 : i32 to vector<16xi32>
    %xor3A_592 = arith.xori %iota3A, %xor3A_591 : vector<16xi32>
    %broadcast_in_dim3A_593 = vector.shape_cast %xor3A_592 : vector<16xi32> to vector<16x1xi32>
    %gather3A_594 = vector.shape_cast %broadcast_in_dim3A_593 : vector<16x1xi32> to vector<16xi32>
    %gather3A_595 = tpu.dynamic_gather %max3A_589[%gather3A_594] in [0] : vector<16xf32>, vector<16xi32> -> vector<16xf32>
    %max3A_596 = arith.maximumf %max3A_589, %gather3A_595 : vector<16xf32>
    %xor3A_597 = arith.constant 8 : i32
    %xor3A_598 = vector.broadcast %xor3A_597 : i32 to vector<16xi32>
    %xor3A_599 = arith.xori %iota3A, %xor3A_598 : vector<16xi32>
    %broadcast_in_dim3A_600 = vector.shape_cast %xor3A_599 : vector<16xi32> to vector<16x1xi32>
    %gather3A_601 = vector.shape_cast %broadcast_in_dim3A_600 : vector<16x1xi32> to vector<16xi32>
    %gather3A_602 = tpu.dynamic_gather %max3A_596[%gather3A_601] in [0] : vector<16xf32>, vector<16xi32> -> vector<16xf32>
    %max3A_603 = arith.maximumf %max3A_596, %gather3A_602 : vector<16xf32>
    %select_n3A_604 = arith.select %eq3A_575, %max3A_603, %select_n3A_572 : vector<16xi1>, vector<16xf32>
    %eq3A_605 = arith.constant 13 : i32
    %eq3A_606 = vector.broadcast %eq3A_605 : i32 to vector<16xi32>
    %eq3A_607 = arith.cmpi eq, %iota3A, %eq3A_606 : vector<16xi32>
    %xor3A_608 = arith.constant 1 : i32
    %xor3A_609 = vector.broadcast %xor3A_608 : i32 to vector<16xi32>
    %xor3A_610 = arith.xori %iota3A, %xor3A_609 : vector<16xi32>
    %broadcast_in_dim3A_611 = vector.shape_cast %xor3A_610 : vector<16xi32> to vector<16x1xi32>
    %gather3A_612 = vector.shape_cast %broadcast_in_dim3A_611 : vector<16x1xi32> to vector<16xi32>
    %gather3A_613 = tpu.dynamic_gather %scan3A_100#5[%gather3A_612] in [0] : vector<16xf32>, vector<16xi32> -> vector<16xf32>
    %max3A_614 = arith.maximumf %scan3A_100#5, %gather3A_613 : vector<16xf32>
    %xor3A_615 = arith.constant 2 : i32
    %xor3A_616 = vector.broadcast %xor3A_615 : i32 to vector<16xi32>
    %xor3A_617 = arith.xori %iota3A, %xor3A_616 : vector<16xi32>
    %broadcast_in_dim3A_618 = vector.shape_cast %xor3A_617 : vector<16xi32> to vector<16x1xi32>
    %gather3A_619 = vector.shape_cast %broadcast_in_dim3A_618 : vector<16x1xi32> to vector<16xi32>
    %gather3A_620 = tpu.dynamic_gather %max3A_614[%gather3A_619] in [0] : vector<16xf32>, vector<16xi32> -> vector<16xf32>
    %max3A_621 = arith.maximumf %max3A_614, %gather3A_620 : vector<16xf32>
    %xor3A_622 = arith.constant 4 : i32
    %xor3A_623 = vector.broadcast %xor3A_622 : i32 to vector<16xi32>
    %xor3A_624 = arith.xori %iota3A, %xor3A_623 : vector<16xi32>
    %broadcast_in_dim3A_625 = vector.shape_cast %xor3A_624 : vector<16xi32> to vector<16x1xi32>
    %gather3A_626 = vector.shape_cast %broadcast_in_dim3A_625 : vector<16x1xi32> to vector<16xi32>
    %gather3A_627 = tpu.dynamic_gather %max3A_621[%gather3A_626] in [0] : vector<16xf32>, vector<16xi32> -> vector<16xf32>
    %max3A_628 = arith.maximumf %max3A_621, %gather3A_627 : vector<16xf32>
    %xor3A_629 = arith.constant 8 : i32
    %xor3A_630 = vector.broadcast %xor3A_629 : i32 to vector<16xi32>
    %xor3A_631 = arith.xori %iota3A, %xor3A_630 : vector<16xi32>
    %broadcast_in_dim3A_632 = vector.shape_cast %xor3A_631 : vector<16xi32> to vector<16x1xi32>
    %gather3A_633 = vector.shape_cast %broadcast_in_dim3A_632 : vector<16x1xi32> to vector<16xi32>
    %gather3A_634 = tpu.dynamic_gather %max3A_628[%gather3A_633] in [0] : vector<16xf32>, vector<16xi32> -> vector<16xf32>
    %max3A_635 = arith.maximumf %max3A_628, %gather3A_634 : vector<16xf32>
    %select_n3A_636 = arith.select %eq3A_607, %max3A_635, %select_n3A_604 : vector<16xi1>, vector<16xf32>
    %eq3A_637 = arith.constant 14 : i32
    %eq3A_638 = vector.broadcast %eq3A_637 : i32 to vector<16xi32>
    %eq3A_639 = arith.cmpi eq, %iota3A, %eq3A_638 : vector<16xi32>
    %xor3A_640 = arith.constant 1 : i32
    %xor3A_641 = vector.broadcast %xor3A_640 : i32 to vector<16xi32>
    %xor3A_642 = arith.xori %iota3A, %xor3A_641 : vector<16xi32>
    %broadcast_in_dim3A_643 = vector.shape_cast %xor3A_642 : vector<16xi32> to vector<16x1xi32>
    %gather3A_644 = vector.shape_cast %broadcast_in_dim3A_643 : vector<16x1xi32> to vector<16xi32>
    %gather3A_645 = tpu.dynamic_gather %scan3A_100#6[%gather3A_644] in [0] : vector<16xf32>, vector<16xi32> -> vector<16xf32>
    %max3A_646 = arith.maximumf %scan3A_100#6, %gather3A_645 : vector<16xf32>
    %xor3A_647 = arith.constant 2 : i32
    %xor3A_648 = vector.broadcast %xor3A_647 : i32 to vector<16xi32>
    %xor3A_649 = arith.xori %iota3A, %xor3A_648 : vector<16xi32>
    %broadcast_in_dim3A_650 = vector.shape_cast %xor3A_649 : vector<16xi32> to vector<16x1xi32>
    %gather3A_651 = vector.shape_cast %broadcast_in_dim3A_650 : vector<16x1xi32> to vector<16xi32>
    %gather3A_652 = tpu.dynamic_gather %max3A_646[%gather3A_651] in [0] : vector<16xf32>, vector<16xi32> -> vector<16xf32>
    %max3A_653 = arith.maximumf %max3A_646, %gather3A_652 : vector<16xf32>
    %xor3A_654 = arith.constant 4 : i32
    %xor3A_655 = vector.broadcast %xor3A_654 : i32 to vector<16xi32>
    %xor3A_656 = arith.xori %iota3A, %xor3A_655 : vector<16xi32>
    %broadcast_in_dim3A_657 = vector.shape_cast %xor3A_656 : vector<16xi32> to vector<16x1xi32>
    %gather3A_658 = vector.shape_cast %broadcast_in_dim3A_657 : vector<16x1xi32> to vector<16xi32>
    %gather3A_659 = tpu.dynamic_gather %max3A_653[%gather3A_658] in [0] : vector<16xf32>, vector<16xi32> -> vector<16xf32>
    %max3A_660 = arith.maximumf %max3A_653, %gather3A_659 : vector<16xf32>
    %xor3A_661 = arith.constant 8 : i32
    %xor3A_662 = vector.broadcast %xor3A_661 : i32 to vector<16xi32>
    %xor3A_663 = arith.xori %iota3A, %xor3A_662 : vector<16xi32>
    %broadcast_in_dim3A_664 = vector.shape_cast %xor3A_663 : vector<16xi32> to vector<16x1xi32>
    %gather3A_665 = vector.shape_cast %broadcast_in_dim3A_664 : vector<16x1xi32> to vector<16xi32>
    %gather3A_666 = tpu.dynamic_gather %max3A_660[%gather3A_665] in [0] : vector<16xf32>, vector<16xi32> -> vector<16xf32>
    %max3A_667 = arith.maximumf %max3A_660, %gather3A_666 : vector<16xf32>
    %select_n3A_668 = arith.select %eq3A_639, %max3A_667, %select_n3A_636 : vector<16xi1>, vector<16xf32>
    %eq3A_669 = arith.constant 15 : i32
    %eq3A_670 = vector.broadcast %eq3A_669 : i32 to vector<16xi32>
    %eq3A_671 = arith.cmpi eq, %iota3A, %eq3A_670 : vector<16xi32>
    %xor3A_672 = arith.constant 1 : i32
    %xor3A_673 = vector.broadcast %xor3A_672 : i32 to vector<16xi32>
    %xor3A_674 = arith.xori %iota3A, %xor3A_673 : vector<16xi32>
    %broadcast_in_dim3A_675 = vector.shape_cast %xor3A_674 : vector<16xi32> to vector<16x1xi32>
    %gather3A_676 = vector.shape_cast %broadcast_in_dim3A_675 : vector<16x1xi32> to vector<16xi32>
    %gather3A_677 = tpu.dynamic_gather %scan3A_100#7[%gather3A_676] in [0] : vector<16xf32>, vector<16xi32> -> vector<16xf32>
    %max3A_678 = arith.maximumf %scan3A_100#7, %gather3A_677 : vector<16xf32>
    %xor3A_679 = arith.constant 2 : i32
    %xor3A_680 = vector.broadcast %xor3A_679 : i32 to vector<16xi32>
    %xor3A_681 = arith.xori %iota3A, %xor3A_680 : vector<16xi32>
    %broadcast_in_dim3A_682 = vector.shape_cast %xor3A_681 : vector<16xi32> to vector<16x1xi32>
    %gather3A_683 = vector.shape_cast %broadcast_in_dim3A_682 : vector<16x1xi32> to vector<16xi32>
    %gather3A_684 = tpu.dynamic_gather %max3A_678[%gather3A_683] in [0] : vector<16xf32>, vector<16xi32> -> vector<16xf32>
    %max3A_685 = arith.maximumf %max3A_678, %gather3A_684 : vector<16xf32>
    %xor3A_686 = arith.constant 4 : i32
    %xor3A_687 = vector.broadcast %xor3A_686 : i32 to vector<16xi32>
    %xor3A_688 = arith.xori %iota3A, %xor3A_687 : vector<16xi32>
    %broadcast_in_dim3A_689 = vector.shape_cast %xor3A_688 : vector<16xi32> to vector<16x1xi32>
    %gather3A_690 = vector.shape_cast %broadcast_in_dim3A_689 : vector<16x1xi32> to vector<16xi32>
    %gather3A_691 = tpu.dynamic_gather %max3A_685[%gather3A_690] in [0] : vector<16xf32>, vector<16xi32> -> vector<16xf32>
    %max3A_692 = arith.maximumf %max3A_685, %gather3A_691 : vector<16xf32>
    %xor3A_693 = arith.constant 8 : i32
    %xor3A_694 = vector.broadcast %xor3A_693 : i32 to vector<16xi32>
    %xor3A_695 = arith.xori %iota3A, %xor3A_694 : vector<16xi32>
    %broadcast_in_dim3A_696 = vector.shape_cast %xor3A_695 : vector<16xi32> to vector<16x1xi32>
    %gather3A_697 = vector.shape_cast %broadcast_in_dim3A_696 : vector<16x1xi32> to vector<16xi32>
    %gather3A_698 = tpu.dynamic_gather %max3A_692[%gather3A_697] in [0] : vector<16xf32>, vector<16xi32> -> vector<16xf32>
    %max3A_699 = arith.maximumf %max3A_692, %gather3A_698 : vector<16xf32>
    %select_n3A_700 = arith.select %eq3A_671, %max3A_699, %select_n3A_668 : vector<16xi1>, vector<16xf32>
    %swap3A = arith.constant 0 : index
    %swap3A_701 = tpu.vector_load %arg12[%swap3A] {strides = array<i32>} : memref<32xf32, #tpu.memory_space<vmem>>, vector<16xf32>,
    %swap3A_702 = vector.shape_cast %swap3A_701 : vector<16xf32> to vector<16xf32>
    %swap3A_703 = vector.shape_cast %select_n3A_700 : vector<16xf32> to vector<16xf32>
    tpu.vector_store %arg12[%swap3A], %swap3A_703 {strides = array<i32>} : memref<32xf32, #tpu.memory_space<vmem>>, vector<16xf32>,
    %broadcast_in_dim3A_704 = arith.constant 0.000000e+00 : f32
    %broadcast_in_dim3A_705 = vector.broadcast %broadcast_in_dim3A_704 : f32 to vector<16xf32>
    %eq3A_706 = arith.constant 0 : i32
    %eq3A_707 = vector.broadcast %eq3A_706 : i32 to vector<16xi32>
    %eq3A_708 = arith.cmpi eq, %iota3A, %eq3A_707 : vector<16xi32>
    %xor3A_709 = arith.constant 1 : i32
    %xor3A_710 = vector.broadcast %xor3A_709 : i32 to vector<16xi32>
    %xor3A_711 = arith.xori %iota3A, %xor3A_710 : vector<16xi32>
    %broadcast_in_dim3A_712 = vector.shape_cast %xor3A_711 : vector<16xi32> to vector<16x1xi32>
    %gather3A_713 = vector.shape_cast %broadcast_in_dim3A_712 : vector<16x1xi32> to vector<16xi32>
    %gather3A_714 = tpu.dynamic_gather %scan3A_148#0[%gather3A_713] in [0] : vector<16xf32>, vector<16xi32> -> vector<16xf32>
    %max3A_715 = arith.maximumf %scan3A_148#0, %gather3A_714 : vector<16xf32>
    %xor3A_716 = arith.constant 2 : i32
    %xor3A_717 = vector.broadcast %xor3A_716 : i32 to vector<16xi32>
    %xor3A_718 = arith.xori %iota3A, %xor3A_717 : vector<16xi32>
    %broadcast_in_dim3A_719 = vector.shape_cast %xor3A_718 : vector<16xi32> to vector<16x1xi32>
    %gather3A_720 = vector.shape_cast %broadcast_in_dim3A_719 : vector<16x1xi32> to vector<16xi32>
    %gather3A_721 = tpu.dynamic_gather %max3A_715[%gather3A_720] in [0] : vector<16xf32>, vector<16xi32> -> vector<16xf32>
    %max3A_722 = arith.maximumf %max3A_715, %gather3A_721 : vector<16xf32>
    %xor3A_723 = arith.constant 4 : i32
    %xor3A_724 = vector.broadcast %xor3A_723 : i32 to vector<16xi32>
    %xor3A_725 = arith.xori %iota3A, %xor3A_724 : vector<16xi32>
    %broadcast_in_dim3A_726 = vector.shape_cast %xor3A_725 : vector<16xi32> to vector<16x1xi32>
    %gather3A_727 = vector.shape_cast %broadcast_in_dim3A_726 : vector<16x1xi32> to vector<16xi32>
    %gather3A_728 = tpu.dynamic_gather %max3A_722[%gather3A_727] in [0] : vector<16xf32>, vector<16xi32> -> vector<16xf32>
    %max3A_729 = arith.maximumf %max3A_722, %gather3A_728 : vector<16xf32>
    %xor3A_730 = arith.constant 8 : i32
    %xor3A_731 = vector.broadcast %xor3A_730 : i32 to vector<16xi32>
    %xor3A_732 = arith.xori %iota3A, %xor3A_731 : vector<16xi32>
    %broadcast_in_dim3A_733 = vector.shape_cast %xor3A_732 : vector<16xi32> to vector<16x1xi32>
    %gather3A_734 = vector.shape_cast %broadcast_in_dim3A_733 : vector<16x1xi32> to vector<16xi32>
    %gather3A_735 = tpu.dynamic_gather %max3A_729[%gather3A_734] in [0] : vector<16xf32>, vector<16xi32> -> vector<16xf32>
    %max3A_736 = arith.maximumf %max3A_729, %gather3A_735 : vector<16xf32>
    %select_n3A_737 = arith.select %eq3A_708, %max3A_736, %broadcast_in_dim3A_705 : vector<16xi1>, vector<16xf32>
    %eq3A_738 = arith.constant 1 : i32
    %eq3A_739 = vector.broadcast %eq3A_738 : i32 to vector<16xi32>
    %eq3A_740 = arith.cmpi eq, %iota3A, %eq3A_739 : vector<16xi32>
    %xor3A_741 = arith.constant 1 : i32
    %xor3A_742 = vector.broadcast %xor3A_741 : i32 to vector<16xi32>
    %xor3A_743 = arith.xori %iota3A, %xor3A_742 : vector<16xi32>
    %broadcast_in_dim3A_744 = vector.shape_cast %xor3A_743 : vector<16xi32> to vector<16x1xi32>
    %gather3A_745 = vector.shape_cast %broadcast_in_dim3A_744 : vector<16x1xi32> to vector<16xi32>
    %gather3A_746 = tpu.dynamic_gather %scan3A_148#1[%gather3A_745] in [0] : vector<16xf32>, vector<16xi32> -> vector<16xf32>
    %max3A_747 = arith.maximumf %scan3A_148#1, %gather3A_746 : vector<16xf32>
    %xor3A_748 = arith.constant 2 : i32
    %xor3A_749 = vector.broadcast %xor3A_748 : i32 to vector<16xi32>
    %xor3A_750 = arith.xori %iota3A, %xor3A_749 : vector<16xi32>
    %broadcast_in_dim3A_751 = vector.shape_cast %xor3A_750 : vector<16xi32> to vector<16x1xi32>
    %gather3A_752 = vector.shape_cast %broadcast_in_dim3A_751 : vector<16x1xi32> to vector<16xi32>
    %gather3A_753 = tpu.dynamic_gather %max3A_747[%gather3A_752] in [0] : vector<16xf32>, vector<16xi32> -> vector<16xf32>
    %max3A_754 = arith.maximumf %max3A_747, %gather3A_753 : vector<16xf32>
    %xor3A_755 = arith.constant 4 : i32
    %xor3A_756 = vector.broadcast %xor3A_755 : i32 to vector<16xi32>
    %xor3A_757 = arith.xori %iota3A, %xor3A_756 : vector<16xi32>
    %broadcast_in_dim3A_758 = vector.shape_cast %xor3A_757 : vector<16xi32> to vector<16x1xi32>
    %gather3A_759 = vector.shape_cast %broadcast_in_dim3A_758 : vector<16x1xi32> to vector<16xi32>
    %gather3A_760 = tpu.dynamic_gather %max3A_754[%gather3A_759] in [0] : vector<16xf32>, vector<16xi32> -> vector<16xf32>
    %max3A_761 = arith.maximumf %max3A_754, %gather3A_760 : vector<16xf32>
    %xor3A_762 = arith.constant 8 : i32
    %xor3A_763 = vector.broadcast %xor3A_762 : i32 to vector<16xi32>
    %xor3A_764 = arith.xori %iota3A, %xor3A_763 : vector<16xi32>
    %broadcast_in_dim3A_765 = vector.shape_cast %xor3A_764 : vector<16xi32> to vector<16x1xi32>
    %gather3A_766 = vector.shape_cast %broadcast_in_dim3A_765 : vector<16x1xi32> to vector<16xi32>
    %gather3A_767 = tpu.dynamic_gather %max3A_761[%gather3A_766] in [0] : vector<16xf32>, vector<16xi32> -> vector<16xf32>
    %max3A_768 = arith.maximumf %max3A_761, %gather3A_767 : vector<16xf32>
    %select_n3A_769 = arith.select %eq3A_740, %max3A_768, %select_n3A_737 : vector<16xi1>, vector<16xf32>
    %eq3A_770 = arith.constant 2 : i32
    %eq3A_771 = vector.broadcast %eq3A_770 : i32 to vector<16xi32>
    %eq3A_772 = arith.cmpi eq, %iota3A, %eq3A_771 : vector<16xi32>
    %xor3A_773 = arith.constant 1 : i32
    %xor3A_774 = vector.broadcast %xor3A_773 : i32 to vector<16xi32>
    %xor3A_775 = arith.xori %iota3A, %xor3A_774 : vector<16xi32>
    %broadcast_in_dim3A_776 = vector.shape_cast %xor3A_775 : vector<16xi32> to vector<16x1xi32>
    %gather3A_777 = vector.shape_cast %broadcast_in_dim3A_776 : vector<16x1xi32> to vector<16xi32>
    %gather3A_778 = tpu.dynamic_gather %scan3A_148#2[%gather3A_777] in [0] : vector<16xf32>, vector<16xi32> -> vector<16xf32>
    %max3A_779 = arith.maximumf %scan3A_148#2, %gather3A_778 : vector<16xf32>
    %xor3A_780 = arith.constant 2 : i32
    %xor3A_781 = vector.broadcast %xor3A_780 : i32 to vector<16xi32>
    %xor3A_782 = arith.xori %iota3A, %xor3A_781 : vector<16xi32>
    %broadcast_in_dim3A_783 = vector.shape_cast %xor3A_782 : vector<16xi32> to vector<16x1xi32>
    %gather3A_784 = vector.shape_cast %broadcast_in_dim3A_783 : vector<16x1xi32> to vector<16xi32>
    %gather3A_785 = tpu.dynamic_gather %max3A_779[%gather3A_784] in [0] : vector<16xf32>, vector<16xi32> -> vector<16xf32>
    %max3A_786 = arith.maximumf %max3A_779, %gather3A_785 : vector<16xf32>
    %xor3A_787 = arith.constant 4 : i32
    %xor3A_788 = vector.broadcast %xor3A_787 : i32 to vector<16xi32>
    %xor3A_789 = arith.xori %iota3A, %xor3A_788 : vector<16xi32>
    %broadcast_in_dim3A_790 = vector.shape_cast %xor3A_789 : vector<16xi32> to vector<16x1xi32>
    %gather3A_791 = vector.shape_cast %broadcast_in_dim3A_790 : vector<16x1xi32> to vector<16xi32>
    %gather3A_792 = tpu.dynamic_gather %max3A_786[%gather3A_791] in [0] : vector<16xf32>, vector<16xi32> -> vector<16xf32>
    %max3A_793 = arith.maximumf %max3A_786, %gather3A_792 : vector<16xf32>
    %xor3A_794 = arith.constant 8 : i32
    %xor3A_795 = vector.broadcast %xor3A_794 : i32 to vector<16xi32>
    %xor3A_796 = arith.xori %iota3A, %xor3A_795 : vector<16xi32>
    %broadcast_in_dim3A_797 = vector.shape_cast %xor3A_796 : vector<16xi32> to vector<16x1xi32>
    %gather3A_798 = vector.shape_cast %broadcast_in_dim3A_797 : vector<16x1xi32> to vector<16xi32>
    %gather3A_799 = tpu.dynamic_gather %max3A_793[%gather3A_798] in [0] : vector<16xf32>, vector<16xi32> -> vector<16xf32>
    %max3A_800 = arith.maximumf %max3A_793, %gather3A_799 : vector<16xf32>
    %select_n3A_801 = arith.select %eq3A_772, %max3A_800, %select_n3A_769 : vector<16xi1>, vector<16xf32>
    %eq3A_802 = arith.constant 3 : i32
    %eq3A_803 = vector.broadcast %eq3A_802 : i32 to vector<16xi32>
    %eq3A_804 = arith.cmpi eq, %iota3A, %eq3A_803 : vector<16xi32>
    %xor3A_805 = arith.constant 1 : i32
    %xor3A_806 = vector.broadcast %xor3A_805 : i32 to vector<16xi32>
    %xor3A_807 = arith.xori %iota3A, %xor3A_806 : vector<16xi32>
    %broadcast_in_dim3A_808 = vector.shape_cast %xor3A_807 : vector<16xi32> to vector<16x1xi32>
    %gather3A_809 = vector.shape_cast %broadcast_in_dim3A_808 : vector<16x1xi32> to vector<16xi32>
    %gather3A_810 = tpu.dynamic_gather %scan3A_148#3[%gather3A_809] in [0] : vector<16xf32>, vector<16xi32> -> vector<16xf32>
    %max3A_811 = arith.maximumf %scan3A_148#3, %gather3A_810 : vector<16xf32>
    %xor3A_812 = arith.constant 2 : i32
    %xor3A_813 = vector.broadcast %xor3A_812 : i32 to vector<16xi32>
    %xor3A_814 = arith.xori %iota3A, %xor3A_813 : vector<16xi32>
    %broadcast_in_dim3A_815 = vector.shape_cast %xor3A_814 : vector<16xi32> to vector<16x1xi32>
    %gather3A_816 = vector.shape_cast %broadcast_in_dim3A_815 : vector<16x1xi32> to vector<16xi32>
    %gather3A_817 = tpu.dynamic_gather %max3A_811[%gather3A_816] in [0] : vector<16xf32>, vector<16xi32> -> vector<16xf32>
    %max3A_818 = arith.maximumf %max3A_811, %gather3A_817 : vector<16xf32>
    %xor3A_819 = arith.constant 4 : i32
    %xor3A_820 = vector.broadcast %xor3A_819 : i32 to vector<16xi32>
    %xor3A_821 = arith.xori %iota3A, %xor3A_820 : vector<16xi32>
    %broadcast_in_dim3A_822 = vector.shape_cast %xor3A_821 : vector<16xi32> to vector<16x1xi32>
    %gather3A_823 = vector.shape_cast %broadcast_in_dim3A_822 : vector<16x1xi32> to vector<16xi32>
    %gather3A_824 = tpu.dynamic_gather %max3A_818[%gather3A_823] in [0] : vector<16xf32>, vector<16xi32> -> vector<16xf32>
    %max3A_825 = arith.maximumf %max3A_818, %gather3A_824 : vector<16xf32>
    %xor3A_826 = arith.constant 8 : i32
    %xor3A_827 = vector.broadcast %xor3A_826 : i32 to vector<16xi32>
    %xor3A_828 = arith.xori %iota3A, %xor3A_827 : vector<16xi32>
    %broadcast_in_dim3A_829 = vector.shape_cast %xor3A_828 : vector<16xi32> to vector<16x1xi32>
    %gather3A_830 = vector.shape_cast %broadcast_in_dim3A_829 : vector<16x1xi32> to vector<16xi32>
    %gather3A_831 = tpu.dynamic_gather %max3A_825[%gather3A_830] in [0] : vector<16xf32>, vector<16xi32> -> vector<16xf32>
    %max3A_832 = arith.maximumf %max3A_825, %gather3A_831 : vector<16xf32>
    %select_n3A_833 = arith.select %eq3A_804, %max3A_832, %select_n3A_801 : vector<16xi1>, vector<16xf32>
    %eq3A_834 = arith.constant 4 : i32
    %eq3A_835 = vector.broadcast %eq3A_834 : i32 to vector<16xi32>
    %eq3A_836 = arith.cmpi eq, %iota3A, %eq3A_835 : vector<16xi32>
    %xor3A_837 = arith.constant 1 : i32
    %xor3A_838 = vector.broadcast %xor3A_837 : i32 to vector<16xi32>
    %xor3A_839 = arith.xori %iota3A, %xor3A_838 : vector<16xi32>
    %broadcast_in_dim3A_840 = vector.shape_cast %xor3A_839 : vector<16xi32> to vector<16x1xi32>
    %gather3A_841 = vector.shape_cast %broadcast_in_dim3A_840 : vector<16x1xi32> to vector<16xi32>
    %gather3A_842 = tpu.dynamic_gather %scan3A_148#4[%gather3A_841] in [0] : vector<16xf32>, vector<16xi32> -> vector<16xf32>
    %max3A_843 = arith.maximumf %scan3A_148#4, %gather3A_842 : vector<16xf32>
    %xor3A_844 = arith.constant 2 : i32
    %xor3A_845 = vector.broadcast %xor3A_844 : i32 to vector<16xi32>
    %xor3A_846 = arith.xori %iota3A, %xor3A_845 : vector<16xi32>
    %broadcast_in_dim3A_847 = vector.shape_cast %xor3A_846 : vector<16xi32> to vector<16x1xi32>
    %gather3A_848 = vector.shape_cast %broadcast_in_dim3A_847 : vector<16x1xi32> to vector<16xi32>
    %gather3A_849 = tpu.dynamic_gather %max3A_843[%gather3A_848] in [0] : vector<16xf32>, vector<16xi32> -> vector<16xf32>
    %max3A_850 = arith.maximumf %max3A_843, %gather3A_849 : vector<16xf32>
    %xor3A_851 = arith.constant 4 : i32
    %xor3A_852 = vector.broadcast %xor3A_851 : i32 to vector<16xi32>
    %xor3A_853 = arith.xori %iota3A, %xor3A_852 : vector<16xi32>
    %broadcast_in_dim3A_854 = vector.shape_cast %xor3A_853 : vector<16xi32> to vector<16x1xi32>
    %gather3A_855 = vector.shape_cast %broadcast_in_dim3A_854 : vector<16x1xi32> to vector<16xi32>
    %gather3A_856 = tpu.dynamic_gather %max3A_850[%gather3A_855] in [0] : vector<16xf32>, vector<16xi32> -> vector<16xf32>
    %max3A_857 = arith.maximumf %max3A_850, %gather3A_856 : vector<16xf32>
    %xor3A_858 = arith.constant 8 : i32
    %xor3A_859 = vector.broadcast %xor3A_858 : i32 to vector<16xi32>
    %xor3A_860 = arith.xori %iota3A, %xor3A_859 : vector<16xi32>
    %broadcast_in_dim3A_861 = vector.shape_cast %xor3A_860 : vector<16xi32> to vector<16x1xi32>
    %gather3A_862 = vector.shape_cast %broadcast_in_dim3A_861 : vector<16x1xi32> to vector<16xi32>
    %gather3A_863 = tpu.dynamic_gather %max3A_857[%gather3A_862] in [0] : vector<16xf32>, vector<16xi32> -> vector<16xf32>
    %max3A_864 = arith.maximumf %max3A_857, %gather3A_863 : vector<16xf32>
    %select_n3A_865 = arith.select %eq3A_836, %max3A_864, %select_n3A_833 : vector<16xi1>, vector<16xf32>
    %eq3A_866 = arith.constant 5 : i32
    %eq3A_867 = vector.broadcast %eq3A_866 : i32 to vector<16xi32>
    %eq3A_868 = arith.cmpi eq, %iota3A, %eq3A_867 : vector<16xi32>
    %xor3A_869 = arith.constant 1 : i32
    %xor3A_870 = vector.broadcast %xor3A_869 : i32 to vector<16xi32>
    %xor3A_871 = arith.xori %iota3A, %xor3A_870 : vector<16xi32>
    %broadcast_in_dim3A_872 = vector.shape_cast %xor3A_871 : vector<16xi32> to vector<16x1xi32>
    %gather3A_873 = vector.shape_cast %broadcast_in_dim3A_872 : vector<16x1xi32> to vector<16xi32>
    %gather3A_874 = tpu.dynamic_gather %scan3A_148#5[%gather3A_873] in [0] : vector<16xf32>, vector<16xi32> -> vector<16xf32>
    %max3A_875 = arith.maximumf %scan3A_148#5, %gather3A_874 : vector<16xf32>
    %xor3A_876 = arith.constant 2 : i32
    %xor3A_877 = vector.broadcast %xor3A_876 : i32 to vector<16xi32>
    %xor3A_878 = arith.xori %iota3A, %xor3A_877 : vector<16xi32>
    %broadcast_in_dim3A_879 = vector.shape_cast %xor3A_878 : vector<16xi32> to vector<16x1xi32>
    %gather3A_880 = vector.shape_cast %broadcast_in_dim3A_879 : vector<16x1xi32> to vector<16xi32>
    %gather3A_881 = tpu.dynamic_gather %max3A_875[%gather3A_880] in [0] : vector<16xf32>, vector<16xi32> -> vector<16xf32>
    %max3A_882 = arith.maximumf %max3A_875, %gather3A_881 : vector<16xf32>
    %xor3A_883 = arith.constant 4 : i32
    %xor3A_884 = vector.broadcast %xor3A_883 : i32 to vector<16xi32>
    %xor3A_885 = arith.xori %iota3A, %xor3A_884 : vector<16xi32>
    %broadcast_in_dim3A_886 = vector.shape_cast %xor3A_885 : vector<16xi32> to vector<16x1xi32>
    %gather3A_887 = vector.shape_cast %broadcast_in_dim3A_886 : vector<16x1xi32> to vector<16xi32>
    %gather3A_888 = tpu.dynamic_gather %max3A_882[%gather3A_887] in [0] : vector<16xf32>, vector<16xi32> -> vector<16xf32>
    %max3A_889 = arith.maximumf %max3A_882, %gather3A_888 : vector<16xf32>
    %xor3A_890 = arith.constant 8 : i32
    %xor3A_891 = vector.broadcast %xor3A_890 : i32 to vector<16xi32>
    %xor3A_892 = arith.xori %iota3A, %xor3A_891 : vector<16xi32>
    %broadcast_in_dim3A_893 = vector.shape_cast %xor3A_892 : vector<16xi32> to vector<16x1xi32>
    %gather3A_894 = vector.shape_cast %broadcast_in_dim3A_893 : vector<16x1xi32> to vector<16xi32>
    %gather3A_895 = tpu.dynamic_gather %max3A_889[%gather3A_894] in [0] : vector<16xf32>, vector<16xi32> -> vector<16xf32>
    %max3A_896 = arith.maximumf %max3A_889, %gather3A_895 : vector<16xf32>
    %select_n3A_897 = arith.select %eq3A_868, %max3A_896, %select_n3A_865 : vector<16xi1>, vector<16xf32>
    %eq3A_898 = arith.constant 6 : i32
    %eq3A_899 = vector.broadcast %eq3A_898 : i32 to vector<16xi32>
    %eq3A_900 = arith.cmpi eq, %iota3A, %eq3A_899 : vector<16xi32>
    %xor3A_901 = arith.constant 1 : i32
    %xor3A_902 = vector.broadcast %xor3A_901 : i32 to vector<16xi32>
    %xor3A_903 = arith.xori %iota3A, %xor3A_902 : vector<16xi32>
    %broadcast_in_dim3A_904 = vector.shape_cast %xor3A_903 : vector<16xi32> to vector<16x1xi32>
    %gather3A_905 = vector.shape_cast %broadcast_in_dim3A_904 : vector<16x1xi32> to vector<16xi32>
    %gather3A_906 = tpu.dynamic_gather %scan3A_148#6[%gather3A_905] in [0] : vector<16xf32>, vector<16xi32> -> vector<16xf32>
    %max3A_907 = arith.maximumf %scan3A_148#6, %gather3A_906 : vector<16xf32>
    %xor3A_908 = arith.constant 2 : i32
    %xor3A_909 = vector.broadcast %xor3A_908 : i32 to vector<16xi32>
    %xor3A_910 = arith.xori %iota3A, %xor3A_909 : vector<16xi32>
    %broadcast_in_dim3A_911 = vector.shape_cast %xor3A_910 : vector<16xi32> to vector<16x1xi32>
    %gather3A_912 = vector.shape_cast %broadcast_in_dim3A_911 : vector<16x1xi32> to vector<16xi32>
    %gather3A_913 = tpu.dynamic_gather %max3A_907[%gather3A_912] in [0] : vector<16xf32>, vector<16xi32> -> vector<16xf32>
    %max3A_914 = arith.maximumf %max3A_907, %gather3A_913 : vector<16xf32>
    %xor3A_915 = arith.constant 4 : i32
    %xor3A_916 = vector.broadcast %xor3A_915 : i32 to vector<16xi32>
    %xor3A_917 = arith.xori %iota3A, %xor3A_916 : vector<16xi32>
    %broadcast_in_dim3A_918 = vector.shape_cast %xor3A_917 : vector<16xi32> to vector<16x1xi32>
    %gather3A_919 = vector.shape_cast %broadcast_in_dim3A_918 : vector<16x1xi32> to vector<16xi32>
    %gather3A_920 = tpu.dynamic_gather %max3A_914[%gather3A_919] in [0] : vector<16xf32>, vector<16xi32> -> vector<16xf32>
    %max3A_921 = arith.maximumf %max3A_914, %gather3A_920 : vector<16xf32>
    %xor3A_922 = arith.constant 8 : i32
    %xor3A_923 = vector.broadcast %xor3A_922 : i32 to vector<16xi32>
    %xor3A_924 = arith.xori %iota3A, %xor3A_923 : vector<16xi32>
    %broadcast_in_dim3A_925 = vector.shape_cast %xor3A_924 : vector<16xi32> to vector<16x1xi32>
    %gather3A_926 = vector.shape_cast %broadcast_in_dim3A_925 : vector<16x1xi32> to vector<16xi32>
    %gather3A_927 = tpu.dynamic_gather %max3A_921[%gather3A_926] in [0] : vector<16xf32>, vector<16xi32> -> vector<16xf32>
    %max3A_928 = arith.maximumf %max3A_921, %gather3A_927 : vector<16xf32>
    %select_n3A_929 = arith.select %eq3A_900, %max3A_928, %select_n3A_897 : vector<16xi1>, vector<16xf32>
    %eq3A_930 = arith.constant 7 : i32
    %eq3A_931 = vector.broadcast %eq3A_930 : i32 to vector<16xi32>
    %eq3A_932 = arith.cmpi eq, %iota3A, %eq3A_931 : vector<16xi32>
    %xor3A_933 = arith.constant 1 : i32
    %xor3A_934 = vector.broadcast %xor3A_933 : i32 to vector<16xi32>
    %xor3A_935 = arith.xori %iota3A, %xor3A_934 : vector<16xi32>
    %broadcast_in_dim3A_936 = vector.shape_cast %xor3A_935 : vector<16xi32> to vector<16x1xi32>
    %gather3A_937 = vector.shape_cast %broadcast_in_dim3A_936 : vector<16x1xi32> to vector<16xi32>
    %gather3A_938 = tpu.dynamic_gather %scan3A_148#7[%gather3A_937] in [0] : vector<16xf32>, vector<16xi32> -> vector<16xf32>
    %max3A_939 = arith.maximumf %scan3A_148#7, %gather3A_938 : vector<16xf32>
    %xor3A_940 = arith.constant 2 : i32
    %xor3A_941 = vector.broadcast %xor3A_940 : i32 to vector<16xi32>
    %xor3A_942 = arith.xori %iota3A, %xor3A_941 : vector<16xi32>
    %broadcast_in_dim3A_943 = vector.shape_cast %xor3A_942 : vector<16xi32> to vector<16x1xi32>
    %gather3A_944 = vector.shape_cast %broadcast_in_dim3A_943 : vector<16x1xi32> to vector<16xi32>
    %gather3A_945 = tpu.dynamic_gather %max3A_939[%gather3A_944] in [0] : vector<16xf32>, vector<16xi32> -> vector<16xf32>
    %max3A_946 = arith.maximumf %max3A_939, %gather3A_945 : vector<16xf32>
    %xor3A_947 = arith.constant 4 : i32
    %xor3A_948 = vector.broadcast %xor3A_947 : i32 to vector<16xi32>
    %xor3A_949 = arith.xori %iota3A, %xor3A_948 : vector<16xi32>
    %broadcast_in_dim3A_950 = vector.shape_cast %xor3A_949 : vector<16xi32> to vector<16x1xi32>
    %gather3A_951 = vector.shape_cast %broadcast_in_dim3A_950 : vector<16x1xi32> to vector<16xi32>
    %gather3A_952 = tpu.dynamic_gather %max3A_946[%gather3A_951] in [0] : vector<16xf32>, vector<16xi32> -> vector<16xf32>
    %max3A_953 = arith.maximumf %max3A_946, %gather3A_952 : vector<16xf32>
    %xor3A_954 = arith.constant 8 : i32
    %xor3A_955 = vector.broadcast %xor3A_954 : i32 to vector<16xi32>
    %xor3A_956 = arith.xori %iota3A, %xor3A_955 : vector<16xi32>
    %broadcast_in_dim3A_957 = vector.shape_cast %xor3A_956 : vector<16xi32> to vector<16x1xi32>
    %gather3A_958 = vector.shape_cast %broadcast_in_dim3A_957 : vector<16x1xi32> to vector<16xi32>
    %gather3A_959 = tpu.dynamic_gather %max3A_953[%gather3A_958] in [0] : vector<16xf32>, vector<16xi32> -> vector<16xf32>
    %max3A_960 = arith.maximumf %max3A_953, %gather3A_959 : vector<16xf32>
    %select_n3A_961 = arith.select %eq3A_932, %max3A_960, %select_n3A_929 : vector<16xi1>, vector<16xf32>
    %eq3A_962 = arith.constant 8 : i32
    %eq3A_963 = vector.broadcast %eq3A_962 : i32 to vector<16xi32>
    %eq3A_964 = arith.cmpi eq, %iota3A, %eq3A_963 : vector<16xi32>
    %xor3A_965 = arith.constant 1 : i32
    %xor3A_966 = vector.broadcast %xor3A_965 : i32 to vector<16xi32>
    %xor3A_967 = arith.xori %iota3A, %xor3A_966 : vector<16xi32>
    %broadcast_in_dim3A_968 = vector.shape_cast %xor3A_967 : vector<16xi32> to vector<16x1xi32>
    %gather3A_969 = vector.shape_cast %broadcast_in_dim3A_968 : vector<16x1xi32> to vector<16xi32>
    %gather3A_970 = tpu.dynamic_gather %scan3A_190#0[%gather3A_969] in [0] : vector<16xf32>, vector<16xi32> -> vector<16xf32>
    %max3A_971 = arith.maximumf %scan3A_190#0, %gather3A_970 : vector<16xf32>
    %xor3A_972 = arith.constant 2 : i32
    %xor3A_973 = vector.broadcast %xor3A_972 : i32 to vector<16xi32>
    %xor3A_974 = arith.xori %iota3A, %xor3A_973 : vector<16xi32>
    %broadcast_in_dim3A_975 = vector.shape_cast %xor3A_974 : vector<16xi32> to vector<16x1xi32>
    %gather3A_976 = vector.shape_cast %broadcast_in_dim3A_975 : vector<16x1xi32> to vector<16xi32>
    %gather3A_977 = tpu.dynamic_gather %max3A_971[%gather3A_976] in [0] : vector<16xf32>, vector<16xi32> -> vector<16xf32>
    %max3A_978 = arith.maximumf %max3A_971, %gather3A_977 : vector<16xf32>
    %xor3A_979 = arith.constant 4 : i32
    %xor3A_980 = vector.broadcast %xor3A_979 : i32 to vector<16xi32>
    %xor3A_981 = arith.xori %iota3A, %xor3A_980 : vector<16xi32>
    %broadcast_in_dim3A_982 = vector.shape_cast %xor3A_981 : vector<16xi32> to vector<16x1xi32>
    %gather3A_983 = vector.shape_cast %broadcast_in_dim3A_982 : vector<16x1xi32> to vector<16xi32>
    %gather3A_984 = tpu.dynamic_gather %max3A_978[%gather3A_983] in [0] : vector<16xf32>, vector<16xi32> -> vector<16xf32>
    %max3A_985 = arith.maximumf %max3A_978, %gather3A_984 : vector<16xf32>
    %xor3A_986 = arith.constant 8 : i32
    %xor3A_987 = vector.broadcast %xor3A_986 : i32 to vector<16xi32>
    %xor3A_988 = arith.xori %iota3A, %xor3A_987 : vector<16xi32>
    %broadcast_in_dim3A_989 = vector.shape_cast %xor3A_988 : vector<16xi32> to vector<16x1xi32>
    %gather3A_990 = vector.shape_cast %broadcast_in_dim3A_989 : vector<16x1xi32> to vector<16xi32>
    %gather3A_991 = tpu.dynamic_gather %max3A_985[%gather3A_990] in [0] : vector<16xf32>, vector<16xi32> -> vector<16xf32>
    %max3A_992 = arith.maximumf %max3A_985, %gather3A_991 : vector<16xf32>
    %select_n3A_993 = arith.select %eq3A_964, %max3A_992, %select_n3A_961 : vector<16xi1>, vector<16xf32>
    %eq3A_994 = arith.constant 9 : i32
    %eq3A_995 = vector.broadcast %eq3A_994 : i32 to vector<16xi32>
    %eq3A_996 = arith.cmpi eq, %iota3A, %eq3A_995 : vector<16xi32>
    %xor3A_997 = arith.constant 1 : i32
    %xor3A_998 = vector.broadcast %xor3A_997 : i32 to vector<16xi32>
    %xor3A_999 = arith.xori %iota3A, %xor3A_998 : vector<16xi32>
    %broadcast_in_dim3A_1000 = vector.shape_cast %xor3A_999 : vector<16xi32> to vector<16x1xi32>
    %gather3A_1001 = vector.shape_cast %broadcast_in_dim3A_1000 : vector<16x1xi32> to vector<16xi32>
    %gather3A_1002 = tpu.dynamic_gather %scan3A_190#1[%gather3A_1001] in [0] : vector<16xf32>, vector<16xi32> -> vector<16xf32>
    %max3A_1003 = arith.maximumf %scan3A_190#1, %gather3A_1002 : vector<16xf32>
    %xor3A_1004 = arith.constant 2 : i32
    %xor3A_1005 = vector.broadcast %xor3A_1004 : i32 to vector<16xi32>
    %xor3A_1006 = arith.xori %iota3A, %xor3A_1005 : vector<16xi32>
    %broadcast_in_dim3A_1007 = vector.shape_cast %xor3A_1006 : vector<16xi32> to vector<16x1xi32>
    %gather3A_1008 = vector.shape_cast %broadcast_in_dim3A_1007 : vector<16x1xi32> to vector<16xi32>
    %gather3A_1009 = tpu.dynamic_gather %max3A_1003[%gather3A_1008] in [0] : vector<16xf32>, vector<16xi32> -> vector<16xf32>
    %max3A_1010 = arith.maximumf %max3A_1003, %gather3A_1009 : vector<16xf32>
    %xor3A_1011 = arith.constant 4 : i32
    %xor3A_1012 = vector.broadcast %xor3A_1011 : i32 to vector<16xi32>
    %xor3A_1013 = arith.xori %iota3A, %xor3A_1012 : vector<16xi32>
    %broadcast_in_dim3A_1014 = vector.shape_cast %xor3A_1013 : vector<16xi32> to vector<16x1xi32>
    %gather3A_1015 = vector.shape_cast %broadcast_in_dim3A_1014 : vector<16x1xi32> to vector<16xi32>
    %gather3A_1016 = tpu.dynamic_gather %max3A_1010[%gather3A_1015] in [0] : vector<16xf32>, vector<16xi32> -> vector<16xf32>
    %max3A_1017 = arith.maximumf %max3A_1010, %gather3A_1016 : vector<16xf32>
    %xor3A_1018 = arith.constant 8 : i32
    %xor3A_1019 = vector.broadcast %xor3A_1018 : i32 to vector<16xi32>
    %xor3A_1020 = arith.xori %iota3A, %xor3A_1019 : vector<16xi32>
    %broadcast_in_dim3A_1021 = vector.shape_cast %xor3A_1020 : vector<16xi32> to vector<16x1xi32>
    %gather3A_1022 = vector.shape_cast %broadcast_in_dim3A_1021 : vector<16x1xi32> to vector<16xi32>
    %gather3A_1023 = tpu.dynamic_gather %max3A_1017[%gather3A_1022] in [0] : vector<16xf32>, vector<16xi32> -> vector<16xf32>
    %max3A_1024 = arith.maximumf %max3A_1017, %gather3A_1023 : vector<16xf32>
    %select_n3A_1025 = arith.select %eq3A_996, %max3A_1024, %select_n3A_993 : vector<16xi1>, vector<16xf32>
    %eq3A_1026 = arith.constant 10 : i32
    %eq3A_1027 = vector.broadcast %eq3A_1026 : i32 to vector<16xi32>
    %eq3A_1028 = arith.cmpi eq, %iota3A, %eq3A_1027 : vector<16xi32>
    %xor3A_1029 = arith.constant 1 : i32
    %xor3A_1030 = vector.broadcast %xor3A_1029 : i32 to vector<16xi32>
    %xor3A_1031 = arith.xori %iota3A, %xor3A_1030 : vector<16xi32>
    %broadcast_in_dim3A_1032 = vector.shape_cast %xor3A_1031 : vector<16xi32> to vector<16x1xi32>
    %gather3A_1033 = vector.shape_cast %broadcast_in_dim3A_1032 : vector<16x1xi32> to vector<16xi32>
    %gather3A_1034 = tpu.dynamic_gather %scan3A_190#2[%gather3A_1033] in [0] : vector<16xf32>, vector<16xi32> -> vector<16xf32>
    %max3A_1035 = arith.maximumf %scan3A_190#2, %gather3A_1034 : vector<16xf32>
    %xor3A_1036 = arith.constant 2 : i32
    %xor3A_1037 = vector.broadcast %xor3A_1036 : i32 to vector<16xi32>
    %xor3A_1038 = arith.xori %iota3A, %xor3A_1037 : vector<16xi32>
    %broadcast_in_dim3A_1039 = vector.shape_cast %xor3A_1038 : vector<16xi32> to vector<16x1xi32>
    %gather3A_1040 = vector.shape_cast %broadcast_in_dim3A_1039 : vector<16x1xi32> to vector<16xi32>
    %gather3A_1041 = tpu.dynamic_gather %max3A_1035[%gather3A_1040] in [0] : vector<16xf32>, vector<16xi32> -> vector<16xf32>
    %max3A_1042 = arith.maximumf %max3A_1035, %gather3A_1041 : vector<16xf32>
    %xor3A_1043 = arith.constant 4 : i32
    %xor3A_1044 = vector.broadcast %xor3A_1043 : i32 to vector<16xi32>
    %xor3A_1045 = arith.xori %iota3A, %xor3A_1044 : vector<16xi32>
    %broadcast_in_dim3A_1046 = vector.shape_cast %xor3A_1045 : vector<16xi32> to vector<16x1xi32>
    %gather3A_1047 = vector.shape_cast %broadcast_in_dim3A_1046 : vector<16x1xi32> to vector<16xi32>
    %gather3A_1048 = tpu.dynamic_gather %max3A_1042[%gather3A_1047] in [0] : vector<16xf32>, vector<16xi32> -> vector<16xf32>
    %max3A_1049 = arith.maximumf %max3A_1042, %gather3A_1048 : vector<16xf32>
    %xor3A_1050 = arith.constant 8 : i32
    %xor3A_1051 = vector.broadcast %xor3A_1050 : i32 to vector<16xi32>
    %xor3A_1052 = arith.xori %iota3A, %xor3A_1051 : vector<16xi32>
    %broadcast_in_dim3A_1053 = vector.shape_cast %xor3A_1052 : vector<16xi32> to vector<16x1xi32>
    %gather3A_1054 = vector.shape_cast %broadcast_in_dim3A_1053 : vector<16x1xi32> to vector<16xi32>
    %gather3A_1055 = tpu.dynamic_gather %max3A_1049[%gather3A_1054] in [0] : vector<16xf32>, vector<16xi32> -> vector<16xf32>
    %max3A_1056 = arith.maximumf %max3A_1049, %gather3A_1055 : vector<16xf32>
    %select_n3A_1057 = arith.select %eq3A_1028, %max3A_1056, %select_n3A_1025 : vector<16xi1>, vector<16xf32>
    %eq3A_1058 = arith.constant 11 : i32
    %eq3A_1059 = vector.broadcast %eq3A_1058 : i32 to vector<16xi32>
    %eq3A_1060 = arith.cmpi eq, %iota3A, %eq3A_1059 : vector<16xi32>
    %xor3A_1061 = arith.constant 1 : i32
    %xor3A_1062 = vector.broadcast %xor3A_1061 : i32 to vector<16xi32>
    %xor3A_1063 = arith.xori %iota3A, %xor3A_1062 : vector<16xi32>
    %broadcast_in_dim3A_1064 = vector.shape_cast %xor3A_1063 : vector<16xi32> to vector<16x1xi32>
    %gather3A_1065 = vector.shape_cast %broadcast_in_dim3A_1064 : vector<16x1xi32> to vector<16xi32>
    %gather3A_1066 = tpu.dynamic_gather %scan3A_190#3[%gather3A_1065] in [0] : vector<16xf32>, vector<16xi32> -> vector<16xf32>
    %max3A_1067 = arith.maximumf %scan3A_190#3, %gather3A_1066 : vector<16xf32>
    %xor3A_1068 = arith.constant 2 : i32
    %xor3A_1069 = vector.broadcast %xor3A_1068 : i32 to vector<16xi32>
    %xor3A_1070 = arith.xori %iota3A, %xor3A_1069 : vector<16xi32>
    %broadcast_in_dim3A_1071 = vector.shape_cast %xor3A_1070 : vector<16xi32> to vector<16x1xi32>
    %gather3A_1072 = vector.shape_cast %broadcast_in_dim3A_1071 : vector<16x1xi32> to vector<16xi32>
    %gather3A_1073 = tpu.dynamic_gather %max3A_1067[%gather3A_1072] in [0] : vector<16xf32>, vector<16xi32> -> vector<16xf32>
    %max3A_1074 = arith.maximumf %max3A_1067, %gather3A_1073 : vector<16xf32>
    %xor3A_1075 = arith.constant 4 : i32
    %xor3A_1076 = vector.broadcast %xor3A_1075 : i32 to vector<16xi32>
    %xor3A_1077 = arith.xori %iota3A, %xor3A_1076 : vector<16xi32>
    %broadcast_in_dim3A_1078 = vector.shape_cast %xor3A_1077 : vector<16xi32> to vector<16x1xi32>
    %gather3A_1079 = vector.shape_cast %broadcast_in_dim3A_1078 : vector<16x1xi32> to vector<16xi32>
    %gather3A_1080 = tpu.dynamic_gather %max3A_1074[%gather3A_1079] in [0] : vector<16xf32>, vector<16xi32> -> vector<16xf32>
    %max3A_1081 = arith.maximumf %max3A_1074, %gather3A_1080 : vector<16xf32>
    %xor3A_1082 = arith.constant 8 : i32
    %xor3A_1083 = vector.broadcast %xor3A_1082 : i32 to vector<16xi32>
    %xor3A_1084 = arith.xori %iota3A, %xor3A_1083 : vector<16xi32>
    %broadcast_in_dim3A_1085 = vector.shape_cast %xor3A_1084 : vector<16xi32> to vector<16x1xi32>
    %gather3A_1086 = vector.shape_cast %broadcast_in_dim3A_1085 : vector<16x1xi32> to vector<16xi32>
    %gather3A_1087 = tpu.dynamic_gather %max3A_1081[%gather3A_1086] in [0] : vector<16xf32>, vector<16xi32> -> vector<16xf32>
    %max3A_1088 = arith.maximumf %max3A_1081, %gather3A_1087 : vector<16xf32>
    %select_n3A_1089 = arith.select %eq3A_1060, %max3A_1088, %select_n3A_1057 : vector<16xi1>, vector<16xf32>
    %eq3A_1090 = arith.constant 12 : i32
    %eq3A_1091 = vector.broadcast %eq3A_1090 : i32 to vector<16xi32>
    %eq3A_1092 = arith.cmpi eq, %iota3A, %eq3A_1091 : vector<16xi32>
    %xor3A_1093 = arith.constant 1 : i32
    %xor3A_1094 = vector.broadcast %xor3A_1093 : i32 to vector<16xi32>
    %xor3A_1095 = arith.xori %iota3A, %xor3A_1094 : vector<16xi32>
    %broadcast_in_dim3A_1096 = vector.shape_cast %xor3A_1095 : vector<16xi32> to vector<16x1xi32>
    %gather3A_1097 = vector.shape_cast %broadcast_in_dim3A_1096 : vector<16x1xi32> to vector<16xi32>
    %gather3A_1098 = tpu.dynamic_gather %scan3A_190#4[%gather3A_1097] in [0] : vector<16xf32>, vector<16xi32> -> vector<16xf32>
    %max3A_1099 = arith.maximumf %scan3A_190#4, %gather3A_1098 : vector<16xf32>
    %xor3A_1100 = arith.constant 2 : i32
    %xor3A_1101 = vector.broadcast %xor3A_1100 : i32 to vector<16xi32>
    %xor3A_1102 = arith.xori %iota3A, %xor3A_1101 : vector<16xi32>
    %broadcast_in_dim3A_1103 = vector.shape_cast %xor3A_1102 : vector<16xi32> to vector<16x1xi32>
    %gather3A_1104 = vector.shape_cast %broadcast_in_dim3A_1103 : vector<16x1xi32> to vector<16xi32>
    %gather3A_1105 = tpu.dynamic_gather %max3A_1099[%gather3A_1104] in [0] : vector<16xf32>, vector<16xi32> -> vector<16xf32>
    %max3A_1106 = arith.maximumf %max3A_1099, %gather3A_1105 : vector<16xf32>
    %xor3A_1107 = arith.constant 4 : i32
    %xor3A_1108 = vector.broadcast %xor3A_1107 : i32 to vector<16xi32>
    %xor3A_1109 = arith.xori %iota3A, %xor3A_1108 : vector<16xi32>
    %broadcast_in_dim3A_1110 = vector.shape_cast %xor3A_1109 : vector<16xi32> to vector<16x1xi32>
    %gather3A_1111 = vector.shape_cast %broadcast_in_dim3A_1110 : vector<16x1xi32> to vector<16xi32>
    %gather3A_1112 = tpu.dynamic_gather %max3A_1106[%gather3A_1111] in [0] : vector<16xf32>, vector<16xi32> -> vector<16xf32>
    %max3A_1113 = arith.maximumf %max3A_1106, %gather3A_1112 : vector<16xf32>
    %xor3A_1114 = arith.constant 8 : i32
    %xor3A_1115 = vector.broadcast %xor3A_1114 : i32 to vector<16xi32>
    %xor3A_1116 = arith.xori %iota3A, %xor3A_1115 : vector<16xi32>
    %broadcast_in_dim3A_1117 = vector.shape_cast %xor3A_1116 : vector<16xi32> to vector<16x1xi32>
    %gather3A_1118 = vector.shape_cast %broadcast_in_dim3A_1117 : vector<16x1xi32> to vector<16xi32>
    %gather3A_1119 = tpu.dynamic_gather %max3A_1113[%gather3A_1118] in [0] : vector<16xf32>, vector<16xi32> -> vector<16xf32>
    %max3A_1120 = arith.maximumf %max3A_1113, %gather3A_1119 : vector<16xf32>
    %select_n3A_1121 = arith.select %eq3A_1092, %max3A_1120, %select_n3A_1089 : vector<16xi1>, vector<16xf32>
    %eq3A_1122 = arith.constant 13 : i32
    %eq3A_1123 = vector.broadcast %eq3A_1122 : i32 to vector<16xi32>
    %eq3A_1124 = arith.cmpi eq, %iota3A, %eq3A_1123 : vector<16xi32>
    %xor3A_1125 = arith.constant 1 : i32
    %xor3A_1126 = vector.broadcast %xor3A_1125 : i32 to vector<16xi32>
    %xor3A_1127 = arith.xori %iota3A, %xor3A_1126 : vector<16xi32>
    %broadcast_in_dim3A_1128 = vector.shape_cast %xor3A_1127 : vector<16xi32> to vector<16x1xi32>
    %gather3A_1129 = vector.shape_cast %broadcast_in_dim3A_1128 : vector<16x1xi32> to vector<16xi32>
    %gather3A_1130 = tpu.dynamic_gather %scan3A_190#5[%gather3A_1129] in [0] : vector<16xf32>, vector<16xi32> -> vector<16xf32>
    %max3A_1131 = arith.maximumf %scan3A_190#5, %gather3A_1130 : vector<16xf32>
    %xor3A_1132 = arith.constant 2 : i32
    %xor3A_1133 = vector.broadcast %xor3A_1132 : i32 to vector<16xi32>
    %xor3A_1134 = arith.xori %iota3A, %xor3A_1133 : vector<16xi32>
    %broadcast_in_dim3A_1135 = vector.shape_cast %xor3A_1134 : vector<16xi32> to vector<16x1xi32>
    %gather3A_1136 = vector.shape_cast %broadcast_in_dim3A_1135 : vector<16x1xi32> to vector<16xi32>
    %gather3A_1137 = tpu.dynamic_gather %max3A_1131[%gather3A_1136] in [0] : vector<16xf32>, vector<16xi32> -> vector<16xf32>
    %max3A_1138 = arith.maximumf %max3A_1131, %gather3A_1137 : vector<16xf32>
    %xor3A_1139 = arith.constant 4 : i32
    %xor3A_1140 = vector.broadcast %xor3A_1139 : i32 to vector<16xi32>
    %xor3A_1141 = arith.xori %iota3A, %xor3A_1140 : vector<16xi32>
    %broadcast_in_dim3A_1142 = vector.shape_cast %xor3A_1141 : vector<16xi32> to vector<16x1xi32>
    %gather3A_1143 = vector.shape_cast %broadcast_in_dim3A_1142 : vector<16x1xi32> to vector<16xi32>
    %gather3A_1144 = tpu.dynamic_gather %max3A_1138[%gather3A_1143] in [0] : vector<16xf32>, vector<16xi32> -> vector<16xf32>
    %max3A_1145 = arith.maximumf %max3A_1138, %gather3A_1144 : vector<16xf32>
    %xor3A_1146 = arith.constant 8 : i32
    %xor3A_1147 = vector.broadcast %xor3A_1146 : i32 to vector<16xi32>
    %xor3A_1148 = arith.xori %iota3A, %xor3A_1147 : vector<16xi32>
    %broadcast_in_dim3A_1149 = vector.shape_cast %xor3A_1148 : vector<16xi32> to vector<16x1xi32>
    %gather3A_1150 = vector.shape_cast %broadcast_in_dim3A_1149 : vector<16x1xi32> to vector<16xi32>
    %gather3A_1151 = tpu.dynamic_gather %max3A_1145[%gather3A_1150] in [0] : vector<16xf32>, vector<16xi32> -> vector<16xf32>
    %max3A_1152 = arith.maximumf %max3A_1145, %gather3A_1151 : vector<16xf32>
    %select_n3A_1153 = arith.select %eq3A_1124, %max3A_1152, %select_n3A_1121 : vector<16xi1>, vector<16xf32>
    %eq3A_1154 = arith.constant 14 : i32
    %eq3A_1155 = vector.broadcast %eq3A_1154 : i32 to vector<16xi32>
    %eq3A_1156 = arith.cmpi eq, %iota3A, %eq3A_1155 : vector<16xi32>
    %xor3A_1157 = arith.constant 1 : i32
    %xor3A_1158 = vector.broadcast %xor3A_1157 : i32 to vector<16xi32>
    %xor3A_1159 = arith.xori %iota3A, %xor3A_1158 : vector<16xi32>
    %broadcast_in_dim3A_1160 = vector.shape_cast %xor3A_1159 : vector<16xi32> to vector<16x1xi32>
    %gather3A_1161 = vector.shape_cast %broadcast_in_dim3A_1160 : vector<16x1xi32> to vector<16xi32>
    %gather3A_1162 = tpu.dynamic_gather %scan3A_190#6[%gather3A_1161] in [0] : vector<16xf32>, vector<16xi32> -> vector<16xf32>
    %max3A_1163 = arith.maximumf %scan3A_190#6, %gather3A_1162 : vector<16xf32>
    %xor3A_1164 = arith.constant 2 : i32
    %xor3A_1165 = vector.broadcast %xor3A_1164 : i32 to vector<16xi32>
    %xor3A_1166 = arith.xori %iota3A, %xor3A_1165 : vector<16xi32>
    %broadcast_in_dim3A_1167 = vector.shape_cast %xor3A_1166 : vector<16xi32> to vector<16x1xi32>
    %gather3A_1168 = vector.shape_cast %broadcast_in_dim3A_1167 : vector<16x1xi32> to vector<16xi32>
    %gather3A_1169 = tpu.dynamic_gather %max3A_1163[%gather3A_1168] in [0] : vector<16xf32>, vector<16xi32> -> vector<16xf32>
    %max3A_1170 = arith.maximumf %max3A_1163, %gather3A_1169 : vector<16xf32>
    %xor3A_1171 = arith.constant 4 : i32
    %xor3A_1172 = vector.broadcast %xor3A_1171 : i32 to vector<16xi32>
    %xor3A_1173 = arith.xori %iota3A, %xor3A_1172 : vector<16xi32>
    %broadcast_in_dim3A_1174 = vector.shape_cast %xor3A_1173 : vector<16xi32> to vector<16x1xi32>
    %gather3A_1175 = vector.shape_cast %broadcast_in_dim3A_1174 : vector<16x1xi32> to vector<16xi32>
    %gather3A_1176 = tpu.dynamic_gather %max3A_1170[%gather3A_1175] in [0] : vector<16xf32>, vector<16xi32> -> vector<16xf32>
    %max3A_1177 = arith.maximumf %max3A_1170, %gather3A_1176 : vector<16xf32>
    %xor3A_1178 = arith.constant 8 : i32
    %xor3A_1179 = vector.broadcast %xor3A_1178 : i32 to vector<16xi32>
    %xor3A_1180 = arith.xori %iota3A, %xor3A_1179 : vector<16xi32>
    %broadcast_in_dim3A_1181 = vector.shape_cast %xor3A_1180 : vector<16xi32> to vector<16x1xi32>
    %gather3A_1182 = vector.shape_cast %broadcast_in_dim3A_1181 : vector<16x1xi32> to vector<16xi32>
    %gather3A_1183 = tpu.dynamic_gather %max3A_1177[%gather3A_1182] in [0] : vector<16xf32>, vector<16xi32> -> vector<16xf32>
    %max3A_1184 = arith.maximumf %max3A_1177, %gather3A_1183 : vector<16xf32>
    %select_n3A_1185 = arith.select %eq3A_1156, %max3A_1184, %select_n3A_1153 : vector<16xi1>, vector<16xf32>
    %eq3A_1186 = arith.constant 15 : i32
    %eq3A_1187 = vector.broadcast %eq3A_1186 : i32 to vector<16xi32>
    %eq3A_1188 = arith.cmpi eq, %iota3A, %eq3A_1187 : vector<16xi32>
    %xor3A_1189 = arith.constant 1 : i32
    %xor3A_1190 = vector.broadcast %xor3A_1189 : i32 to vector<16xi32>
    %xor3A_1191 = arith.xori %iota3A, %xor3A_1190 : vector<16xi32>
    %broadcast_in_dim3A_1192 = vector.shape_cast %xor3A_1191 : vector<16xi32> to vector<16x1xi32>
    %gather3A_1193 = vector.shape_cast %broadcast_in_dim3A_1192 : vector<16x1xi32> to vector<16xi32>
    %gather3A_1194 = tpu.dynamic_gather %scan3A_190#7[%gather3A_1193] in [0] : vector<16xf32>, vector<16xi32> -> vector<16xf32>
    %max3A_1195 = arith.maximumf %scan3A_190#7, %gather3A_1194 : vector<16xf32>
    %xor3A_1196 = arith.constant 2 : i32
    %xor3A_1197 = vector.broadcast %xor3A_1196 : i32 to vector<16xi32>
    %xor3A_1198 = arith.xori %iota3A, %xor3A_1197 : vector<16xi32>
    %broadcast_in_dim3A_1199 = vector.shape_cast %xor3A_1198 : vector<16xi32> to vector<16x1xi32>
    %gather3A_1200 = vector.shape_cast %broadcast_in_dim3A_1199 : vector<16x1xi32> to vector<16xi32>
    %gather3A_1201 = tpu.dynamic_gather %max3A_1195[%gather3A_1200] in [0] : vector<16xf32>, vector<16xi32> -> vector<16xf32>
    %max3A_1202 = arith.maximumf %max3A_1195, %gather3A_1201 : vector<16xf32>
    %xor3A_1203 = arith.constant 4 : i32
    %xor3A_1204 = vector.broadcast %xor3A_1203 : i32 to vector<16xi32>
    %xor3A_1205 = arith.xori %iota3A, %xor3A_1204 : vector<16xi32>
    %broadcast_in_dim3A_1206 = vector.shape_cast %xor3A_1205 : vector<16xi32> to vector<16x1xi32>
    %gather3A_1207 = vector.shape_cast %broadcast_in_dim3A_1206 : vector<16x1xi32> to vector<16xi32>
    %gather3A_1208 = tpu.dynamic_gather %max3A_1202[%gather3A_1207] in [0] : vector<16xf32>, vector<16xi32> -> vector<16xf32>
    %max3A_1209 = arith.maximumf %max3A_1202, %gather3A_1208 : vector<16xf32>
    %xor3A_1210 = arith.constant 8 : i32
    %xor3A_1211 = vector.broadcast %xor3A_1210 : i32 to vector<16xi32>
    %xor3A_1212 = arith.xori %iota3A, %xor3A_1211 : vector<16xi32>
    %broadcast_in_dim3A_1213 = vector.shape_cast %xor3A_1212 : vector<16xi32> to vector<16x1xi32>
    %gather3A_1214 = vector.shape_cast %broadcast_in_dim3A_1213 : vector<16x1xi32> to vector<16xi32>
    %gather3A_1215 = tpu.dynamic_gather %max3A_1209[%gather3A_1214] in [0] : vector<16xf32>, vector<16xi32> -> vector<16xf32>
    %max3A_1216 = arith.maximumf %max3A_1209, %gather3A_1215 : vector<16xf32>
    %select_n3A_1217 = arith.select %eq3A_1188, %max3A_1216, %select_n3A_1185 : vector<16xi1>, vector<16xf32>
    %swap3A_1218 = arith.constant 16 : index
    %swap3A_1219 = tpu.vector_load %arg12[%swap3A_1218] {strides = array<i32>} : memref<32xf32, #tpu.memory_space<vmem>>, vector<16xf32>,
    %swap3A_1220 = vector.shape_cast %swap3A_1219 : vector<16xf32> to vector<16xf32>
    %swap3A_1221 = vector.shape_cast %select_n3A_1217 : vector<16xf32> to vector<16xf32>
    tpu.vector_store %arg12[%swap3A_1218], %swap3A_1221 {strides = array<i32>} : memref<32xf32, #tpu.memory_space<vmem>>, vector<16xf32>,
    "tpu.region"() ({
      %run_scoped3A = tpu.sem_alloc : memref<!tpu.dma_semaphore, #tpu.memory_space<semaphore_mem>>
      %dma_start3A_1222 = tpu.memref_slice %arg6[%mul3A_2] : memref<512xf32, #tpu.memory_space<hbm>> -> memref<32xf32, #tpu.memory_space<hbm>>
      %dma_start3A_1223 = tpu.memref_slice %arg6[%mul3A_2] : memref<512xf32, #tpu.memory_space<hbm>> -> memref<32xf32, #tpu.memory_space<hbm>>
      tpu.enqueue_dma source(%arg12 : memref<32xf32, #tpu.memory_space<vmem>>) target(%dma_start3A_1223 : memref<32xf32, #tpu.memory_space<hbm>>) target_semaphore(%run_scoped3A : memref<!tpu.dma_semaphore, #tpu.memory_space<semaphore_mem>>)
      %dma_wait3A_1224 = tpu.memref_slice %arg6[%mul3A_2] : memref<512xf32, #tpu.memory_space<hbm>> -> memref<32xf32, #tpu.memory_space<hbm>>
      %dma_wait3A_1225 = tpu.memref_slice %arg6[%mul3A_2] : memref<512xf32, #tpu.memory_space<hbm>> -> memref<32xf32, #tpu.memory_space<hbm>>
      tpu.wait_dma2 semaphore(%run_scoped3A : memref<!tpu.dma_semaphore, #tpu.memory_space<semaphore_mem>>) src(%arg12 : memref<32xf32, #tpu.memory_space<vmem>>) dst(%dma_wait3A_1225 : memref<32xf32, #tpu.memory_space<hbm>>)
      tpu.yield
    }) : () -> ()
    return
  }
}

module attributes {stable_mosaic.version = 14 : i64} {
  func.func @_row_block_kernel(%arg0: i32, %arg1: memref<512x3xf32, #tpu.memory_space<vmem>>, %arg2: memref<3x4096xf32, #tpu.memory_space<vmem>>, %arg3: memref<512x4096xi32, #tpu.memory_space<vmem>>, %arg4: memref<3x4096xf32, #tpu.memory_space<vmem>>, %arg5: memref<512x3xf32, #tpu.memory_space<vmem>>) attributes {dimension_semantics = [#tpu.dimension_semantics<arbitrary>], iteration_bounds = array<i64: 7>, scalar_prefetch = 0 : i64, scratch_operands = 0 : i64, tpu.core_type = #tpu.core_type<tc>, window_params = [{transform_indices = @transform_0, window_bounds = array<i64: 512, 3>}, {pipeline_mode = #tpu.pipeline_mode<synchronous>, transform_indices = @transform_1, window_bounds = array<i64: 3, 4096>}, {transform_indices = @transform_2, window_bounds = array<i64: 512, 4096>}, {pipeline_mode = #tpu.pipeline_mode<synchronous>, transform_indices = @transform_3, window_bounds = array<i64: 3, 4096>}, {transform_indices = @transform_4, window_bounds = array<i64: 512, 3>}]} {
    %get3A = arith.constant 0 : index
    %get3A_0 = arith.constant 0 : index
    %get3A_1 = vector.load %arg1[%get3A, %get3A_0] : memref<512x3xf32, #tpu.memory_space<vmem>>, vector<512x3xf32>
    %reduce_sum3A = arith.constant dense<0.000000e+00> : vector<512xf32>
    %reduce_sum3A_2 = vector.multi_reduction <add>, %get3A_1, %reduce_sum3A [1] : vector<512x3xf32> to vector<512xf32>
    %broadcast_in_dim3A = vector.shape_cast %reduce_sum3A_2 : vector<512xf32> to vector<512x1xf32>
    %get3A_3 = arith.constant 0 : index
    %get3A_4 = arith.constant 0 : index
    %get3A_5 = vector.load %arg2[%get3A_3, %get3A_4] : memref<3x4096xf32, #tpu.memory_space<vmem>>, vector<3x4096xf32>
    %reduce_sum3A_6 = arith.constant dense<0.000000e+00> : vector<4096xf32>
    %reduce_sum3A_7 = vector.multi_reduction <add>, %get3A_5, %reduce_sum3A_6 [0] : vector<3x4096xf32> to vector<4096xf32>
    %broadcast_in_dim3A_8 = vector.shape_cast %reduce_sum3A_7 : vector<4096xf32> to vector<1x4096xf32>
    %reduce_sum3A_9 = vector.shape_cast %broadcast_in_dim3A_8 : vector<1x4096xf32> to vector<1x1x4096xf32>
    %reduce_sum3A_10 = arith.constant dense<0.000000e+00> : vector<1xf32>
    %reduce_sum3A_11 = vector.multi_reduction <add>, %reduce_sum3A_9, %reduce_sum3A_10 [1, 2] : vector<1x1x4096xf32> to vector<1xf32>
    %reduce_sum3A_12 = vector.shape_cast %reduce_sum3A_11 : vector<1xf32> to vector<1x1x1xf32>
    %reduce_sum3A_13 = vector.extract %reduce_sum3A_12[0, 0, 0] : f32 from vector<1x1x1xf32>
    %div3A = arith.constant 4.096000e+03 : f32
    %div3A_14 = arith.divf %reduce_sum3A_13, %div3A : f32
    %sub3A = vector.broadcast %div3A_14 : f32 to vector<512x1xf32>
    %sub3A_15 = arith.subf %broadcast_in_dim3A, %sub3A : vector<512x1xf32>
    %convert_element_type3A = arith.truncf %sub3A_15 : vector<512x1xf32> to vector<512x1xbf16>
    %sub3A_16 = vector.broadcast %div3A_14 : f32 to vector<1x4096xf32>
    %sub3A_17 = arith.subf %broadcast_in_dim3A_8, %sub3A_16 : vector<1x4096xf32>
    %convert_element_type3A_18 = arith.truncf %sub3A_17 : vector<1x4096xf32> to vector<1x4096xbf16>
    %get3A_19 = arith.constant 0 : index
    %get3A_20 = arith.constant 0 : index
    %get3A_21 = vector.load %arg4[%get3A_19, %get3A_20] : memref<3x4096xf32, #tpu.memory_space<vmem>>, vector<3x4096xf32>
    %reduce_max3A = arith.constant dense<0xFF800000> : vector<4096xf32>
    %reduce_max3A_22 = vector.multi_reduction <maximumf>, %get3A_21, %reduce_max3A [0] : vector<3x4096xf32> to vector<4096xf32>
    %broadcast_in_dim3A_23 = vector.shape_cast %reduce_max3A_22 : vector<4096xf32> to vector<1x4096xf32>
    %convert_element_type3A_24 = arith.truncf %broadcast_in_dim3A_23 : vector<1x4096xf32> to vector<1x4096xbf16>
    %get3A_25 = arith.constant 0 : index
    %get3A_26 = arith.constant 0 : index
    %get3A_27 = vector.load %arg3[%get3A_25, %get3A_26] : memref<512x4096xi32, #tpu.memory_space<vmem>>, vector<512x4096xi32>
    %convert_element_type3A_28 = arith.sitofp %get3A_27 : vector<512x4096xi32> to vector<512x4096xbf16>
    %sub3A_29 = vector.broadcast %convert_element_type3A : vector<512x1xbf16> to vector<512x4096xbf16>
    %sub3A_30 = vector.broadcast %convert_element_type3A_18 : vector<1x4096xbf16> to vector<512x4096xbf16>
    %sub3A_31 = arith.subf %sub3A_29, %sub3A_30 : vector<512x4096xbf16>
    %mul3A = vector.broadcast %convert_element_type3A_24 : vector<1x4096xbf16> to vector<512x4096xbf16>
    %mul3A_32 = arith.mulf %convert_element_type3A_28, %mul3A : vector<512x4096xbf16>
    %mul3A_33 = arith.mulf %sub3A_31, %mul3A_32 : vector<512x4096xbf16>
    %reduce_max3A_34 = arith.constant dense<0xFF80> : vector<512xbf16>
    %reduce_max3A_35 = vector.multi_reduction <maximumf>, %mul3A_33, %reduce_max3A_34 [1] : vector<512x4096xbf16> to vector<512xbf16>
    %broadcast_in_dim3A_36 = vector.shape_cast %reduce_max3A_35 : vector<512xbf16> to vector<512x1xbf16>
    %convert_element_type3A_37 = arith.extf %broadcast_in_dim3A_36 : vector<512x1xbf16> to vector<512x1xf32>
    %broadcast_in_dim3A_38 = vector.shape_cast %convert_element_type3A_37 : vector<512x1xf32> to vector<512x1xf32>
    %broadcast_in_dim3A_39 = vector.broadcast %broadcast_in_dim3A_38 : vector<512x1xf32> to vector<512x3xf32>
    %swap3A = arith.constant 0 : index
    %swap3A_40 = arith.constant 0 : index
    %swap3A_41 = vector.load %arg5[%swap3A, %swap3A_40] : memref<512x3xf32, #tpu.memory_space<vmem>>, vector<512x3xf32>
    tpu.vector_store %arg5[%swap3A, %swap3A_40], %broadcast_in_dim3A_39 {strides = array<i32>} : memref<512x3xf32, #tpu.memory_space<vmem>>, vector<512x3xf32>,
    return
  }
  func.func @transform_0(%arg0: i32) -> (i32, i32) {
    %add3A = arith.constant 1 : i32
    %add3A_0 = arith.addi %arg0, %add3A : i32
    %c0_i32 = arith.constant 0 : i32
    %c0_i32_1 = arith.constant 0 : i32
    return %add3A_0, %c0_i32 : i32, i32
  }
  func.func @transform_1(%arg0: i32) -> (i32, i32) {
    %c0_i32 = arith.constant 0 : i32
    %c0_i32_0 = arith.constant 0 : i32
    %c0_i32_1 = arith.constant 0 : i32
    return %c0_i32, %c0_i32_0 : i32, i32
  }
  func.func @transform_2(%arg0: i32) -> (i32, i32) {
    %add3A = arith.constant 1 : i32
    %add3A_0 = arith.addi %arg0, %add3A : i32
    %c0_i32 = arith.constant 0 : i32
    %c0_i32_1 = arith.constant 0 : i32
    return %add3A_0, %c0_i32 : i32, i32
  }
  func.func @transform_3(%arg0: i32) -> (i32, i32) {
    %c0_i32 = arith.constant 0 : i32
    %c0_i32_0 = arith.constant 0 : i32
    %c0_i32_1 = arith.constant 0 : i32
    return %c0_i32, %c0_i32_0 : i32, i32
  }
  func.func @transform_4(%arg0: i32) -> (i32, i32) {
    %c0_i32 = arith.constant 0 : i32
    %c0_i32_0 = arith.constant 0 : i32
    return %arg0, %c0_i32 : i32, i32
  }
}

</mosaic_0001>

<sc_bundles>
// kernel: kernel.4.cloned.1.call-start
scs
__scs_entry_jumppad:
0x0: {  	(pc) =	sbr.rel $0x88, $3  }
0x1: {  	(tag) =	ssettag $0x0;
	lr =	simm.s32 $0x1  }
0x2: {  	[smem:$0x3F9E] =	sst lr;
	_ =	strace $0xD0000000  }
0x3: {  	_ = 	snop  }
0x4: {  	_ = 	snop  }
0x5: {  	_ = 	snop  }
0x6: {  	_ = 	snop  }
0x7: {  	_ = 	snop  }
__scs_overlays_trampoline_lowered:
0x8: {  	[smem:$0x3FAD] =	sst s0  }
0x9: {  	[smem:$0x3FAE] =	sst s1  }
0xa: {  	[smem:$0x3FAF] =	sst s2  }
0xb: {  	[smem:$0x3FB0] =	sst s3  }
0xc: {  	[smem:$0x3FB1] =	sst s4  }
0xd: {  	[smem:$0x3FB2] =	sst s5  }
0xe: {  	[smem:$0x3FB3] =	sst s6  }
0xf: {  	[smem:$0x3FB4] =	sst s7  }
0x10: {  	[smem:$0x3FB5] =	sst s8  }
0x11: {  	[smem:$0x3FB6] =	sst s9;
	s0 =	simm.s32 @!p0 $0x0  }
0x12: {  	s1 =	sld [smem:$0x3F9C];
	s0 =	simm.s32 @p0 $0x1  }
0x13: {  	[smem:$0x3FB7] =	sst s0;
	s0 =	simm.s32 @!p1 $0x0  }
0x14: {  	s2 =	sld [smem:$0x3F9B];
	s0 =	simm.s32 @p1 $0x1  }
0x15: {  	[smem:$0x3FB8] =	sst s0;
	s0 =	simm.s32 @!p2 $0x0  }
0x16: {  	s3 =	sld [smem:$0x3FDB];
	s0 =	simm.s32 @p2 $0x1  }
0x17: {  	s4 =	simm.s32 $0x1BF5;
	[smem:$0x3FBA] =	sst s0  }
0x18: {  	s0 =	sld [smem:$0x3F9D];
	_ =	swait.ge [sflag:s4], $0x0  }
0x19: {  	s7 =	sld [smem:$0x3F9E]  }
0x1a: {  	s8 =	sadd.s32 $0xFFFFE003, lr  }
0x1b: {  	s9 =	sadd.s32 $0xFFFFFEF7, lr;
	s5 =	simm.s32 $0xFFFFFFFF;
	p2 =	slt.u32 s8, $0xFFFFF086  }
0x1c: {  	p1 =	slt.u32 s9, $0xF7A;
	s5 =	simm.s32 @!p2 $0x0  }
0x1d: {  	s5 =	simm.s32 @p1 $0x1;
	p0 =	seq.s32 s7, s2  }
0x1e: {  	s7 =	smul.u32 @!p0 $0xF7A, s2;
	p2 =	seq.s32 @!p0 s5, $0x0  }
0x1f: {  	s9 =	smul.u32 $0xF7A, s1;
	s8 =	simm.s32 @!p0 $0x1BF5;
	p2 =	por !p2, p0  }
0x20: {  	[sflag:s8] =	ssyncset.s32 @!p0 $0xFFFFF086;
	s6 =	sadd.s32 @!p0 s3, s7;
	s7 =	simm.s32 @!p0 $0x108  }
0x21: {  	s3 =	sadd.s32 s3, s9;
	s6 =	sadd.s32 @!p0 $0x88, s6;
	s7 =	simm.s32 @p2 $0x1082  }
0x22: {  	[simem:s7], [sflag:s8] =	dma.local @!p0 [hbm:s6], $0xF7A  }
0x23: {  	s9 =	sor.u32 $0xD0000000, s2;
	s6 =	simm.s32 $0x108;
	_ =	swait.ge @!p0 [sflag:s8], $0x0  }
0x24: {  	s3 =	sadd.s32 $0x88, s3;
	s6 =	simm.s32 @!p1 $0x1082;
	[sflag:s4] =	ssyncset.s32 $0xFFFFF086  }
0x25: {  	[simem:s6], [sflag:s4] =	dma.local [hbm:s3], $0xF7A  }
0x26: {  	[smem:$0x3F9E] =	sst s1;
	(tag) =	ssettag s2;
	_ =	strace s9  }
0x27: {  	s1 =	sld [smem:$0x3FAE]  }
0x28: {  	s2 =	sld [smem:$0x3FAF]  }
0x29: {  	s4 =	sld [smem:$0x3FB1]  }
0x2a: {  	p0 =	seq.s32 s5, $0x0;
	s5 =	sld [smem:$0x3FB2]  }
0x2b: {  	s6 =	sld [smem:$0x3FB3]  }
0x2c: {  	s7 =	sld [smem:$0x3FB4]  }
0x2d: {  	s3 =	simm.s32 $0x108;
	s8 =	sld [smem:$0x3FB5]  }
0x2e: {  	s3 =	simm.s32 @!p0 $0x1082;
	s9 =	sld [smem:$0x3FB6]  }
0x2f: {  	lr =	sadd.s32 s0, s3;
	s0 =	sld [smem:$0x3FAD]  }
0x30: {  	s3 =	sld [smem:$0x3FB0]  }
0x31: {  	[smem:$0x3FB9] =	sst s10  }
0x32: {  	s10 =	sld [smem:$0x3FB7];
	_ =	sdelay $0x3  }
0x33: {  	p0 =	seq.s32 s10, $0x1;
	s10 =	sld [smem:$0x3FB9];
	_ =	sdelay $0x3  }
0x34: {  	[smem:$0x3FB9] =	sst s10  }
0x35: {  	s10 =	sld [smem:$0x3FB8];
	_ =	sdelay $0x3  }
0x36: {  	p1 =	seq.s32 s10, $0x1;
	s10 =	sld [smem:$0x3FB9];
	_ =	sdelay $0x3  }
0x37: {  	[smem:$0x3FB9] =	sst s10  }
0x38: {  	s10 =	sld [smem:$0x3FBA]  }
0x39: {  	_ = 	snop;
	(pc) =	sbr.ind lr, $3  }
0x3a: {  	_ = 	snop  }
0x3b: {  	_ = 	snop  }
0x3c: {  	p2 =	seq.s32 s10, $0x1;
	s10 =	sld [smem:$0x3FB9]  }
0x3d: {  	_ =	shalt  }
0x3e: {  	_ =	shalt  }
0x3f: {  	_ =	shalt  }
0x40: {  	_ =	shalt  }
0x41: {  	_ =	shalt  }
0x42: {  	_ =	shalt  }
0x43: {  	_ =	shalt  }
0x44: {  	_ =	shalt  }
0x45: {  	_ =	shalt  }
0x46: {  	_ =	shalt  }
0x47: {  	_ =	shalt  }
0x48: {  	_ =	shalt  }
0x49: {  	_ =	shalt  }
0x4a: {  	_ =	shalt  }
0x4b: {  	_ =	shalt  }
0x4c: {  	_ =	shalt  }
0x4d: {  	_ =	shalt  }
0x4e: {  	_ =	shalt  }
0x4f: {  	_ =	shalt  }
0x50: {  	_ =	shalt  }
0x51: {  	_ =	shalt  }
0x52: {  	_ =	shalt  }
0x53: {  	_ =	shalt  }
0x54: {  	_ =	shalt  }
0x55: {  	_ =	shalt  }
0x56: {  	_ =	shalt  }
0x57: {  	_ =	shalt  }
0x58: {  	_ =	shalt  }
0x59: {  	_ =	shalt  }
0x5a: {  	_ =	shalt  }
0x5b: {  	_ =	shalt  }
0x5c: {  	_ =	shalt  }
0x5d: {  	_ =	shalt  }
0x5e: {  	_ =	shalt  }
0x5f: {  	_ =	shalt  }
0x60: {  	_ =	shalt  }
0x61: {  	_ =	shalt  }
0x62: {  	_ =	shalt  }
0x63: {  	_ =	shalt  }
0x64: {  	_ =	shalt  }
0x65: {  	_ =	shalt  }
0x66: {  	_ =	shalt  }
0x67: {  	_ =	shalt  }
0x68: {  	_ =	shalt  }
0x69: {  	_ =	shalt  }
0x6a: {  	_ =	shalt  }
0x6b: {  	_ =	shalt  }
0x6c: {  	_ =	shalt  }
0x6d: {  	_ =	shalt  }
0x6e: {  	_ =	shalt  }
0x6f: {  	_ =	shalt  }
0x70: {  	_ =	shalt  }
0x71: {  	_ =	shalt  }
0x72: {  	_ =	shalt  }
0x73: {  	_ =	shalt  }
0x74: {  	_ =	shalt  }
0x75: {  	_ =	shalt  }
0x76: {  	_ =	shalt  }
0x77: {  	_ =	shalt  }
0x78: {  	_ =	shalt  }
0x79: {  	_ =	shalt  }
0x7a: {  	_ =	shalt  }
0x7b: {  	_ =	shalt  }
0x7c: {  	_ =	shalt  }
0x7d: {  	_ =	shalt  }
0x7e: {  	_ =	shalt  }
0x7f: {  	_ =	shalt  }
0x80: {  	_ =	shalt  }
0x81: {  	_ =	shalt  }
0x82: {  	_ =	shalt  }
0x83: {  	_ =	shalt  }
0x84: {  	_ =	shalt  }
0x85: {  	_ =	shalt  }
0x86: {  	_ =	shalt  }
0x87: {  	_ =	shalt  }
.Lfunc_end0:
.L_simem_size_0:
called_computation_lowered:
.L_overlay_start_0:
0x88: {  	s0 =	sld [smem:$0x3FD9]  }
0x89: {  	s1 =	sld [smem:$0x3FFE];
	_ =	sdelay $0x3  }
0x8a: {  	s0 =	sadd.s32 s1, s0  }
0x8b: {  	[smem:$0x3FC5] =	sst s0  }
0x8c: {  	_ = 	snop  }
0x8d: {  	s0 =	sld [smem:$0x3FC8]  }
0x8e: {  	s16 =	sld [smem:$0x3FD0];
	(tm) =	ssettm $0x1  }
0x8f: {  	s2 =	sld [smem:$0x3FFB];
	_ =	sdelay $0x3  }
0x90: {  	_ =	strace s2  }
0x91: {  	s2 =	sld [smem:$0x3FFC];
	_ =	sdelay $0x3  }
0x92: {  	_ =	strace s2  }
0x93: {  	s2 =	sld [smem:$0x3FFD];
	_ =	sdelay $0x3  }
0x94: {  	_ =	strace s2  }
0x95: {  	_ =	strace $0x8FFFFFFF  }
0x96: {  	s17 =	sld [smem:$0x3FDB];
	_ =	sdelay $0x1  }
0x97: {  	s3 =	simm.s32 $_scs_section_size  }
0x98: {  	s4 =	simm.s32 $_size__tile_overlayer_lowered;
	s5 =	simm.s32 $_tile_overlayer_lowered  }
0x99: {  	s20 =	simm.s32 $0x1BFF;
	s19 =	sshll.u32 s5, $0x1;
	s2 =	sadd.s32 s3, s17  }
0x9a: {  	s6 =	simm.s32 $0x0;
	s18 =	sshll.u32 s4, $0x1;
	s4 =	sadd.s32 s19, s2  }
0x9b: {  	[timem:s6], [sflag:s20] =	dma.local [hbm:s4], s18  }
0x9c: {  	_ =	swait.ge [sflag:s20], s18  }
0x9d: {  	s3 =	ssub.s32 $0x0, s18;
	[sflag:s20] =	ssyncset.done $0x0  }
0x9e: {  	[sflag:s20] =	ssyncadd.s32 s3;
	_ =	sdelay $0x1  }
0x9f: {  	s21 =	simm.s32 $0x1B8B  }
0xa0: {  	_ =	swait.ge [sflag:s21], $0x1  }
0xa1: {  	[sflag:s21] =	ssyncset.done $0x0  }
0xa2: {  	s23 =	simm.s32 $0x1B8E;
	s22 =	sld [smem:$0x3FFE];
	[sflag:s21] =	ssyncadd.s32 $0xFFFFFFFF  }
0xa3: {  	s24 =	simm.s32 $execute0_lowered;
	[smem:$0x3FD2] =	sst s23  }
0xa4: {  	s4 =	sshll.u32 s24, $0x1;
	_ =	strace $0x80000046;
	[dreg:$0x1] =	wrdreg $0xFFFFFFFF  }
0xa5: {  	s25 =	simm.s32 $_size_execute0_lowered;
	s2 =	sadd.s32 s2, s4;
	[dreg:$0x0] =	wrdreg $0x0  }
0xa6: {  	s4 =	sshll.u32 s25, $0x1;
	[dreg:$0x2] =	wrdreg s2  }
0xa7: {  	[dreg:$0x3] =	wrdreg s4  }
0xa8: {  	[dreg:$0x4] =	wrdreg $0xC0  }
0xa9: {  	_ =	task [dreg:s6], $0x5FFFF  }
0xaa: {  	[dreg:$0x1] =	wrdreg $0xFFFFFFFF  }
0xab: {  	[dreg:$0x0] =	wrdreg $0x60  }
0xac: {  	[dreg:$0x2] =	wrdreg s0  }
0xad: {  	[dreg:$0x3] =	wrdreg s16  }
0xae: {  	[dreg:$0x4] =	wrdreg s22  }
0xaf: {  	[dreg:$0x5] =	wrdreg $0x9  }
0xb0: {  	_ =	task.clear_ibuf [dreg:s6], $0x6FFFF;
	_ =	strace $0x90000046  }
0xb1: {  	s26 =	simm.s32 $0x9;
	_ =	strace $0x80000048  }
0xb2: {  	_ =	swait.ge [sflag:s26], $0x1  }
0xb3: {  	[sflag:s26] =	ssyncadd.s32 $0xFFFFFFFF  }
0xb4: {  	_ =	strace $0x90000048  }
0xb5: {  	_ =	sfence  }
0xb6: {  	s28 =	sld [smem:$0x0];
	_ =	sdelay $0x1  }
0xb7: {  	s29 =	srdreg.scid  }
0xb8: {  	s30 =	sshll.u32 s29, $0xD;
	s31 =	sshrl.u32 s29, $0x2  }
0xb9: {  	s1 =	sand.u32 $0x1, s29;
	s2 =	sand.u32 $0x4000, s30;
	s0 =	sadd.s32 s31, s28  }
0xba: {  	s1 =	sor.u32 s2, s1;
	s0 =	sshll.u32 s0, $0x11  }
0xbb: {  	s0 =	sor.u32 s0, s1  }
0xbc: {  	s0 =	sadd.s32 $0x8F2B, s0  }
0xbd: {  	[sflag:s0] =	ssyncadd.remote.s32 $0x1  }
0xbe: {  	_ =	sfence.sel $0xFFFF  }
0xbf: {  	[dreg:$0x0] =	wrdreg $0xFFFFFFFF;
	(pc) =	sbr.abs _section_cstart, $3  }
0xc0: {  	[dreg:$0x1] =	wrdreg $0xFFFFFFFF  }
0xc1: {  	_ =	task.clear_ibuf [dreg:s6], $0x2FFFF;
	_ =	strace $0x9FFFFFFF  }
0xc2: {  	(tm) =	ssettm $0x7FFFFFFF  }
0xc3: {  	_ =	shalt  }
tec
execute0_lowered:
.L_overlay_start_1:
0x0: {  	(tag) =	ssettag $0x1  }
0x1: {  	s4 =	rddreg [dreg:$0x0]  }
0x2: {  	s7 =	rddreg [dreg:$0x1]  }
0x3: {  	s3 =	rddreg [dreg:$0x2];
	s6 =	simm.s32 $0x0;
	s1 =	stileid.u32  }
0x4: {  	[smem:$0x7FF] =	sst s6;
	s5 =	sshll.u32 s1, $0xE  }
0x5: {  	s0 =	rddreg [dreg:$0x3];
	_ =	strace $0x80000047;
	s8 =	sadd.s32 s4, s5  }
0x6: {  	[tilespmem:s6], [sflag:$0x1] =	stream.linear.gather [hbm4b:s8+s6], $0x8000, $0x38;
	[tilespmem:$0x12100] =	vst v63  }
0x7: {  	s9 =	simm.s32 $0x10000;
	s10 =	simm.s32 $0x3;
	s2 =	sadd.s32 $0x200, s3  }
0x8: {  	[tilespmem:s9], [sflag:$0x3] =	stream.linear.gather [hbm4b:s2+s6], $0x1000, $0x38;
	[tilespmem:$0x12100] =	vst v63  }
0x9: {  	_ =	swait.ge [sflag:s10], $0x1000  }
0xa: {  	[sflag:s10] =	ssyncset.done $0x0  }
0xb: {  	s11 =	simm.s32 $0x11000;
	s17 =	sadd.s32 $0x400, s3;
	[sflag:s10] =	ssyncadd.s32 $0xFFFFF000  }
0xc: {  	[tilespmem:s11], [sflag:$0x3] =	stream.linear.gather [hbm4b:s17+s6], $0x1000, $0x38;
	[tilespmem:$0x12100] =	vst v63  }
0xd: {  	_ =	swait.ge [sflag:s10], $0x1000  }
0xe: {  	s2 =	sshll.u32 s1, $0x2;
	[sflag:s10] =	ssyncset.done $0x0  }
0xf: {  	s12 =	simm.s32 $0x12000;
	s7 =	sadd.s32 s7, s2;
	[sflag:s10] =	ssyncadd.s32 $0xFFFFF000  }
0x10: {  	[tilespmem:s12], [sflag:$0x3] =	stream.linear.gather [hbm4b:s7+s6], $0x20, $0x38;
	[tilespmem:$0x12100] =	vst v63  }
0x11: {  	_ =	swait.ge [sflag:s10], $0x20  }
0x12: {  	[sflag:s10] =	ssyncset.done $0x0  }
0x13: {  	[sflag:s10] =	ssyncadd.s32 $0xFFFFFFE0  }
0x14: {  	s19 =	simm.s32 $0x8000;
	s20 =	simm.s32 $0x1;
	s18 =	sadd.s32 $0x1000, s8;
	v1 =	vld [tilespmem:$0x12000]  }
0x15: {  	v8 =	vld [tilespmem:$0x12010];
	[tilespmem:s19], [sflag:$0x2] =	stream.linear.gather [hbm4b:s18+s6], $0x8000, $0x38  }
0x16: {  	_ =	swait.ge [sflag:s20], $0x8000  }
0x17: {  	[sflag:s20] =	ssyncset.done $0x0  }
0x18: {  	[sflag:s20] =	ssyncadd.s32 $0xFFFF8000  }
0x19: {  	s21 =	sand.u32 $0x60, s6;
	s22 =	sand.u32 $0x7C00, s6;
	v15 =	vld [tilespmem:s9+$0x0]  }
0x1a: {  	s23 =	sor.u32 s21, s22;
	s24 =	sor.u32 $0x10, s21;
	v16 =	vld [tilespmem:s11+$0x0]  }
0x1b: {  	s7 =	sor.u32 s24, s22;
	v10 =	vld [tilespmem:s23+$0x180]  }
0x1c: {  	v11 =	vld [tilespmem:s7+$0x80];
	v4 =	vbroadcast v1, $0x0;
	v2 =	vbroadcast v1, $0x1  }
0x1d: {  	v12 =	vld [tilespmem:s23+$0x100];
	v0 =	vbroadcast v1, $0x2;
	v5 =	vbroadcast v1, $0x3  }
0x1e: {  	s25 =	sand.u32 $0x3, s6;
	v13 =	vld [tilespmem:s23+$0x80];
	v6 =	vbroadcast v1, $0x5;
	v7 =	vbroadcast v1, $0x6  }
0x1f: {  	s8 =	sshll.u32 s25, $0x5;
	v17 =	vld [tilespmem:s7+$0x280];
	v9 =	vbroadcast v1, $0x4;
	v3 =	vbroadcast v1, $0x7  }
0x20: {  	s8 =	sadd.s32 $0x0, s8;
	v18 =	vld [tilespmem:s23+$0x200];
	v19 =	vmul.f32 v15, v6;
	v20 =	vmul.f32 v15, v7  }
0x21: {  	s26 =	sadd.s32 $0x10, s8;
	v21 =	vld [tilespmem:s7+$0x100];
	v14 =	vmul.f32 v15, v2;
	v23 =	vmul.f32 v15, v4  }
0x22: {  	s28 =	sor.u32 $0x380, s26;
	v25 =	vld [tilespmem:s23+$0x0];
	v24 =	vmul.f32 v15, v0;
	v26 =	vcvt.s32.f32 v10  }
0x23: {  	v29 =	vld [tilespmem:s28+$0x0];
	v28 =	vcvt.s32.f32 v12;
	v27 =	vcvt.s32.f32 v13  }
0x24: {  	v22 =	vld [tilespmem:s23+$0x280];
	v31 =	vmul.f32 v15, v9;
	v32 =	vmul.f32 v15, v5  }
0x25: {  	s29 =	sor.u32 $0x380, s8;
	v12 =	vcvt.s32.f32 v18;
	v11 =	vcvt.s32.f32 v11  }
0x26: {  	s6 =	sand.u32 $0xF80, s6;
	v33 =	vld [tilespmem:s29+$0x0];
	v10 =	vcvt.s32.f32 v21;
	v15 =	vmul.f32 v15, v3  }
0x27: {  	s6 =	sor.u32 s6, s24;
	v34 =	vld [tilespmem:s7+$0x0];
	v38 =	vcvt.s32.f32 v17;
	v35 =	vcvt.s32.f32 v25;
	v30 =	vsub.f32 v14, v16  }
0x28: {  	v21 =	vcvt.s32.f32 v29;
	v14 =	vld [tilespmem:s6+$0x10000];
	v19 =	vsub.f32 v19, v16;
	v18 =	vsub.f32 v20, v16  }
0x29: {  	s31 =	sor.u32 $0x300, s8;
	v20 =	vcvt.s32.f32 v22;
	v24 =	vsub.f32 v24, v16;
	v22 =	vld [tilespmem:s6+$0x11000];
	v23 =	vsub.f32 v23, v16  }
0x2a: {  	v25 =	vsub.f32 v31, v16;
	v31 =	vld [tilespmem:s31+$0x0];
	v15 =	vsub.f32 v15, v16;
	v37 =	vmul.f32 v27, v30  }
0x2b: {  	s30 =	sor.u32 $0x300, s26;
	v16 =	vsub.f32 v32, v16;
	v30 =	vld [tilespmem:s7+$0x200];
	v17 =	vmul.f32 v28, v24;
	v28 =	vcvt.s32.f32 v33  }
0x2c: {  	v13 =	vimm.f32 $0.0e+00;
	v27 =	vmul.f32 v20, v19;
	v19 =	vld [tilespmem:s30+$0x0];
	v35 =	vmul.f32 v35, v23  }
0x2d: {  	v24 =	vld [tilespmem:s7+$0x180];
	v36 =	vmul.f32 v26, v16;
	v26 =	vimm.f32 $0.0e+00;
	v15 =	vmul.f32 v28, v15  }
0x2e: {  	v23 =	vimm.f32 $0.0e+00;
	v28 =	vcvt.s32.f32 v34;
	v20 =	vmul.f32 v14, v9  }
0x2f: {  	v16 =	vimm.f32 $0.0e+00;
	v29 =	vmul.f32 v14, v4;
	v62 =	vmul.f32 v14, v7  }
0x30: {  	v17 =	vmax.f32 v13, v17;
	v33 =	vcvt.s32.f32 v31;
	v39 =	vcvt.s32.f32 v30  }
0x31: {  	v30 =	vmul.f32 v14, v6;
	v63 =	vsub.f32 v29, v22;
	v29 =	vcvt.s32.f32 v19  }
0x32: {  	v32 =	vcvt.s32.f32 v24;
	v19 =	vmax.f32 v13, v15;
	v15 =	vmul.f32 v14, v5  }
0x33: {  	s3 =	sadd.s32 $0x600, s3;
	v24 =	vsub.f32 v20, v22;
	v20 =	vmax.f32 v13, v37;
	v40 =	vsub.f32 v30, v22  }
0x34: {  	s8 =	simm.s32 $0x11020;
	s10 =	simm.s32 $0x20;
	s9 =	simm.s32 $0x100;
	v30 =	vsub.f32 v62, v22;
	v31 =	vmul.f32 v28, v63;
	v34 =	vsub.f32 v15, v22  }
0x35: {  	s11 =	simm.s32 $0x10020;
	s6 =	simm.s32 $0x0;
	s7 =	simm.s32 $0x1;
	v24 =	vmul.f32 v39, v24;
	v15 =	vimm.f32 $0.0e+00;
	v28 =	vmul.f32 v38, v40  }
.LBB2_1:
0x36: {  	s12 =	sand.u32 $0x60, s10;
	v37 =	vld [tilespmem:s11+$0x0];
	s14 =	sand.u32 $0x7C00, s9;
	s6 =	sadd.s32 $0x2, s6;
	v13 =	vmax.f32 v13, v36;
	v26 =	vmax.f32 v26, v27;
	v27 =	vmul.f32 v14, v2  }
0x37: {  	s13 =	sand.u32 $0xF80, s10;
	v23 =	vmax.f32 v23, v35;
	v18 =	vmul.f32 v33, v18;
	v32 =	vmul.f32 v32, v34;
	v36 =	vld [tilespmem:s8+$0x0];
	s15 =	sor.u32 s12, s14;
	s12 =	sor.u32 $0x10, s12  }
0x38: {  	v29 =	vmul.f32 v29, v30;
	v30 =	vmul.f32 v14, v3;
	p0 =	slt.u32 s6, $0xFE;
	v23 =	vmax.f32 v23, v31;
	v33 =	vld [tilespmem:s15+$0x180];
	s13 =	sor.u32 s13, s12;
	s12 =	sor.u32 s12, s14  }
0x39: {  	v12 =	vmul.f32 v12, v25;
	v14 =	vmul.f32 v14, v0;
	s14 =	sand.u32 $0x3, s7;
	v15 =	vmax.f32 v15, v18;
	v31 =	vld [tilespmem:s12+$0x80]  }
0x3a: {  	v18 =	vsub.f32 v27, v22;
	v27 =	vsub.f32 v30, v22;
	s14 =	sshll.u32 s14, $0x5;
	v15 =	vmax.f32 v15, v29;
	v25 =	vld [tilespmem:s15+$0x100]  }
0x3b: {  	v14 =	vsub.f32 v14, v22;
	v13 =	vmax.f32 v13, v32;
	s16 =	sadd.s32 s14, s9;
	v29 =	vld [tilespmem:s15+$0x80];
	v30 =	vmul.f32 v37, v6  }
0x3c: {  	v26 =	vmax.f32 v26, v28;
	v21 =	vmul.f32 v21, v27;
	s14 =	sor.u32 $0x300, s16;
	v22 =	vmul.f32 v37, v7;
	s17 =	sor.u32 $0x380, s16;
	s16 =	sadd.s32 $0x10, s16;
	v32 =	vld [tilespmem:s12+$0x280]  }
0x3d: {  	v34 =	vmul.f32 v11, v18;
	v27 =	vmul.f32 v37, v2;
	s18 =	sor.u32 $0x300, s16;
	s16 =	sor.u32 $0x380, s16;
	v28 =	vld [tilespmem:s15+$0x200];
	v30 =	vsub.f32 v30, v36  }
0x3e: {  	v35 =	vmul.f32 v10, v14;
	v11 =	vmul.f32 v37, v4;
	v18 =	vsub.f32 v22, v36;
	v22 =	vld [tilespmem:s12+$0x100]  }
0x3f: {  	v38 =	vmul.f32 v37, v0;
	v27 =	vsub.f32 v27, v36;
	v39 =	vcvt.s32.f32 v33;
	v33 =	vld [tilespmem:s15+$0x280]  }
0x40: {  	v10 =	vmax.f32 v16, v12;
	v41 =	vsub.f32 v11, v36;
	v42 =	vcvt.s32.f32 v25;
	v40 =	vld [tilespmem:s15+$0x0]  }
0x41: {  	v19 =	vmax.f32 v19, v21;
	v25 =	vcvt.s32.f32 v29;
	v29 =	vmul.f32 v37, v9;
	v43 =	vld [tilespmem:s16+$0x0]  }
0x42: {  	v16 =	vmax.f32 v10, v24;
	v21 =	vmul.f32 v37, v5;
	v12 =	vcvt.s32.f32 v28;
	v14 =	vld [tilespmem:s13+$0x10000]  }
0x43: {  	v20 =	vmax.f32 v20, v34;
	v11 =	vcvt.s32.f32 v31;
	v24 =	vld [tilespmem:s17+$0x0];
	v10 =	vcvt.s32.f32 v22  }
0x44: {  	v17 =	vmax.f32 v17, v35;
	v28 =	vmul.f32 v25, v27;
	v22 =	vcvt.s32.f32 v33;
	v31 =	vld [tilespmem:s12+$0x200]  }
0x45: {  	v34 =	vmul.f32 v37, v3;
	v37 =	vcvt.s32.f32 v32;
	v33 =	vsub.f32 v38, v36;
	v35 =	vld [tilespmem:s12+$0x0]  }
0x46: {  	v25 =	vsub.f32 v29, v36;
	v38 =	vcvt.s32.f32 v40;
	v27 =	vmul.f32 v22, v30;
	v22 =	vld [tilespmem:s13+$0x11000]  }
0x47: {  	v40 =	vsub.f32 v21, v36;
	v21 =	vcvt.s32.f32 v43;
	v44 =	vmul.f32 v14, v9;
	v29 =	vld [tilespmem:s18+$0x0]  }
0x48: {  	v30 =	vmul.f32 v42, v33;
	v24 =	vcvt.s32.f32 v24;
	v32 =	vld [tilespmem:s12+$0x180]  }
0x49: {  	v34 =	vsub.f32 v34, v36;
	v36 =	vmul.f32 v14, v4;
	v33 =	vld [tilespmem:s14+$0x0];
	v42 =	vcvt.s32.f32 v31  }
0x4a: {  	v17 =	vmax.f32 v17, v30;
	v30 =	vmul.f32 v14, v6;
	v31 =	vmul.f32 v14, v7  }
0x4b: {  	v24 =	vmul.f32 v24, v34;
	v34 =	vcvt.s32.f32 v35;
	v35 =	vsub.f32 v36, v22  }
.Ltmp0:
0x4c: {  	v43 =	vsub.f32 v30, v22;
	v30 =	vsub.f32 v31, v22;
	v29 =	vcvt.s32.f32 v29;
	(pc) =	sbr.rel @p0 .LBB2_1-.Ltmp0, $4  }
0x4d: {  	v19 =	vmax.f32 v19, v24;
	v24 =	vmul.f32 v14, v5;
	v32 =	vcvt.s32.f32 v32  }
0x4e: {  	v44 =	vsub.f32 v44, v22;
	v31 =	vmul.f32 v34, v35;
	v33 =	vcvt.s32.f32 v33  }
0x4f: {  	s8 =	sadd.s32 $0x20, s8;
	s7 =	sadd.s32 $0x1, s7;
	v36 =	vmul.f32 v39, v40;
	v35 =	vmul.f32 v38, v41;
	v34 =	vsub.f32 v24, v22  }
0x50: {  	s10 =	sadd.s32 $0x20, s10;
	s11 =	sadd.s32 $0x20, s11;
	s9 =	sadd.s32 $0x100, s9;
	v20 =	vmax.f32 v20, v28;
	v28 =	vmul.f32 v37, v43;
	v24 =	vmul.f32 v42, v44  }
0x51: {  	s4 =	sadd.s32 s5, s4  }
0x52: {  	s6 =	simm.s32 $0x0;
	s10 =	simm.s32 $0x2;
	s5 =	sadd.s32 $0x2000, s4  }
0x53: {  	[tilespmem:s6], [sflag:$0x1] =	stream.linear.gather [hbm4b:s5+s6], $0x8000, $0x38;
	[tilespmem:$0x12100] =	vst v63  }
0x54: {  	_ =	swait.ge [sflag:s10], $0x8000  }
0x55: {  	s11 =	simm.s32 $0x10000;
	v2 =	vmul.f32 v14, v2;
	[sflag:s10] =	ssyncset.done $0x0  }
0x56: {  	v4 =	vmax.f32 v13, v36;
	v3 =	vmul.f32 v14, v3;
	v7 =	vmul.f32 v33, v18;
	s7 =	sand.u32 $0x60, s6;
	s8 =	sand.u32 $0x7C00, s6;
	[sflag:s10] =	ssyncadd.s32 $0xFFFF8000  }
0x57: {  	s9 =	simm.s32 $0x11000;
	v6 =	vmax.f32 v26, v27;
	v0 =	vmul.f32 v14, v0;
	v13 =	vmul.f32 v32, v34;
	s12 =	sor.u32 $0x8000, s8;
	s13 =	sor.u32 $0x10, s7;
	v49 =	vld [tilespmem:s11+$0x0]  }
0x58: {  	v5 =	vmax.f32 v23, v35;
	v14 =	vmul.f32 v29, v30;
	v25 =	vmul.f32 v12, v25;
	s14 =	sor.u32 s13, s12;
	v26 =	vld [tilespmem:s9+$0x0]  }
0x59: {  	v9 =	vbroadcast v1, $0x8;
	v12 =	vbroadcast v1, $0xD;
	v2 =	vsub.f32 v2, v22;
	v18 =	vld [tilespmem:s14+$0x200]  }
0x5a: {  	v5 =	vmax.f32 v5, v31;
	v3 =	vsub.f32 v3, v22;
	v0 =	vsub.f32 v0, v22;
	v23 =	vld [tilespmem:s14+$0x100]  }
0x5b: {  	v50 =	vmax.f32 v15, v7;
	v53 =	vmax.f32 v4, v13;
	v13 =	vbroadcast v1, $0xB;
	s5 =	sor.u32 s7, s12;
	v22 =	vld [tilespmem:s14+$0x280]  }
0x5c: {  	v15 =	vbroadcast v1, $0xC;
	v56 =	vmax.f32 v16, v25;
	v16 =	vbroadcast v1, $0xF;
	v29 =	vld [tilespmem:s5+$0x80]  }
0x5d: {  	v51 =	vmax.f32 v50, v14;
	v14 =	vbroadcast v1, $0xA;
	v21 =	vmul.f32 v21, v3;
	v31 =	vld [tilespmem:s5+$0x0]  }
0x5e: {  	v30 =	vmul.f32 v10, v0;
	v10 =	vbroadcast v1, $0xE;
	v52 =	vld [tilespmem:s5+$0x100]  }
0x5f: {  	v55 =	vmax.f32 v6, v28;
	v27 =	vmul.f32 v11, v2;
	v11 =	vbroadcast v1, $0x9;
	v54 =	vld [tilespmem:s14+$0x180]  }
0x60: {  	v28 =	vld [tilespmem:s14+$0x0];
	v58 =	vmax.f32 v19, v21;
	v57 =	vmul.f32 v49, v10;
	v19 =	vmul.f32 v49, v13  }
0x61: {  	s15 =	sand.u32 $0x3, s6;
	v59 =	vmax.f32 v56, v24;
	v37 =	vld [tilespmem:s14+$0x80];
	v21 =	vmul.f32 v49, v15;
	v24 =	vmul.f32 v49, v9  }
0x62: {  	s7 =	sshll.u32 s15, $0x5;
	v38 =	vld [tilespmem:s5+$0x180];
	v60 =	vmax.f32 v20, v27;
	v39 =	vmul.f32 v49, v16;
	v35 =	vcvt.s32.f32 v23  }
0x63: {  	s19 =	simm.s32 $0x10020;
	s7 =	sadd.s32 $0x0, s7;
	v40 =	vld [tilespmem:s5+$0x200];
	v61 =	vmax.f32 v17, v30;
	v20 =	vmul.f32 v49, v14;
	v17 =	vcvt.s32.f32 v31  }
0x64: {  	s16 =	sadd.s32 $0x10, s7;
	s10 =	sor.u32 $0x300, s7;
	v33 =	vld [tilespmem:s19+$0x0];
	v27 =	vcvt.s32.f32 v29;
	v25 =	vcvt.s32.f32 v22  }
0x65: {  	s6 =	sand.u32 $0xF80, s6;
	v30 =	vld [tilespmem:s10+$0x8000];
	s8 =	sor.u32 $0x380, s16;
	v22 =	vcvt.s32.f32 v52;
	v41 =	vcvt.s32.f32 v28  }
0x66: {  	s6 =	sor.u32 s6, s13;
	v0 =	vld [tilespmem:s8+$0x8000];
	v42 =	vcvt.s32.f32 v54;
	v62 =	vmul.f32 v49, v11  }
0x67: {  	s17 =	sor.u32 $0x300, s16;
	v23 =	vld [tilespmem:s6+$0x10000];
	v63 =	vmul.f32 v49, v12;
	v38 =	vcvt.s32.f32 v38  }
0x68: {  	v29 =	vld [tilespmem:s17+$0x8000];
	v40 =	vcvt.s32.f32 v40;
	v37 =	vcvt.s32.f32 v37  }
0x69: {  	v28 =	vld [tilespmem:s5+$0x280];
	v18 =	vcvt.s32.f32 v18;
	v4 =	vmul.f32 v33, v10;
	v20 =	vsub.f32 v20, v26  }
0x6a: {  	[tilespmem:$0x1FFA0] =	vst v53;
	v53 =	vmul.f32 v33, v9;
	v21 =	vsub.f32 v21, v26;
	v24 =	vsub.f32 v24, v26  }
0x6b: {  	s18 =	sor.u32 $0x380, s7;
	v31 =	vimm.f32 $0.0e+00;
	v20 =	vmul.f32 v22, v20;
	v22 =	vcvt.s32.f32 v0  }
0x6c: {  	s20 =	simm.s32 $0x100;
	v44 =	vld [tilespmem:s18+$0x8000];
	v19 =	vsub.f32 v19, v26;
	v24 =	vmul.f32 v17, v24;
	v21 =	vmul.f32 v40, v21  }
0x6d: {  	s21 =	simm.s32 $0x20;
	v43 =	vld [tilespmem:s6+$0x11000];
	s6 =	sand.u32 $0x7C00, s20;
	v39 =	vsub.f32 v39, v26;
	v46 =	vcvt.s32.f32 v29;
	v29 =	vcvt.s32.f32 v30  }
0x6e: {  	s22 =	sand.u32 $0x60, s21;
	s6 =	sor.u32 $0x8000, s6;
	v34 =	vsub.f32 v57, v26;
	v1 =	vmul.f32 v23, v16;
	v28 =	vcvt.s32.f32 v28  }
0x6f: {  	[tilespmem:$0x1FF80] =	vst v5;
	s5 =	sor.u32 s22, s6;
	v30 =	vsub.f32 v63, v26;
	v17 =	vmul.f32 v23, v15;
	v2 =	vmul.f32 v23, v14  }
0x70: {  	[tilespmem:$0x1FFB0] =	vst v55;
	v55 =	vld [tilespmem:s5+$0x100];
	v26 =	vsub.f32 v62, v26;
	v5 =	vmul.f32 v23, v11;
	v54 =	vmul.f32 v23, v10  }
0x71: {  	v47 =	vmax.f32 v31, v20;
	v20 =	vcvt.s32.f32 v44;
	v56 =	vmax.f32 v31, v21  }
0x72: {  	v24 =	vmax.f32 v31, v24;
	v29 =	vmul.f32 v29, v34;
	v28 =	vmul.f32 v28, v30  }
0x73: {  	s24 =	sor.u32 $0x10, s22;
	v0 =	vld [tilespmem:s5+$0x80];
	v30 =	vsub.f32 v1, v43;
	v26 =	vmul.f32 v27, v26;
	v27 =	vmul.f32 v23, v13  }
0x74: {  	s25 =	sor.u32 s24, s6;
	v3 =	vsub.f32 v17, v43;
	v57 =	vsub.f32 v2, v43;
	v20 =	vmul.f32 v20, v39  }
0x75: {  	s23 =	simm.s32 $0x11020;
	v45 =	vld [tilespmem:s25+$0x200];
	v55 =	vcvt.s32.f32 v55;
	v49 =	vmax.f32 v31, v29;
	v29 =	vmul.f32 v38, v19  }
0x76: {  	[tilespmem:$0x1FF90] =	vst v51;
	v44 =	vld [tilespmem:s23+$0x0];
	v19 =	vmax.f32 v31, v28;
	v26 =	vmax.f32 v31, v26;
	v28 =	vmul.f32 v33, v13  }
0x77: {  	[tilespmem:$0x1FFD0] =	vst v59;
	v21 =	vld [tilespmem:s25+$0x0];
	v50 =	vsub.f32 v27, v43;
	v51 =	vmul.f32 v22, v30;
	v27 =	vmul.f32 v33, v15  }
0x78: {  	[tilespmem:$0x1FFC0] =	vst v58;
	v58 =	vld [tilespmem:s25+$0x180];
	v59 =	vmul.f32 v18, v3;
	v32 =	vcvt.s32.f32 v0;
	v3 =	vsub.f32 v5, v43  }
0x79: {  	s26 =	simm.s32 $0x1;
	[tilespmem:$0x1FFE0] =	vst v60;
	v60 =	vld [tilespmem:s25+$0x80];
	v5 =	vsub.f32 v54, v43;
	v35 =	vmul.f32 v35, v57;
	v52 =	vmax.f32 v31, v20  }
0x7a: {  	s6 =	sand.u32 $0x3, s26;
	v17 =	vld [tilespmem:s25+$0x100];
	v20 =	vmul.f32 v23, v12;
	v23 =	vmul.f32 v23, v9;
	v48 =	vmax.f32 v31, v29  }
0x7b: {  	s6 =	sshll.u32 s6, $0x5;
	v22 =	vld [tilespmem:s5+$0x0];
	v28 =	vsub.f32 v28, v44;
	v29 =	vmul.f32 v33, v16;
	v30 =	vsub.f32 v27, v44  }
0x7c: {  	[tilespmem:$0x1FFF0] =	vst v61;
	s6 =	sadd.s32 $0x100, s6;
	v1 =	vld [tilespmem:s25+$0x280];
	v27 =	vmul.f32 v33, v14;
	v61 =	vsub.f32 v4, v44;
	v21 =	vcvt.s32.f32 v21  }
0x7d: {  	s28 =	sadd.s32 $0x10, s6;
	v2 =	vld [tilespmem:s5+$0x180];
	v38 =	vsub.f32 v53, v44;
	v31 =	vmul.f32 v37, v3;
	v53 =	vmul.f32 v33, v11  }
0x7e: {  	s8 =	sor.u32 $0x380, s28;
	v0 =	vld [tilespmem:s5+$0x280];
	v33 =	vmul.f32 v33, v12;
	v42 =	vmul.f32 v42, v50;
	v37 =	vmax.f32 v52, v51  }
0x7f: {  	s7 =	sand.u32 $0xF80, s21;
	s30 =	sor.u32 $0x300, s6;
	v4 =	vld [tilespmem:s8+$0x8000];
	v50 =	vmul.f32 v46, v5;
	v35 =	vmax.f32 v47, v35;
	v62 =	vsub.f32 v20, v43  }
0x80: {  	s7 =	sor.u32 s7, s24;
	v20 =	vcvt.s32.f32 v58;
	v58 =	vld [tilespmem:s30+$0x8000];
	v34 =	vcvt.s32.f32 v22;
	v22 =	vsub.f32 v23, v43  }
0x81: {  	v17 =	vcvt.s32.f32 v17;
	v18 =	vcvt.s32.f32 v1;
	v63 =	vsub.f32 v27, v44;
	v27 =	vld [tilespmem:s7+$0x10000]  }
0x82: {  	s29 =	sor.u32 $0x300, s28;
	v39 =	vcvt.s32.f32 v2;
	v29 =	vsub.f32 v29, v44;
	v23 =	vld [tilespmem:s5+$0x200];
	v22 =	vmul.f32 v41, v22  }
0x83: {  	v36 =	vmax.f32 v26, v31;
	v31 =	vmax.f32 v56, v59;
	v56 =	vsub.f32 v33, v44;
	v41 =	vld [tilespmem:s29+$0x8000]  }
0x84: {  	v26 =	vcvt.s32.f32 v60;
	v33 =	vcvt.s32.f32 v45;
	v22 =	vmax.f32 v24, v22;
	v24 =	vld [tilespmem:s7+$0x11000]  }
0x85: {  	s31 =	sor.u32 $0x380, s6;
	v45 =	vsub.f32 v53, v44;
	v0 =	vcvt.s32.f32 v0;
	v63 =	vmul.f32 v55, v63  }
0x86: {  	v44 =	vld [tilespmem:s31+$0x8000];
	v43 =	vmax.f32 v48, v42;
	v47 =	vmul.f32 v25, v62;
	v58 =	vcvt.s32.f32 v58  }
0x87: {  	v46 =	vmul.f32 v0, v56;
	v25 =	vmax.f32 v35, v63;
	v60 =	vmul.f32 v27, v16  }
0x88: {  	s9 =	simm.s32 $0x40;
	s10 =	simm.s32 $0x10040;
	s6 =	simm.s32 $0x2;
	v35 =	vmax.f32 v49, v50;
	v40 =	vcvt.s32.f32 v23;
	v48 =	vmul.f32 v58, v61  }
0x89: {  	s8 =	simm.s32 $0x200;
	s5 =	simm.s32 $0x2;
	s7 =	simm.s32 $0x11040;
	v23 =	vcvt.s32.f32 v41;
	v41 =	vcvt.s32.f32 v4;
	v42 =	vsub.f32 v60, v24  }
.LBB2_3:
0x8a: {  	s11 =	sand.u32 $0x60, s9;
	v0 =	vld [tilespmem:s10+$0x0];
	s12 =	sand.u32 $0x7C00, s8;
	s5 =	sadd.s32 $0x2, s5;
	v49 =	vmul.f32 v34, v38;
	v35 =	vmax.f32 v35, v48;
	v34 =	vmul.f32 v27, v15  }
0x8b: {  	s15 =	sand.u32 $0xF80, s9;
	v38 =	vcvt.s32.f32 v44;
	v44 =	vmul.f32 v27, v14;
	v19 =	vmax.f32 v19, v47;
	s13 =	sor.u32 $0x8000, s12;
	s14 =	sor.u32 $0x10, s11  }
0x8c: {  	v28 =	vmul.f32 v39, v28;
	v30 =	vmul.f32 v40, v30;
	v47 =	vld [tilespmem:s7+$0x0];
	s12 =	sor.u32 s11, s13;
	s11 =	sor.u32 s15, s14;
	s13 =	sor.u32 s14, s13  }
0x8d: {  	v32 =	vmul.f32 v32, v45;
	v39 =	vmul.f32 v27, v13;
	p0 =	slt.u32 s5, $0xFE;
	v19 =	vmax.f32 v19, v46;
	s14 =	sand.u32 $0x3, s6;
	v48 =	vld [tilespmem:s13+$0x200]  }
0x8e: {  	v43 =	vmax.f32 v43, v28;
	v28 =	vmul.f32 v38, v29;
	v34 =	vsub.f32 v34, v24;
	s14 =	sshll.u32 s14, $0x5;
	v40 =	vld [tilespmem:s13+$0x100]  }
0x8f: {  	v46 =	vmul.f32 v27, v11;
	v36 =	vmax.f32 v36, v32;
	s14 =	sadd.s32 s14, s8;
	v38 =	vmul.f32 v0, v10;
	v45 =	vld [tilespmem:s13+$0x280]  }
0x90: {  	v41 =	vmul.f32 v41, v42;
	v50 =	vsub.f32 v39, v24;
	v29 =	vmul.f32 v0, v13;
	s15 =	sor.u32 $0x300, s14;
	s16 =	sor.u32 $0x380, s14;
	s14 =	sadd.s32 $0x10, s14;
	v32 =	vld [tilespmem:s12+$0x80]  }
0x91: {  	v51 =	vmul.f32 v27, v12;
	v37 =	vmax.f32 v37, v28;
	v42 =	vmul.f32 v0, v15;
	s17 =	sor.u32 $0x300, s14;
	s14 =	sor.u32 $0x380, s14;
	v39 =	vld [tilespmem:s12+$0x0]  }
0x92: {  	v54 =	vmul.f32 v27, v10;
	v52 =	vmul.f32 v0, v9;
	v28 =	vsub.f32 v29, v47;
	v53 =	vld [tilespmem:s12+$0x100]  }
0x93: {  	v31 =	vmax.f32 v31, v30;
	v56 =	vsub.f32 v44, v24;
	v29 =	vmul.f32 v0, v16;
	v55 =	vld [tilespmem:s13+$0x180]  }
0x94: {  	v27 =	vmul.f32 v27, v9;
	v30 =	vsub.f32 v42, v47;
	v57 =	vcvt.s32.f32 v40;
	v42 =	vld [tilespmem:s13+$0x0]  }
0x95: {  	v33 =	vmul.f32 v33, v34;
	v40 =	vmul.f32 v0, v14;
	v29 =	vsub.f32 v29, v47;
	v58 =	vld [tilespmem:s13+$0x80]  }
0x96: {  	v59 =	vsub.f32 v38, v47;
	v32 =	vcvt.s32.f32 v32;
	v34 =	vcvt.s32.f32 v39;
	v39 =	vld [tilespmem:s12+$0x180]  }
0x97: {  	v51 =	vsub.f32 v51, v24;
	v61 =	vcvt.s32.f32 v45;
	v45 =	vsub.f32 v27, v24;
	v60 =	vld [tilespmem:s12+$0x200]  }
0x98: {  	v62 =	vsub.f32 v40, v47;
	v40 =	vsub.f32 v46, v24;
	v53 =	vcvt.s32.f32 v53;
	v44 =	vld [tilespmem:s16+$0x8000]  }
0x99: {  	v38 =	vsub.f32 v52, v47;
	v45 =	vmul.f32 v21, v45;
	v27 =	vld [tilespmem:s11+$0x10000];
	v21 =	vcvt.s32.f32 v42  }
0x9a: {  	v22 =	vmax.f32 v22, v49;
	v26 =	vmul.f32 v26, v40;
	v42 =	vcvt.s32.f32 v55;
	v46 =	vld [tilespmem:s17+$0x8000]  }
0x9b: {  	v49 =	vmul.f32 v0, v11;
	v0 =	vmul.f32 v0, v12;
	v22 =	vmax.f32 v22, v45;
	v52 =	vld [tilespmem:s15+$0x8000]  }
0x9c: {  	v31 =	vmax.f32 v31, v33;
	v36 =	vmax.f32 v36, v26;
	v39 =	vcvt.s32.f32 v39;
	v55 =	vld [tilespmem:s12+$0x280]  }
0x9d: {  	v0 =	vsub.f32 v0, v47;
	v26 =	vcvt.s32.f32 v58;
	v40 =	vcvt.s32.f32 v60;
	v58 =	vld [tilespmem:s14+$0x8000]  }
0x9e: {  	v33 =	vcvt.s32.f32 v48;
	v48 =	vsub.f32 v54, v24;
	v45 =	vmul.f32 v20, v50;
	v20 =	vmovc v42;
	v24 =	vld [tilespmem:s11+$0x11000]  }
0x9f: {  	v37 =	vmax.f32 v37, v41;
	v42 =	vcvt.s32.f32 v46;
	v46 =	vmul.f32 v17, v56;
	v17 =	vmovc v57  }
.Ltmp1:
0xa0: {  	v43 =	vmax.f32 v43, v45;
	v50 =	vcvt.s32.f32 v52;
	v52 =	vmul.f32 v27, v16;
	(pc) =	sbr.rel @p0 .LBB2_3-.Ltmp1, $4  }
0xa1: {  	v54 =	vmul.f32 v23, v48;
	v45 =	vsub.f32 v49, v47;
	v49 =	vcvt.s32.f32 v55;
	v23 =	vmovc v42  }
0xa2: {  	v53 =	vmul.f32 v53, v62;
	v25 =	vmax.f32 v25, v46;
	v41 =	vcvt.s32.f32 v58  }
0xa3: {  	s6 =	sadd.s32 $0x1, s6;
	s7 =	sadd.s32 $0x20, s7;
	v47 =	vmul.f32 v18, v51;
	v18 =	vmovc v61;
	v48 =	vmul.f32 v50, v59;
	v42 =	vsub.f32 v52, v24  }
0xa4: {  	s9 =	sadd.s32 $0x20, s9;
	s10 =	sadd.s32 $0x20, s10;
	s8 =	sadd.s32 $0x100, s8;
	v35 =	vmax.f32 v35, v54;
	v25 =	vmax.f32 v25, v53;
	v46 =	vmul.f32 v49, v0  }
0xa5: {  	v0 =	vmul.f32 v34, v38;
	v15 =	vmul.f32 v27, v15  }
0xa6: {  	v16 =	vcvt.s32.f32 v44;
	v14 =	vmul.f32 v27, v14  }
0xa7: {  	v28 =	vmul.f32 v39, v28;
	v30 =	vmul.f32 v40, v30  }
0xa8: {  	v32 =	vmul.f32 v32, v45;
	s5 =	sadd.s32 $0x3000, s4;
	v13 =	vmul.f32 v27, v13  }
0xa9: {  	v62 =	vmax.f32 v35, v48;
	s22 =	simm.s32 $0x0;
	s6 =	simm.s32 $0x8000;
	s23 =	simm.s32 $0x1;
	v11 =	vmul.f32 v27, v11;
	v9 =	vmul.f32 v27, v9  }
0xaa: {  	v19 =	vmax.f32 v19, v47;
	v12 =	vmul.f32 v27, v12;
	v10 =	vmul.f32 v27, v10;
	[tilespmem:s6], [sflag:$0x2] =	stream.linear.gather [hbm4b:s5+s22], $0x8000, $0x38;
	[tilespmem:$0x12100] =	vst v63  }
0xab: {  	v48 =	vmax.f32 v19, v46;
	v16 =	vmul.f32 v16, v29;
	v15 =	vsub.f32 v15, v24;
	_ =	swait.ge [sflag:s23], $0x8000  }
0xac: {  	v19 =	vmax.f32 v36, v32;
	v13 =	vsub.f32 v13, v24;
	v9 =	vsub.f32 v9, v24;
	[sflag:s23] =	ssyncset.done $0x0  }
0xad: {  	s24 =	simm.s32 $0x10000;
	v29 =	vmul.f32 v41, v42;
	v11 =	vsub.f32 v11, v24;
	v14 =	vsub.f32 v14, v24;
	[sflag:s23] =	ssyncadd.s32 $0xFFFF8000  }
0xae: {  	s25 =	simm.s32 $0x11000;
	s7 =	sand.u32 $0x60, s22;
	s26 =	sand.u32 $0x7C00, s22;
	v12 =	vsub.f32 v12, v24;
	v0 =	vmax.f32 v22, v0;
	v22 =	vbroadcast v8, $0x5;
	v32 =	vld [tilespmem:s24+$0x0]  }
0xaf: {  	v10 =	vsub.f32 v10, v24;
	s28 =	sor.u32 s7, s26;
	s7 =	sor.u32 $0x10, s7;
	v27 =	vmul.f32 v33, v15;
	v9 =	vmul.f32 v21, v9;
	v38 =	vld [tilespmem:s25+$0x0]  }
0xb0: {  	v24 =	vmax.f32 v31, v30;
	s5 =	sor.u32 s7, s26;
	v11 =	vmul.f32 v26, v11;
	v13 =	vmul.f32 v20, v13;
	v30 =	vld [tilespmem:s28+$0x180]  }
0xb1: {  	v26 =	vmul.f32 v17, v14;
	v10 =	vmul.f32 v23, v10;
	v49 =	vld [tilespmem:s5+$0x80]  }
0xb2: {  	v28 =	vmax.f32 v43, v28;
	v31 =	vmul.f32 v18, v12;
	v20 =	vbroadcast v8, $0x0;
	v50 =	vld [tilespmem:s28+$0x100]  }
0xb3: {  	v16 =	vmax.f32 v37, v16;
	v18 =	vbroadcast v8, $0x1;
	v17 =	vbroadcast v8, $0x2;
	v51 =	vld [tilespmem:s28+$0x80]  }
0xb4: {  	s8 =	sand.u32 $0x3, s22;
	v21 =	vbroadcast v8, $0x3;
	v23 =	vbroadcast v8, $0x6;
	v53 =	vld [tilespmem:s5+$0x280];
	v63 =	vmax.f32 v16, v29  }
0xb5: {  	s8 =	sshll.u32 s8, $0x5;
	v12 =	vld [tilespmem:s5+$0x100];
	v1 =	vmax.f32 v19, v11;
	v52 =	vmax.f32 v24, v27;
	v24 =	vbroadcast v8, $0x4  }
0xb6: {  	s8 =	sadd.s32 $0x0, s8;
	v54 =	vld [tilespmem:s28+$0x280];
	v19 =	vbroadcast v8, $0x7;
	v4 =	vmax.f32 v28, v13;
	v29 =	vmul.f32 v32, v22  }
0xb7: {  	s9 =	sadd.s32 $0x10, s8;
	v57 =	vld [tilespmem:s28+$0x0];
	v13 =	vmax.f32 v25, v26;
	v5 =	vmul.f32 v32, v23;
	v25 =	vmul.f32 v32, v18  }
0xb8: {  	s10 =	sor.u32 $0x380, s9;
	v0 =	vmax.f32 v0, v9;
	[tilespmem:$0x1FF30] =	vst v63;
	v27 =	vld [tilespmem:s28+$0x200];
	v14 =	vmul.f32 v32, v20;
	v56 =	vmul.f32 v32, v17  }
0xb9: {  	s29 =	sor.u32 $0x380, s8;
	v59 =	vld [tilespmem:s10+$0x0];
	[tilespmem:$0x1FF00] =	vst v0;
	v43 =	vcvt.s32.f32 v30;
	v0 =	vcvt.s32.f32 v50  }
0xba: {  	v58 =	vmax.f32 v48, v31;
	v63 =	vld [tilespmem:s29+$0x0];
	[tilespmem:$0x1FF20] =	vst v52;
	v31 =	vcvt.s32.f32 v51;
	v61 =	vmul.f32 v32, v24  }
0xbb: {  	s30 =	sor.u32 $0x300, s9;
	v55 =	vmax.f32 v62, v10;
	[tilespmem:$0x1FF40] =	vst v4;
	v4 =	vld [tilespmem:s5+$0x200];
	v62 =	vmul.f32 v32, v21;
	v26 =	vcvt.s32.f32 v49  }
0xbc: {  	s4 =	sand.u32 $0xF80, s22;
	[tilespmem:$0x1FF50] =	vst v13;
	v13 =	vld [tilespmem:s30+$0x0];
	v32 =	vmul.f32 v32, v19;
	v52 =	vcvt.s32.f32 v53  }
0xbd: {  	s4 =	sor.u32 s4, s7;
	v49 =	vcvt.s32.f32 v57;
	v27 =	vcvt.s32.f32 v27  }
0xbe: {  	v30 =	vld [tilespmem:s4+$0x10000];
	v36 =	vcvt.s32.f32 v59;
	v60 =	vsub.f32 v25, v38;
	v29 =	vsub.f32 v29, v38  }
0xbf: {  	v25 =	vcvt.s32.f32 v12;
	v33 =	vsub.f32 v5, v38;
	v5 =	vcvt.s32.f32 v54  }
0xc0: {  	s31 =	sor.u32 $0x300, s8;
	v34 =	vsub.f32 v56, v38;
	v56 =	vcvt.s32.f32 v63;
	v53 =	vcvt.s32.f32 v4  }
0xc1: {  	v51 =	vld [tilespmem:s31+$0x0];
	v32 =	vsub.f32 v32, v38;
	v44 =	vcvt.s32.f32 v13;
	v31 =	vmul.f32 v31, v60  }
0xc2: {  	v41 =	vsub.f32 v14, v38;
	v42 =	vmul.f32 v5, v29;
	v0 =	vmul.f32 v0, v34  }
0xc3: {  	v37 =	vld [tilespmem:s4+$0x11000];
	v40 =	vsub.f32 v61, v38;
	v32 =	vmul.f32 v56, v32;
	v50 =	vmul.f32 v30, v24  }
0xc4: {  	[tilespmem:$0x1FF70] =	vst v58;
	v12 =	vld [tilespmem:s5+$0x0];
	v38 =	vsub.f32 v62, v38;
	v57 =	vmul.f32 v30, v20;
	v58 =	vmul.f32 v30, v22  }
0xc5: {  	v14 =	vld [tilespmem:s5+$0x180];
	v59 =	vmul.f32 v30, v23;
	v62 =	vmul.f32 v30, v21  }
0xc6: {  	v28 =	vimm.f32 $0.0e+00;
	v48 =	vcvt.s32.f32 v51;
	v51 =	vmul.f32 v43, v38  }
0xc7: {  	v38 =	vimm.f32 $0.0e+00;
	v29 =	vmax.f32 v28, v0;
	v34 =	vmax.f32 v28, v32  }
0xc8: {  	v35 =	vmax.f32 v28, v31;
	v31 =	vimm.f32 $0.0e+00;
	v32 =	vimm.f32 $0.0e+00  }
0xc9: {  	v60 =	vcvt.s32.f32 v12;
	v61 =	vsub.f32 v57, v37;
	v54 =	vsub.f32 v58, v37  }
0xca: {  	v45 =	vsub.f32 v59, v37;
	v47 =	vcvt.s32.f32 v14;
	v63 =	vsub.f32 v50, v37  }
0xcb: {  	s6 =	simm.s32 $0x11020;
	s7 =	simm.s32 $0x100;
	s8 =	simm.s32 $0x20;
	[tilespmem:$0x1FF10] =	vst v1;
	v50 =	vmul.f32 v49, v41;
	v49 =	vsub.f32 v62, v37;
	v46 =	vmul.f32 v60, v61  }
0xcc: {  	s9 =	simm.s32 $0x10020;
	[tilespmem:$0x1FF60] =	vst v55;
	s4 =	simm.s32 $0x0;
	s5 =	simm.s32 $0x1;
	v41 =	vimm.f32 $0.0e+00;
	v39 =	vmul.f32 v53, v63;
	v43 =	vmul.f32 v52, v54  }
.LBB2_5:
0xcd: {  	s10 =	sand.u32 $0x60, s8;
	v0 =	vld [tilespmem:s9+$0x0];
	s12 =	sand.u32 $0x7C00, s7;
	s4 =	sadd.s32 $0x2, s4;
	v28 =	vmax.f32 v28, v51;
	v41 =	vmax.f32 v41, v42;
	v42 =	vmul.f32 v30, v18  }
0xce: {  	s11 =	sand.u32 $0xF80, s8;
	v38 =	vmax.f32 v38, v50;
	v33 =	vmul.f32 v48, v33;
	v47 =	vmul.f32 v47, v49;
	v51 =	vld [tilespmem:s6+$0x0];
	s13 =	sor.u32 s10, s12;
	s10 =	sor.u32 $0x10, s10  }
0xcf: {  	v44 =	vmul.f32 v44, v45;
	v45 =	vmul.f32 v30, v19;
	p0 =	slt.u32 s4, $0xFE;
	v38 =	vmax.f32 v38, v46;
	v48 =	vld [tilespmem:s13+$0x180];
	s11 =	sor.u32 s11, s10;
	s10 =	sor.u32 s10, s12  }
0xd0: {  	v27 =	vmul.f32 v27, v40;
	v30 =	vmul.f32 v30, v17;
	s12 =	sand.u32 $0x3, s5;
	v31 =	vmax.f32 v31, v33;
	v46 =	vld [tilespmem:s10+$0x80]  }
0xd1: {  	v33 =	vsub.f32 v42, v37;
	v42 =	vsub.f32 v45, v37;
	s12 =	sshll.u32 s12, $0x5;
	v31 =	vmax.f32 v31, v44;
	v40 =	vld [tilespmem:s13+$0x100]  }
0xd2: {  	v30 =	vsub.f32 v30, v37;
	v28 =	vmax.f32 v28, v47;
	s14 =	sadd.s32 s12, s7;
	v44 =	vld [tilespmem:s13+$0x80];
	v45 =	vmul.f32 v0, v22  }
0xd3: {  	v41 =	vmax.f32 v41, v43;
	v36 =	vmul.f32 v36, v42;
	s12 =	sor.u32 $0x300, s14;
	v37 =	vmul.f32 v0, v23;
	s15 =	sor.u32 $0x380, s14;
	s14 =	sadd.s32 $0x10, s14;
	v47 =	vld [tilespmem:s10+$0x280]  }
0xd4: {  	v49 =	vmul.f32 v26, v33;
	v42 =	vmul.f32 v0, v18;
	s16 =	sor.u32 $0x300, s14;
	s14 =	sor.u32 $0x380, s14;
	v43 =	vld [tilespmem:s13+$0x200];
	v45 =	vsub.f32 v45, v51  }
0xd5: {  	v50 =	vmul.f32 v25, v30;
	v26 =	vmul.f32 v0, v20;
	v33 =	vsub.f32 v37, v51;
	v37 =	vld [tilespmem:s10+$0x100]  }
0xd6: {  	v52 =	vmul.f32 v0, v17;
	v42 =	vsub.f32 v42, v51;
	v53 =	vcvt.s32.f32 v48;
	v48 =	vld [tilespmem:s13+$0x280]  }
0xd7: {  	v25 =	vmax.f32 v32, v27;
	v55 =	vsub.f32 v26, v51;
	v56 =	vcvt.s32.f32 v40;
	v54 =	vld [tilespmem:s13+$0x0]  }
0xd8: {  	v34 =	vmax.f32 v34, v36;
	v40 =	vcvt.s32.f32 v44;
	v44 =	vmul.f32 v0, v24;
	v57 =	vld [tilespmem:s14+$0x0]  }
0xd9: {  	v32 =	vmax.f32 v25, v39;
	v36 =	vmul.f32 v0, v21;
	v27 =	vcvt.s32.f32 v43;
	v30 =	vld [tilespmem:s11+$0x10000]  }
0xda: {  	v35 =	vmax.f32 v35, v49;
	v26 =	vcvt.s32.f32 v46;
	v39 =	vld [tilespmem:s15+$0x0];
	v25 =	vcvt.s32.f32 v37  }
0xdb: {  	v29 =	vmax.f32 v29, v50;
	v43 =	vmul.f32 v40, v42;
	v37 =	vcvt.s32.f32 v48;
	v46 =	vld [tilespmem:s10+$0x200]  }
0xdc: {  	v0 =	vmul.f32 v0, v19;
	v48 =	vsub.f32 v52, v51;
	v52 =	vcvt.s32.f32 v47;
	v49 =	vld [tilespmem:s10+$0x0]  }
0xdd: {  	v40 =	vsub.f32 v44, v51;
	v50 =	vcvt.s32.f32 v54;
	v42 =	vmul.f32 v37, v45;
	v37 =	vld [tilespmem:s11+$0x11000]  }
0xde: {  	v54 =	vsub.f32 v36, v51;
	v36 =	vcvt.s32.f32 v57;
	v58 =	vmul.f32 v30, v24;
	v44 =	vld [tilespmem:s16+$0x0]  }
0xdf: {  	v45 =	vmul.f32 v56, v48;
	v39 =	vcvt.s32.f32 v39;
	v47 =	vld [tilespmem:s10+$0x180]  }
0xe0: {  	v0 =	vsub.f32 v0, v51;
	v51 =	vmul.f32 v30, v20;
	v48 =	vld [tilespmem:s12+$0x0];
	v56 =	vcvt.s32.f32 v46  }
0xe1: {  	v29 =	vmax.f32 v29, v45;
	v45 =	vmul.f32 v30, v22;
	v46 =	vmul.f32 v30, v23  }
0xe2: {  	v0 =	vmul.f32 v39, v0;
	v39 =	vcvt.s32.f32 v49;
	v49 =	vsub.f32 v51, v37  }
.Ltmp2:
0xe3: {  	v57 =	vsub.f32 v45, v37;
	v45 =	vsub.f32 v46, v37;
	v44 =	vcvt.s32.f32 v44;
	(pc) =	sbr.rel @p0 .LBB2_5-.Ltmp2, $4  }
0xe4: {  	v34 =	vmax.f32 v34, v0;
	v0 =	vmul.f32 v30, v21;
	v47 =	vcvt.s32.f32 v47  }
0xe5: {  	v46 =	vmul.f32 v39, v49;
	v39 =	vsub.f32 v58, v37;
	v48 =	vcvt.s32.f32 v48  }
0xe6: {  	s6 =	sadd.s32 $0x20, s6;
	s5 =	sadd.s32 $0x1, s5;
	v50 =	vmul.f32 v50, v55;
	v51 =	vmul.f32 v53, v54;
	v49 =	vsub.f32 v0, v37  }
0xe7: {  	s8 =	sadd.s32 $0x20, s8;
	s9 =	sadd.s32 $0x20, s9;
	s7 =	sadd.s32 $0x100, s7;
	v35 =	vmax.f32 v35, v43;
	v43 =	vmul.f32 v52, v57;
	v39 =	vmul.f32 v56, v39  }
0xe8: {  	s4 =	simm.s32 $0x2  }
0xe9: {  	_ =	swait.ge [sflag:s4], $0x8000  }
0xea: {  	s11 =	simm.s32 $0x0;
	s5 =	simm.s32 $0x10000;
	v18 =	vmul.f32 v30, v18;
	[sflag:s4] =	ssyncset.done $0x0  }
0xeb: {  	v19 =	vmul.f32 v30, v19;
	v22 =	vmul.f32 v48, v33;
	s6 =	sand.u32 $0x60, s11;
	s7 =	sand.u32 $0x7C00, s11;
	[sflag:s4] =	ssyncadd.s32 $0xFFFF8000  }
0xec: {  	v0 =	vmax.f32 v28, v51;
	s8 =	simm.s32 $0x11000;
	v17 =	vmul.f32 v30, v17;
	v23 =	vmul.f32 v47, v49;
	s12 =	sor.u32 $0x8000, s7;
	s13 =	sor.u32 $0x10, s6;
	v51 =	vld [tilespmem:s5+$0x0]  }
0xed: {  	v21 =	vmax.f32 v41, v42;
	v28 =	vmul.f32 v44, v45;
	v40 =	vmul.f32 v27, v40;
	s14 =	sor.u32 s13, s12;
	v41 =	vld [tilespmem:s8+$0x0]  }
0xee: {  	v24 =	vbroadcast v8, $0x8;
	v18 =	vsub.f32 v18, v37;
	v19 =	vsub.f32 v19, v37;
	v33 =	vld [tilespmem:s14+$0x200]  }
0xef: {  	v30 =	vbroadcast v8, $0xA;
	v27 =	vbroadcast v8, $0xD;
	v17 =	vsub.f32 v17, v37;
	v62 =	vld [tilespmem:s14+$0x100]  }
0xf0: {  	v63 =	vld [tilespmem:s14+$0x280];
	v36 =	vmul.f32 v36, v19;
	v11 =	vmul.f32 v26, v18  }
0xf1: {  	v18 =	vmax.f32 v31, v22;
	v22 =	vmul.f32 v25, v17;
	v25 =	vbroadcast v8, $0x9;
	v15 =	vld [tilespmem:s14+$0x180]  }
0xf2: {  	v26 =	vbroadcast v8, $0xE;
	v31 =	vbroadcast v8, $0xC;
	v60 =	vld [tilespmem:s14+$0x0]  }
0xf3: {  	s19 =	simm.s32 $0x10020;
	v4 =	vld [tilespmem:s14+$0x80];
	v1 =	vmax.f32 v18, v28;
	v28 =	vbroadcast v8, $0xB;
	v18 =	vmax.f32 v21, v43  }
0xf4: {  	s5 =	sor.u32 s6, s12;
	v48 =	vld [tilespmem:s19+$0x0];
	v21 =	vmax.f32 v32, v40;
	v32 =	vbroadcast v8, $0xF;
	v61 =	vmul.f32 v51, v26  }
0xf5: {  	v12 =	vld [tilespmem:s5+$0x80];
	v6 =	vmul.f32 v51, v28;
	v7 =	vmul.f32 v51, v31  }
0xf6: {  	v13 =	vld [tilespmem:s5+$0x0];
	v9 =	vmul.f32 v51, v24;
	v52 =	vmul.f32 v51, v32  }
0xf7: {  	v20 =	vmax.f32 v38, v50;
	s15 =	sand.u32 $0x3, s11;
	v14 =	vld [tilespmem:s5+$0x100];
	v50 =	vcvt.s32.f32 v62;
	v10 =	vmul.f32 v51, v30  }
0xf8: {  	s4 =	sand.u32 $0xF80, s11;
	s6 =	sshll.u32 s15, $0x5;
	v8 =	vld [tilespmem:s5+$0x180];
	v5 =	vmax.f32 v34, v36;
	v34 =	vcvt.s32.f32 v63;
	v56 =	vcvt.s32.f32 v60  }
0xf9: {  	v19 =	vmax.f32 v0, v23;
	s4 =	sor.u32 s4, s13;
	s6 =	sadd.s32 $0x0, s6;
	v53 =	vld [tilespmem:s5+$0x200];
	v0 =	vcvt.s32.f32 v15;
	v62 =	vmul.f32 v51, v25  }
0xfa: {  	v54 =	vld [tilespmem:s4+$0x10000];
	v21 =	vmax.f32 v21, v39;
	s16 =	sadd.s32 $0x10, s6;
	s18 =	sor.u32 $0x380, s6;
	v63 =	vmul.f32 v51, v27;
	v47 =	vcvt.s32.f32 v4  }
0xfb: {  	v23 =	vmax.f32 v35, v11;
	s17 =	sor.u32 $0x300, s16;
	v3 =	vld [tilespmem:s18+$0x8000];
	v58 =	vcvt.s32.f32 v33;
	v16 =	vmul.f32 v48, v27  }
0xfc: {  	v22 =	vmax.f32 v29, v22;
	s7 =	sor.u32 $0x380, s16;
	v11 =	vld [tilespmem:s17+$0x8000];
	v29 =	vcvt.s32.f32 v13;
	v38 =	vcvt.s32.f32 v12  }
0xfd: {  	[tilespmem:$0x1FEE0] =	vst v1;
	v1 =	vld [tilespmem:s7+$0x8000];
	v12 =	vcvt.s32.f32 v14;
	v49 =	vcvt.s32.f32 v8;
	v36 =	vsub.f32 v6, v41  }
0xfe: {  	v53 =	vcvt.s32.f32 v53;
	v15 =	vsub.f32 v7, v41;
	v52 =	vsub.f32 v52, v41  }
0xff: {  	v35 =	vmul.f32 v54, v30;
	v40 =	vsub.f32 v61, v41;
	v2 =	vsub.f32 v10, v41  }
0x100: {  	v57 =	vld [tilespmem:s4+$0x11000];
	s9 =	sor.u32 $0x300, s6;
	v6 =	vmul.f32 v54, v32;
	v39 =	vsub.f32 v9, v41;
	v10 =	vcvt.s32.f32 v3  }
0x101: {  	[tilespmem:$0x1FEF0] =	vst v5;
	v13 =	vld [tilespmem:s9+$0x8000];
	v5 =	vsub.f32 v63, v41;
	v59 =	vcvt.s32.f32 v11;
	v33 =	vmul.f32 v12, v2  }
0x102: {  	v14 =	vld [tilespmem:s5+$0x280];
	v41 =	vsub.f32 v62, v41;
	v7 =	vcvt.s32.f32 v1;
	v51 =	vmul.f32 v29, v39  }
0x103: {  	v29 =	vmul.f32 v54, v31;
	v36 =	vmul.f32 v49, v36  }
0x104: {  	v55 =	vimm.f32 $0.0e+00;
	v39 =	vmul.f32 v53, v15;
	v11 =	vmul.f32 v38, v41  }
0x105: {  	s20 =	simm.s32 $0x100;
	s23 =	simm.s32 $0x11020;
	v20 =	vmax.f32 v20, v46;
	v12 =	vmul.f32 v54, v28;
	v15 =	vmul.f32 v48, v31  }
0x106: {  	s21 =	simm.s32 $0x20;
	v60 =	vld [tilespmem:s23+$0x0];
	s5 =	sand.u32 $0x7C00, s20;
	v9 =	vsub.f32 v6, v57;
	v6 =	vmul.f32 v48, v24;
	v49 =	vmul.f32 v48, v32  }
0x107: {  	s22 =	sand.u32 $0x60, s21;
	s5 =	sor.u32 $0x8000, s5;
	v4 =	vcvt.s32.f32 v13;
	v43 =	vcvt.s32.f32 v14;
	v61 =	vmax.f32 v55, v33  }
0x108: {  	s4 =	sor.u32 s22, s5;
	v63 =	vmax.f32 v55, v36;
	v33 =	vmul.f32 v10, v52;
	v29 =	vsub.f32 v29, v57  }
0x109: {  	s24 =	sor.u32 $0x10, s22;
	v46 =	vld [tilespmem:s4+$0x80];
	v52 =	vmul.f32 v48, v26;
	v2 =	vmax.f32 v55, v11;
	v14 =	vmul.f32 v48, v28  }
0x10a: {  	s25 =	sor.u32 s24, s5;
	v37 =	vld [tilespmem:s4+$0x0];
	v3 =	vsub.f32 v12, v57;
	v10 =	vmax.f32 v55, v39;
	v11 =	vsub.f32 v35, v57  }
0x10b: {  	v53 =	vld [tilespmem:s25+$0x280];
	v45 =	vsub.f32 v15, v60;
	v39 =	vmul.f32 v48, v30;
	v40 =	vmul.f32 v4, v40  }
0x10c: {  	v62 =	vld [tilespmem:s25+$0x200];
	v44 =	vsub.f32 v49, v60;
	v8 =	vmul.f32 v43, v5;
	v4 =	vmul.f32 v7, v9  }
0x10d: {  	s26 =	simm.s32 $0x1;
	v41 =	vld [tilespmem:s25+$0x180];
	v5 =	vmax.f32 v55, v33;
	v43 =	vmul.f32 v54, v27;
	v7 =	vmul.f32 v54, v26  }
0x10e: {  	s5 =	sand.u32 $0x3, s26;
	v13 =	vld [tilespmem:s25+$0x100];
	v42 =	vsub.f32 v14, v60;
	v58 =	vmul.f32 v58, v29;
	v0 =	vmul.f32 v0, v3  }
0x10f: {  	s5 =	sshll.u32 s5, $0x5;
	v35 =	vld [tilespmem:s25+$0x0];
	v15 =	vsub.f32 v39, v60;
	v49 =	vcvt.s32.f32 v37;
	v46 =	vcvt.s32.f32 v46  }
0x110: {  	s5 =	sadd.s32 $0x100, s5;
	v12 =	vld [tilespmem:s25+$0x80];
	v29 =	vcvt.s32.f32 v53;
	v53 =	vsub.f32 v6, v60;
	v1 =	vmax.f32 v55, v40  }
0x111: {  	s30 =	sor.u32 $0x300, s5;
	v9 =	vld [tilespmem:s4+$0x100];
	v38 =	vmax.f32 v55, v8;
	v40 =	vmul.f32 v54, v25;
	v54 =	vmul.f32 v54, v24  }
0x112: {  	s6 =	sand.u32 $0xF80, s21;
	v17 =	vld [tilespmem:s30+$0x8000];
	v14 =	vsub.f32 v43, v57;
	v8 =	vmax.f32 v55, v51;
	v3 =	vsub.f32 v7, v57  }
0x113: {  	s6 =	sor.u32 s6, s24;
	v37 =	vld [tilespmem:s4+$0x180];
	v7 =	vmul.f32 v50, v11;
	v33 =	vcvt.s32.f32 v13;
	v36 =	vsub.f32 v54, v57  }
0x114: {  	s28 =	sadd.s32 $0x10, s5;
	v43 =	vld [tilespmem:s6+$0x10000];
	v13 =	vsub.f32 v52, v60;
	v39 =	vcvt.s32.f32 v35;
	v40 =	vsub.f32 v40, v57  }
0x115: {  	s29 =	sor.u32 $0x300, s28;
	v52 =	vld [tilespmem:s4+$0x200];
	v57 =	vmax.f32 v63, v0;
	v3 =	vmul.f32 v59, v3;
	v6 =	vmul.f32 v56, v36  }
0x116: {  	v35 =	vld [tilespmem:s29+$0x8000];
	v7 =	vmax.f32 v61, v7;
	v9 =	vcvt.s32.f32 v9;
	v36 =	vcvt.s32.f32 v41  }
0x117: {  	s7 =	sor.u32 $0x380, s28;
	v47 =	vmul.f32 v47, v40;
	v56 =	vmul.f32 v48, v25;
	v40 =	vmax.f32 v8, v6;
	v6 =	vld [tilespmem:s4+$0x280]  }
0x118: {  	v54 =	vcvt.s32.f32 v37;
	v48 =	vmax.f32 v10, v58;
	v41 =	vcvt.s32.f32 v12;
	v10 =	vld [tilespmem:s7+$0x8000]  }
0x119: {  	v37 =	vld [tilespmem:s6+$0x11000];
	v11 =	vmul.f32 v43, v32;
	v50 =	vmul.f32 v9, v15;
	v51 =	vmax.f32 v2, v47  }
0x11a: {  	s31 =	sor.u32 $0x380, s5;
	v55 =	vcvt.s32.f32 v52;
	v2 =	vsub.f32 v16, v60;
	v47 =	vcvt.s32.f32 v62  }
0x11b: {  	v59 =	vld [tilespmem:s31+$0x8000];
	v35 =	vcvt.s32.f32 v35;
	v52 =	vmax.f32 v5, v4;
	v4 =	vcvt.s32.f32 v17  }
0x11c: {  	v60 =	vsub.f32 v56, v60;
	v62 =	vmul.f32 v34, v14;
	v12 =	vcvt.s32.f32 v6  }
0x11d: {  	s8 =	simm.s32 $0x40;
	s9 =	simm.s32 $0x10040;
	s5 =	simm.s32 $0x2;
	v34 =	vmax.f32 v7, v50;
	v50 =	vmax.f32 v1, v3;
	v63 =	vmul.f32 v4, v13  }
0x11e: {  	s6 =	simm.s32 $0x11040;
	s7 =	simm.s32 $0x200;
	s4 =	simm.s32 $0x2;
	v56 =	vcvt.s32.f32 v10;
	v58 =	vsub.f32 v11, v37;
	v61 =	vmul.f32 v12, v2  }
.LBB2_7:
0x11f: {  	s10 =	sand.u32 $0x60, s8;
	v0 =	vld [tilespmem:s9+$0x0];
	s11 =	sand.u32 $0x7C00, s7;
	s4 =	sadd.s32 $0x2, s4;
	v1 =	vmul.f32 v49, v53;
	v50 =	vmax.f32 v50, v63;
	v2 =	vmul.f32 v43, v31  }
0x120: {  	s14 =	sand.u32 $0xF80, s8;
	v3 =	vcvt.s32.f32 v59;
	v4 =	vmul.f32 v43, v30;
	v5 =	vmax.f32 v38, v62;
	s12 =	sor.u32 $0x8000, s11;
	s13 =	sor.u32 $0x10, s10  }
0x121: {  	v7 =	vmul.f32 v54, v42;
	v9 =	vmul.f32 v55, v45;
	v6 =	vld [tilespmem:s6+$0x0];
	s11 =	sor.u32 s10, s12;
	s10 =	sor.u32 s14, s13;
	s12 =	sor.u32 s13, s12  }
0x122: {  	v11 =	vmul.f32 v46, v60;
	p0 =	slt.u32 s4, $0xFE;
	v38 =	vmax.f32 v5, v61;
	v5 =	vmul.f32 v43, v28;
	s13 =	sand.u32 $0x3, s5;
	v10 =	vld [tilespmem:s12+$0x200]  }
0x123: {  	v7 =	vmax.f32 v57, v7;
	v3 =	vmul.f32 v3, v44;
	v2 =	vsub.f32 v2, v37;
	s13 =	sshll.u32 s13, $0x5;
	v12 =	vld [tilespmem:s12+$0x100]  }
0x124: {  	v15 =	vmul.f32 v43, v25;
	v11 =	vmax.f32 v51, v11;
	s13 =	sadd.s32 s13, s7;
	v13 =	vmul.f32 v0, v26;
	v14 =	vld [tilespmem:s12+$0x280]  }
0x125: {  	v56 =	vmul.f32 v56, v58;
	v5 =	vsub.f32 v5, v37;
	v17 =	vmul.f32 v0, v28;
	s14 =	sor.u32 $0x300, s13;
	s15 =	sor.u32 $0x380, s13;
	s13 =	sadd.s32 $0x10, s13;
	v16 =	vld [tilespmem:s11+$0x80]  }
0x126: {  	v51 =	vmul.f32 v43, v27;
	v3 =	vmax.f32 v52, v3;
	v44 =	vmul.f32 v0, v31;
	s16 =	sor.u32 $0x300, s13;
	s13 =	sor.u32 $0x380, s13;
	v46 =	vld [tilespmem:s11+$0x0]  }
0x127: {  	v52 =	vmul.f32 v0, v24;
	v42 =	vsub.f32 v17, v6;
	v17 =	vmul.f32 v43, v26;
	v53 =	vld [tilespmem:s11+$0x100]  }
0x128: {  	v9 =	vmax.f32 v48, v9;
	v4 =	vsub.f32 v4, v37;
	v49 =	vmul.f32 v0, v32;
	v54 =	vld [tilespmem:s12+$0x180]  }
0x129: {  	v45 =	vsub.f32 v44, v6;
	v43 =	vmul.f32 v43, v24;
	v12 =	vcvt.s32.f32 v12;
	v48 =	vld [tilespmem:s12+$0x0]  }
0x12a: {  	v2 =	vmul.f32 v47, v2;
	v55 =	vmul.f32 v0, v30;
	v44 =	vsub.f32 v49, v6;
	v57 =	vld [tilespmem:s12+$0x80]  }
0x12b: {  	v13 =	vsub.f32 v13, v6;
	v49 =	vcvt.s32.f32 v46;
	v46 =	vcvt.s32.f32 v16;
	v16 =	vld [tilespmem:s11+$0x180]  }
0x12c: {  	v61 =	vsub.f32 v51, v37;
	v58 =	vsub.f32 v43, v37;
	v14 =	vcvt.s32.f32 v14;
	v47 =	vld [tilespmem:s11+$0x200]  }
0x12d: {  	v15 =	vsub.f32 v15, v37;
	v63 =	vsub.f32 v55, v6;
	v62 =	vcvt.s32.f32 v53;
	v59 =	vld [tilespmem:s15+$0x8000]  }
0x12e: {  	v51 =	vmul.f32 v39, v58;
	v53 =	vsub.f32 v52, v6;
	v43 =	vld [tilespmem:s10+$0x10000];
	v39 =	vcvt.s32.f32 v48  }
0x12f: {  	v1 =	vmax.f32 v40, v1;
	v15 =	vmul.f32 v41, v15;
	v52 =	vcvt.s32.f32 v54;
	v58 =	vld [tilespmem:s16+$0x8000]  }
0x130: {  	v60 =	vmul.f32 v0, v25;
	v0 =	vmul.f32 v0, v27;
	v40 =	vmax.f32 v1, v51;
	v8 =	vld [tilespmem:s14+$0x8000]  }
0x131: {  	v51 =	vmax.f32 v11, v15;
	v48 =	vmax.f32 v9, v2;
	v54 =	vcvt.s32.f32 v16;
	v1 =	vld [tilespmem:s11+$0x280]  }
0x132: {  	v0 =	vsub.f32 v0, v6;
	v41 =	vcvt.s32.f32 v57;
	v55 =	vcvt.s32.f32 v47;
	v2 =	vld [tilespmem:s13+$0x8000]  }
0x133: {  	v5 =	vmul.f32 v36, v5;
	v9 =	vsub.f32 v17, v37;
	v36 =	vmovc v52;
	v47 =	vcvt.s32.f32 v10;
	v37 =	vld [tilespmem:s10+$0x11000]  }
0x134: {  	v4 =	vmul.f32 v33, v4;
	v33 =	vmovc v12;
	v52 =	vmax.f32 v3, v56;
	v10 =	vcvt.s32.f32 v58  }
.Ltmp3:
0x135: {  	v57 =	vmax.f32 v7, v5;
	v3 =	vcvt.s32.f32 v8;
	v8 =	vmul.f32 v43, v32;
	(pc) =	sbr.rel @p0 .LBB2_7-.Ltmp3, $4  }
0x136: {  	v60 =	vsub.f32 v60, v6;
	v5 =	vmul.f32 v35, v9;
	v1 =	vcvt.s32.f32 v1;
	v35 =	vmovc v10  }
0x137: {  	v6 =	vmul.f32 v62, v63;
	v56 =	vcvt.s32.f32 v2;
	v2 =	vmax.f32 v34, v4  }
0x138: {  	s5 =	sadd.s32 $0x1, s5;
	s6 =	sadd.s32 $0x20, s6;
	v62 =	vmul.f32 v29, v61;
	v29 =	vmovc v14;
	v63 =	vmul.f32 v3, v13;
	v58 =	vsub.f32 v8, v37  }
0x139: {  	s8 =	sadd.s32 $0x20, s8;
	s9 =	sadd.s32 $0x20, s9;
	s7 =	sadd.s32 $0x100, s7;
	v50 =	vmax.f32 v50, v5;
	v34 =	vmax.f32 v2, v6;
	v61 =	vmul.f32 v1, v0  }
0x13a: {  	v0 =	vmul.f32 v49, v53  }
0x13b: {  	v1 =	vmul.f32 v43, v31;
	v2 =	vcvt.s32.f32 v59  }
0x13c: {  	v3 =	vmul.f32 v43, v30;
	v5 =	vmul.f32 v54, v42  }
0x13d: {  	v6 =	vmul.f32 v55, v45;
	v7 =	vmul.f32 v46, v60  }
0x13e: {  	v32 =	vmax.f32 v50, v63;
	v31 =	vmul.f32 v43, v28;
	v42 =	vmul.f32 v43, v25  }
0x13f: {  	v4 =	vmax.f32 v38, v62;
	v9 =	vmul.f32 v56, v58;
	v10 =	vmul.f32 v43, v27  }
0x140: {  	v11 =	vmul.f32 v43, v26;
	v12 =	vmul.f32 v43, v24;
	v13 =	vimm.s32 $0xEFCDAB89  }
0x141: {  	v14 =	vimm.s32 $0x67452301;
	v15 =	vimm.s32 $0xDCFE98BA;
	v16 =	vimm.s32 $0x54761032  }
0x142: {  	v45 =	vimm.s32 $0xBA98FEDC;
	v17 =	vimm.s32 $0x32107654;
	v55 =	vimm.s32 $0xFEDCBA98  }
0x143: {  	v56 =	vimm.s32 $0x76543210;
	vm0 =	vmmov $0x1;
	vm1 =	vmmov $0x3  }
0x144: {  	vm2 =	vmmov $0x7;
	vm3 =	vmmov $0xf;
	vm10 =	vmmov $0x1f  }
0x145: {  	vm4 =	vmmov $0x3f;
	vm5 =	vmmov $0x7f;
	vm8 =	vmmov $0xff  }
0x146: {  	vm11 =	vmmov $0x1ff;
	vm12 =	vmmov $0x3ff;
	vm7 =	vmmov $0x7ff  }
0x147: {  	vm6 =	vmmov $0xfff;
	vm9 =	vmmov $0x1fff;
	vm13 =	vmmov $0x3fff  }
0x148: {  	v30 =	vmax.f32 v4, v61;
	v13 =	vunpack.c.l.s4.s8 v13;
	v14 =	vunpack.c.l.s4.s8 v14  }
0x149: {  	v15 =	vunpack.c.l.s4.s8 v15;
	v16 =	vunpack.c.l.s4.s8 v16;
	v46 =	vunpack.c.l.s4.s8 v45  }
0x14a: {  	v59 =	vunpack.c.l.s4.s8 v56;
	v8 =	vmax.f32 v57, v5;
	v2 =	vmul.f32 v2, v44  }
0x14b: {  	v1 =	vsub.f32 v1, v37;
	v38 =	vmax.f32 v51, v7;
	v4 =	vsub.f32 v31, v37  }
0x14c: {  	v6 =	vmax.f32 v48, v6;
	v3 =	vsub.f32 v3, v37;
	v12 =	vsub.f32 v12, v37  }
0x14d: {  	v10 =	vsub.f32 v10, v37;
	v7 =	vsub.f32 v42, v37;
	v0 =	vmax.f32 v40, v0  }
0x14e: {  	v11 =	vsub.f32 v11, v37;
	v13 =	vunpack.c.0.s8.s32 v13;
	v14 =	vunpack.c.0.s8.s32 v14  }
0x14f: {  	v62 =	vld [tilespmem:$0x1FFF0];
	v43 =	vunpack.c.0.s8.s32 v15;
	v44 =	vunpack.c.0.s8.s32 v16;
	v1 =	vmul.f32 v47, v1  }
0x150: {  	v48 =	vld [tilespmem:$0x1FF80];
	v51 =	vunpack.c.0.s8.s32 v46;
	v12 =	vmul.f32 v39, v12;
	v7 =	vmul.f32 v41, v7  }
0x151: {  	v57 =	vld [tilespmem:$0x1FFE0];
	v2 =	vmax.f32 v52, v2;
	v4 =	vmul.f32 v36, v4;
	v31 =	vmul.f32 v33, v3  }
0x152: {  	v16 =	vld [tilespmem:$0x1FF00];
	v47 =	vunpack.c.l.s4.s8 v17;
	v11 =	vmul.f32 v35, v11;
	v13 =	vcombine.low v14, v13  }
0x153: {  	v39 =	vld [tilespmem:$0x1FFA0];
	v10 =	vmul.f32 v29, v10;
	v50 =	vcombine.low v44, v43;
	v27 =	vmax.f32 v0, v12  }
0x154: {  	v28 =	vmax.f32 v38, v7;
	v52 =	vunpack.c.0.s8.s32 v47;
	v24 =	vand.u32 $0xF, v13  }
0x155: {  	v43 =	vld [tilespmem:$0x1FFD0];
	v26 =	vmax.f32 v6, v1;
	v7 =	vunpack.c.l.s4.s8 v55;
	v49 =	vperm.xlane v48, v24  }
0x156: {  	v1 =	vunpack.c.0.s8.s32 v59;
	v54 =	vcombine.low v52, v51;
	v58 =	vperm.xlane v57, v24  }
0x157: {  	v5 =	vand.u32 $0xF, v50;
	v63 =	vperm.xlane v62, v24;
	v17 =	vperm.xlane v16, v24  }
0x158: {  	v60 =	vunpack.c.0.s8.s32 v7;
	v29 =	vperm.xlane v20, v24;
	v40 =	vperm.xlane v39, v24  }
0x159: {  	v0 =	vmax.f32 v48, v49;
	v25 =	vand.u32 $0xF, v54;
	v61 =	vmax.f32 v57, v58  }
0x15a: {  	v6 =	vand.u32 $0xF, v60;
	v44 =	vperm.xlane v43, v24;
	v53 =	vperm.xlane v0, v5  }
0x15b: {  	v38 =	vmax.f32 v62, v63;
	v49 =	vld [tilespmem:$0x1FFB0];
	v13 =	vperm.xlane v61, v5;
	v7 =	vcombine.low v6, v1  }
0x15c: {  	v60 =	vld [tilespmem:$0x1FFC0];
	v14 =	vperm.xlane v38, v5;
	v6 =	vmax.f32 v2, v9;
	v2 =	vmax.f32 v39, v40  }
0x15d: {  	v42 =	vperm.xlane v2, v5;
	v46 =	vmax.f32 v43, v44;
	v0 =	vmax.f32 v0, v53  }
0x15e: {  	v39 =	vld [tilespmem:$0x1FF50];
	v36 =	vmax.f32 v61, v13;
	v12 =	vmax.f32 v38, v14;
	v48 =	vperm.xlane v46, v5  }
0x15f: {  	v33 =	vperm.xlane v0, v25;
	v13 =	vperm.xlane v36, v25;
	v2 =	vmax.f32 v2, v42  }
0x160: {  	v3 =	vmax.f32 v8, v4;
	v53 =	vld [tilespmem:$0x1FF90];
	v14 =	vperm.xlane v12, v25;
	v47 =	vperm.xlane v2, v25  }
0x161: {  	v50 =	vperm.xlane v49, v24;
	v4 =	vmax.f32 v46, v48;
	v61 =	vperm.xlane v60, v24  }
0x162: {  	v0 =	vmax.f32 v0, v33;
	v1 =	vmax.f32 v36, v13;
	v51 =	vperm.xlane v4, v25  }
0x163: {  	v44 =	vld [tilespmem:$0x1FF40];
	v45 =	vmax.f32 v12, v14;
	v40 =	vperm.xlane v39, v24;
	v41 =	vperm.xlane v0, v7  }
0x164: {  	v13 =	vperm.xlane v1, v7;
	v12 =	vperm.xlane v45, v7;
	v2 =	vmax.f32 v2, v47  }
0x165: {  	vm15 =	vmmov $0x7fff;
	v46 =	vld [tilespmem:$0x1FF20];
	v8 =	vperm.xlane v2, v7;
	v54 =	vperm.xlane v53, v24  }
0x166: {  	v4 =	vmax.f32 v4, v51;
	v0 =	vmax.f32 v0, v41;
	v1 =	vmax.f32 v1, v13  }
0x167: {  	v9 =	vmax.f32 v45, v12;
	v55 =	vperm.xlane v4, v7;
	v41 =	vmax.f32 v39, v40  }
0x168: {  	v45 =	vperm.xlane v44, v24;
	v0 =	vsel vm0, v0, v1;
	v1 =	vmax.f32 v49, v50  }
0x169: {  	v2 =	vmax.f32 v2, v8;
	v56 =	vmax.f32 v53, v54;
	v15 =	vperm.xlane v41, v5  }
0x16a: {  	v47 =	vperm.xlane v46, v24;
	v52 =	vperm.xlane v1, v5;
	v0 =	vsel vm1, v0, v9  }
0x16b: {  	v58 =	vperm.xlane v56, v5;
	v59 =	vmax.f32 v4, v55;
	v4 =	vmax.f32 v60, v61  }
0x16c: {  	v49 =	vmax.f32 v44, v45;
	v0 =	vsel vm2, v0, v2;
	v63 =	vperm.xlane v4, v5  }
0x16d: {  	v60 =	vld [tilespmem:$0x1FF60];
	v43 =	vmax.f32 v41, v15;
	v50 =	vperm.xlane v49, v5;
	v1 =	vmax.f32 v1, v52  }
0x16e: {  	v9 =	vmax.f32 v56, v58;
	v0 =	vsel vm3, v0, v59;
	v52 =	vld [tilespmem:$0x1FF70];
	v57 =	vperm.xlane v1, v25  }
0x16f: {  	v13 =	vperm.xlane v9, v25;
	v2 =	vmax.f32 v4, v63;
	v55 =	vmax.f32 v49, v50  }
0x170: {  	v49 =	vperm.xlane v18, v24;
	v4 =	vperm.xlane v2, v25;
	v62 =	vmax.f32 v1, v57  }
0x171: {  	v1 =	vmax.f32 v34, v31;
	v9 =	vmax.f32 v9, v13;
	v31 =	vld [tilespmem:$0x1FF10];
	v12 =	vperm.xlane v62, v7  }
0x172: {  	v61 =	vperm.xlane v60, v24;
	v13 =	vperm.xlane v9, v7;
	v2 =	vmax.f32 v2, v4  }
0x173: {  	v36 =	vperm.xlane v2, v7;
	v53 =	vperm.xlane v52, v24;
	v8 =	vmax.f32 v62, v12  }
0x174: {  	v12 =	vmax.f32 v16, v17;
	v9 =	vmax.f32 v9, v13;
	v13 =	vperm.xlane v43, v25  }
0x175: {  	v0 =	vsel vm10, v0, v8;
	v34 =	vperm.xlane v12, v5;
	v2 =	vmax.f32 v2, v36  }
0x176: {  	v56 =	vmax.f32 v52, v53;
	v33 =	vperm.xlane v31, v24;
	v9 =	vsel vm4, v0, v9  }
0x177: {  	v0 =	vmax.f32 v32, v11;
	v11 =	vperm.xlane v55, v25;
	v58 =	vperm.xlane v56, v5  }
0x178: {  	v8 =	vmax.f32 v12, v34;
	v9 =	vsel vm5, v9, v2;
	v2 =	vmax.f32 v30, v10  }
0x179: {  	v10 =	vmax.f32 v60, v61;
	v61 =	vld [tilespmem:$0x1FEF0];
	v35 =	vmax.f32 v31, v33;
	v38 =	vperm.xlane v8, v25  }
0x17a: {  	v48 =	vmax.f32 v43, v13;
	v30 =	vperm.xlane v23, v24;
	v31 =	vld [tilespmem:$0x1FF30];
	v37 =	vperm.xlane v35, v5  }
0x17b: {  	v59 =	vmax.f32 v55, v11;
	v62 =	vperm.xlane v10, v5;
	v8 =	vmax.f32 v8, v38  }
0x17c: {  	v11 =	vperm.xlane v59, v7;
	v4 =	vmax.f32 v35, v37;
	v14 =	vperm.xlane v8, v7  }
0x17d: {  	v10 =	vmax.f32 v10, v62;
	v38 =	vperm.xlane v22, v24;
	v12 =	vperm.xlane v4, v25  }
0x17e: {  	v17 =	vperm.xlane v10, v25;
	v62 =	vperm.xlane v61, v24;
	v8 =	vmax.f32 v8, v14  }
0x17f: {  	v32 =	vperm.xlane v31, v24;
	v4 =	vmax.f32 v4, v12;
	v8 =	vsel vm8, v9, v8  }
0x180: {  	v12 =	vperm.xlane v48, v7;
	v9 =	vmax.f32 v46, v47;
	v46 =	vperm.xlane v21, v24  }
0x181: {  	v42 =	vperm.xlane v4, v7;
	v51 =	vperm.xlane v9, v5;
	v35 =	vmax.f32 v31, v32  }
0x182: {  	v54 =	vmax.f32 v48, v12;
	v12 =	vmax.f32 v56, v58;
	v37 =	vperm.xlane v35, v5  }
0x183: {  	v4 =	vmax.f32 v4, v42;
	v9 =	vmax.f32 v9, v51;
	v14 =	vperm.xlane v12, v25  }
0x184: {  	v42 =	vperm.xlane v19, v24;
	v4 =	vsel vm11, v8, v4;
	v57 =	vperm.xlane v9, v25  }
0x185: {  	v8 =	vmax.f32 v59, v11;
	v11 =	vmax.f32 v20, v29;
	v29 =	vperm.xlane v28, v24  }
0x186: {  	v4 =	vsel vm12, v4, v54;
	v16 =	vmax.f32 v12, v14;
	v34 =	vperm.xlane v11, v5  }
0x187: {  	v45 =	vmax.f32 v19, v42;
	v19 =	vmax.f32 v61, v62;
	v9 =	vmax.f32 v9, v57  }
0x188: {  	v4 =	vsel vm7, v4, v8;
	v12 =	vperm.xlane v16, v7;
	v48 =	vperm.xlane v45, v5  }
0x189: {  	v8 =	vmax.f32 v10, v17;
	v13 =	vperm.xlane v9, v7;
	v11 =	vmax.f32 v11, v34  }
0x18a: {  	v33 =	vperm.xlane v8, v7;
	v14 =	vperm.xlane v11, v25;
	v50 =	vmax.f32 v45, v48  }
0x18b: {  	v63 =	vmax.f32 v9, v13;
	v9 =	vmax.f32 v16, v12;
	v12 =	vmax.f32 v23, v30  }
0x18c: {  	v57 =	vld [tilespmem:$0x1FEE0];
	v8 =	vmax.f32 v8, v33;
	v53 =	vperm.xlane v50, v25;
	v16 =	vmax.f32 v18, v49  }
0x18d: {  	v33 =	vperm.xlane v1, v24;
	v49 =	vperm.xlane v0, v24;
	v4 =	vsel vm6, v4, v63  }
0x18e: {  	v36 =	vperm.xlane v12, v5;
	v11 =	vmax.f32 v11, v14;
	v55 =	vperm.xlane v16, v5  }
0x18f: {  	v14 =	vmax.f32 v21, v46;
	v21 =	vperm.xlane v19, v5;
	v46 =	vperm.xlane v26, v24  }
0x190: {  	v4 =	vsel vm9, v4, v9;
	v9 =	vmax.f32 v35, v37;
	v43 =	vperm.xlane v11, v7  }
0x191: {  	v51 =	vperm.xlane v14, v5;
	v58 =	vperm.xlane v57, v24;
	v1 =	vmax.f32 v1, v33  }
0x192: {  	v0 =	vmax.f32 v0, v49;
	v10 =	vmax.f32 v12, v36;
	v40 =	vperm.xlane v9, v25  }
0x193: {  	v12 =	vmax.f32 v22, v38;
	v4 =	vsel vm13, v4, v8;
	v13 =	vmax.f32 v16, v55  }
0x194: {  	v22 =	vperm.xlane v27, v24;
	v23 =	vmax.f32 v19, v21;
	v35 =	vperm.xlane v1, v5  }
0x195: {  	v38 =	vperm.xlane v3, v24;
	v48 =	vmax.f32 v26, v46;
	v39 =	vperm.xlane v10, v25  }
0x196: {  	v41 =	vperm.xlane v12, v5;
	v54 =	vmax.f32 v14, v51;
	v59 =	vperm.xlane v13, v25  }
0x197: {  	v16 =	vmax.f32 v57, v58;
	v31 =	vperm.xlane v23, v25;
	v51 =	vperm.xlane v6, v24  }
0x198: {  	v14 =	vperm.xlane v54, v25;
	v60 =	vperm.xlane v16, v5;
	v9 =	vmax.f32 v9, v40  }
0x199: {  	v1 =	vmax.f32 v1, v35;
	v3 =	vmax.f32 v3, v38;
	v12 =	vmax.f32 v12, v41  }
0x19a: {  	v10 =	vmax.f32 v10, v39;
	v40 =	vperm.xlane v1, v25;
	v47 =	vperm.xlane v12, v25  }
0x19b: {  	v8 =	vmax.f32 v11, v43;
	v42 =	vperm.xlane v3, v5;
	v44 =	vperm.xlane v10, v7  }
0x19c: {  	v6 =	vmax.f32 v6, v51;
	v16 =	vmax.f32 v16, v60;
	v11 =	vmax.f32 v12, v47  }
0x19d: {  	v20 =	vperm.xlane v16, v25;
	v10 =	vmax.f32 v10, v44;
	v52 =	vperm.xlane v11, v7  }
0x19e: {  	v1 =	vmax.f32 v1, v40;
	v12 =	vmax.f32 v50, v53;
	v8 =	vsel vm0, v8, v10  }
0x19f: {  	v56 =	vperm.xlane v12, v7;
	v10 =	vmax.f32 v54, v14;
	v11 =	vmax.f32 v11, v52  }
0x1a0: {  	v14 =	vperm.xlane v10, v7;
	v8 =	vsel vm1, v8, v11;
	v11 =	vmax.f32 v13, v59  }
0x1a1: {  	v3 =	vmax.f32 v3, v42;
	v12 =	vmax.f32 v12, v56;
	v63 =	vperm.xlane v11, v7  }
0x1a2: {  	v43 =	vperm.xlane v1, v7;
	v10 =	vmax.f32 v10, v14;
	v8 =	vsel vm2, v8, v12  }
0x1a3: {  	v44 =	vperm.xlane v9, v7;
	v8 =	vsel vm3, v8, v10;
	v11 =	vmax.f32 v11, v63  }
0x1a4: {  	v45 =	vperm.xlane v3, v25;
	v8 =	vsel vm10, v8, v11;
	v11 =	vmax.f32 v27, v22  }
0x1a5: {  	v47 =	vperm.xlane v2, v24;
	v13 =	vmax.f32 v28, v29;
	v32 =	vperm.xlane v11, v5  }
0x1a6: {  	v50 =	vperm.xlane v48, v5;
	v1 =	vmax.f32 v1, v43;
	v34 =	vperm.xlane v13, v5  }
0x1a7: {  	v12 =	vmax.f32 v23, v31;
	v10 =	vmax.f32 v16, v20;
	v11 =	vmax.f32 v11, v32  }
0x1a8: {  	v15 =	vperm.xlane v12, v7;
	v13 =	vmax.f32 v13, v34;
	v16 =	vperm.xlane v11, v25  }
0x1a9: {  	v3 =	vmax.f32 v3, v45;
	v30 =	vperm.xlane v10, v7;
	v37 =	vperm.xlane v13, v25  }
0x1aa: {  	v2 =	vmax.f32 v2, v47;
	v36 =	vmax.f32 v12, v15;
	v11 =	vmax.f32 v11, v16  }
0x1ab: {  	v10 =	vmax.f32 v10, v30;
	v12 =	vmax.f32 v13, v37;
	v39 =	vperm.xlane v11, v7  }
0x1ac: {  	v53 =	vperm.xlane v2, v5;
	v8 =	vsel vm4, v8, v10;
	v41 =	vperm.xlane v12, v7  }
0x1ad: {  	v52 =	vperm.xlane v3, v7;
	v8 =	vsel vm5, v8, v36;
	v11 =	vmax.f32 v11, v39  }
0x1ae: {  	v2 =	vmax.f32 v2, v53;
	v10 =	vmax.f32 v12, v41;
	v8 =	vsel vm8, v8, v11  }
0x1af: {  	v11 =	vperm.xlane v0, v5;
	v8 =	vsel vm11, v8, v10;
	v10 =	vmax.f32 v48, v50  }
0x1b0: {  	v3 =	vmax.f32 v3, v52;
	v5 =	vperm.xlane v6, v5;
	v54 =	vperm.xlane v10, v25  }
0x1b1: {  	v55 =	vperm.xlane v2, v25;
	v1 =	vsel vm12, v8, v1;
	v0 =	vmax.f32 v0, v11  }
0x1b2: {  	v5 =	vmax.f32 v6, v5;
	v56 =	vperm.xlane v0, v25;
	v8 =	vmax.f32 v10, v54  }
0x1b3: {  	v2 =	vmax.f32 v2, v55;
	v58 =	vperm.xlane v5, v25;
	v57 =	vperm.xlane v8, v7  }
0x1b4: {  	v59 =	vperm.xlane v2, v7;
	v1 =	vsel vm7, v1, v3;
	v0 =	vmax.f32 v0, v56  }
0x1b5: {  	v5 =	vmax.f32 v5, v58;
	v60 =	vperm.xlane v0, v7;
	v6 =	vmax.f32 v8, v57  }
0x1b6: {  	v2 =	vmax.f32 v2, v59;
	v61 =	vperm.xlane v5, v7;
	v1 =	vsel vm6, v1, v6  }
0x1b7: {  	v9 =	vmax.f32 v9, v44;
	v0 =	vmax.f32 v0, v60;
	v1 =	vsel vm9, v1, v2  }
0x1b8: {  	v62 =	vsel vm15, v4, v9;
	v63 =	vmax.f32 v5, v61;
	v0 =	vsel vm13, v1, v0  }
0x1b9: {  	s2 =	sadd.s32 s3, s2;
	[tilespmem:$0x12080] =	vst v62;
	v0 =	vsel vm15, v0, v63  }
0x1ba: {  	s30 =	simm.s32 $0x0;
	s4 =	simm.s32 $0x12080;
	s31 =	simm.s32 $0x3;
	[tilespmem:$0x12090] =	vst v0  }
0x1bb: {  	[hbm4b:s2+s30] =	stream.linear.scatter [tilespmem:s4], [sflag:$0x3], $0x20, $0x38;
	[tilespmem:$0x12100] =	vst v63  }
0x1bc: {  	_ =	swait.ge [sflag:s31], $0x20  }
0x1bd: {  	[sflag:s31] =	ssyncset.done $0x0  }
0x1be: {  	[sflag:s31] =	ssyncadd.s32 $0xFFFFFFE0  }
0x1bf: {  	_ =	sfence.sel $0x180000  }
0x1c0: {  	[bflag:$0x0] =	sbarrier.arrive $0xFFFF  }
0x1c1: {  	p0 =	sne.s32 s1, $0x0;
	_ =	strace $0x90000047  }
0x1c2: {  	s0 =	sadd.s32 @!p0 $0x100000, s0;
	[bflag:$0x2] =	sbarrier.arrive $0xFFFF  }
0x1c3: {  	[sflag:s0] =	ssyncadd.tile.s32 @!p0 $0x1;
	_ =	shalt  }
.Lfunc_end2:
_tile_overlayer_lowered:
.L_overlay_start_2:
0x1c4: {  	(tag) =	ssettag $0x2  }
0x1c5: {  	s0 =	rddreg [dreg:$0x0];
	s2 =	stileid.u32  }
0x1c6: {  	s1 =	rddreg [dreg:$0x1];
	p0 =	sne.s32 s2, $0x0  }
0x1c7: {  	s3 =	rddreg [dreg:$0x2];
	[bflag:$0x3] =	sbarrier.arrive $0xFFFF;
	s2 =	simm.s32 @!p0 $0x1C03  }
0x1c8: {  	[timem:s3], [sflag:s2] =	dma.local @!p0 [hbm:s0], s1  }
0x1c9: {  	s0 =	simm.s32 @!p0 $0x3  }
0x1ca: {  	_ =	swait.ge @!p0 [sflag:s0], s1  }
0x1cb: {  	s1 =	ssub.s32 @!p0 $0x0, s1;
	[sflag:s0] =	ssyncset.done @!p0 $0x0  }
0x1cc: {  	[sflag:s0] =	ssyncadd.s32 @!p0 s1  }
0x1cd: {  	[bflag:$0x3] =	sbarrier.arrive $0xFFFF  }
0x1ce: {  	_ =	shalt  }

</sc_bundles>
